<compile_context>
chip_gen: v7x
topology: tpu7x:2x2x1
jax: 0.10.2.dev20260603
libtpu: 0.0.44.dev20260713+nightly
codegen_flags: <defaults>
</compile_context>

<pallas_src>
import functools

import jax
import jax.numpy as jnp
import numpy as np
from jax import lax
from jax.experimental import pallas as pl
from jax.experimental.pallas import tpu as pltpu
from jax.experimental.pallas import tpu_sc as plsc

N = 8192
M = 8192
D = 16
K = 16

BX = 512
CY = 1024
NX = N // BX
NCY = M // CY

_INF = 1e30
_BIGI = 1e9



HCY = CY // 2


def _topk_body(xblo, xbhi, yblo, ybhi, xa_ref, yt_ref, xbf_ref, ybf_ref,
               oidx_ref, pbuf, ipbuf, qbuf, iqbuf):
    i = pl.program_id(0)
    j = pl.program_id(1)

    @pl.when(j == 0)
    def _init():
        pbuf[:, HCY:] = jnp.full((BX, K), _INF, dtype=jnp.float32)
        ipbuf[:, HCY:] = jnp.zeros((BX, K), dtype=jnp.float32)

    overlap = (xblo[i] <= ybhi[j]) & (yblo[j] <= xbhi[i])

    @pl.when(overlap)
    def _merge():
        xa = xa_ref[...]
        yt = yt_ref[...]
        dot = lax.dot_general(xa, yt, (((1,), (0,)), ((), ())),
                              preferred_element_type=jnp.float32)
        sx = jnp.sum(xa * xa, axis=1, keepdims=True)
        sy = jnp.sum(yt * yt, axis=0, keepdims=True)
        d2 = (sx + sy) - 2.0 * dot
        pen = jnp.where(xbf_ref[...] != ybf_ref[...], 1e10, 0.0).astype(jnp.float32)
        d2p = d2 + pen

        colbase = (j * CY).astype(jnp.float32)
        il = (lax.broadcasted_iota(jnp.int32, (BX, HCY), 1)
              .astype(jnp.float32) + colbase)
        lo = d2p[:, :HCY]
        hi = d2p[:, HCY:]
        selp = lo <= hi
        pbuf[:, :HCY] = jnp.where(selp, lo, hi)
        qbuf[...] = jnp.where(selp, hi, lo)
        ipbuf[:, :HCY] = jnp.where(selp, il, il + HCY)
        iqbuf[...] = jnp.where(selp, il + HCY, il)

        lane = lax.broadcasted_iota(jnp.int32, (BX, K), 1)

        def rnd(r, c):
            ev, ei = c
            p = pbuf[...]
            mm = jnp.min(p, axis=1, keepdims=True)
            sel = p <= mm
            ip = ipbuf[...]
            ii = jnp.min(jnp.where(sel, ip, _BIGI), axis=1, keepdims=True)
            q = qbuf[...]
            sel_c = sel[:, :HCY]
            pbuf[:, :HCY] = jnp.where(sel_c, q, p[:, :HCY])
            pbuf[:, HCY:] = jnp.where(sel[:, HCY:], _INF, p[:, HCY:])
            ipbuf[:, :HCY] = jnp.where(sel_c, iqbuf[...], ip[:, :HCY])
            qbuf[...] = jnp.where(sel_c, _INF, q)
            ev = jnp.where(lane == r, mm, ev)
            ei = jnp.where(lane == r, ii, ei)
            return (ev, ei)

        ev, ei = lax.fori_loop(
            0, K, rnd,
            (jnp.zeros((BX, K), jnp.float32), jnp.zeros((BX, K), jnp.float32)),
            unroll=16)
        pbuf[:, HCY:] = ev
        ipbuf[:, HCY:] = ei

    @pl.when(j == NCY - 1)
    def _out():
        oidx_ref[...] = ipbuf[:, HCY:].astype(jnp.int32)


def _run_topk(xa, yt, xbf, ybf, xblo, xbhi, yblo, ybhi):
    grid_spec = pltpu.PrefetchScalarGridSpec(
        num_scalar_prefetch=4,
        grid=(NX, NCY),
        in_specs=[
            pl.BlockSpec((BX, 8), lambda i, j, *_: (i, 0)),
            pl.BlockSpec((8, CY), lambda i, j, *_: (0, j)),
            pl.BlockSpec((BX, 1), lambda i, j, *_: (i, 0)),
            pl.BlockSpec((1, CY), lambda i, j, *_: (0, j)),
        ],
        out_specs=pl.BlockSpec((BX, K), lambda i, j, *_: (i, 0)),
        scratch_shapes=[
            pltpu.VMEM((BX, HCY + K), jnp.float32),
            pltpu.VMEM((BX, HCY + K), jnp.float32),
            pltpu.VMEM((BX, HCY), jnp.float32),
            pltpu.VMEM((BX, HCY), jnp.float32),
        ],
    )
    return pl.pallas_call(
        _topk_body,
        grid_spec=grid_spec,
        out_shape=jax.ShapeDtypeStruct((N, K), jnp.int32),
    )(xblo, xbhi, yblo, ybhi, xa, yt, xbf, ybf)



_NW = 32
_BPW = (N * K) // _NW
_HALF = _BPW // 2
_GCH = 128


def _sc_gather_body(tab_hbm, idx_hbm, out_hbm, idx_v, rows_v, sem):
    wid = lax.axis_index("s") * 2 + lax.axis_index("c")
    base = wid * _BPW
    pltpu.sync_copy(idx_hbm.at[pl.ds(base, _BPW)], idx_v)
    for h in range(2):
        hoff = h * _HALF
        copies = []
        for c in range(_HALF // _GCH):
            src = tab_hbm.at[idx_v.at[pl.ds(hoff + c * _GCH, _GCH)]]
            dst = rows_v.at[pl.ds(c * _GCH, _GCH)]
            copies.append(pltpu.async_copy(src, dst, sem))
        for cp in copies:
            cp.wait()
        pltpu.sync_copy(rows_v, out_hbm.at[pl.ds(base + hoff, _HALF)])


def _run_gather(tab, idxf):
    mesh = plsc.VectorSubcoreMesh(core_axis_name="c", subcore_axis_name="s")
    kfn = functools.partial(
        pl.kernel,
        mesh=mesh,
        compiler_params=pltpu.CompilerParams(use_tc_tiling_on_sc=False),
        out_type=jax.ShapeDtypeStruct((N * K, 32), jnp.float32),
        scratch_types=[
            pltpu.VMEM((_BPW,), jnp.int32),
            pltpu.VMEM((_HALF, 32), jnp.float32),
            pltpu.SemaphoreType.DMA,
        ],
    )(_sc_gather_body)
    return kfn(tab, idxf)



_KW = K * 32
_KD = K * D


def _mlp_body(g_ref, xe_ref, w1_ref, w2_ref, w3_ref, prm_ref, out_ref):
    gl = g_ref[...]
    xe = xe_ref[...]
    xew = jnp.concatenate([xe] * K, axis=1)

    lane = lax.broadcasted_iota(jnp.int32, (1, _KW), 1)
    lm = lax.rem(lane, 32)
    cmaskl = ((lm >= D) & (lm < D + 3)).astype(jnp.float32)
    amaskl = (lm < D).astype(jnp.float32)
    dhotl = lm == D

    diff = (gl - xew) * cmaskl
    sq = diff * diff
    t = (sq + jnp.roll(sq, -1, axis=1)) + jnp.roll(sq, -2, axis=1)
    rec = 1.0 / t
    featl = gl * amaskl + jnp.where(dhotl, rec, 0.0)

    s = float(np.sqrt(1.0 + 1e-5))
    b1 = prm_ref[0:1, :]
    g1 = prm_ref[1:2, :]
    be1 = prm_ref[2:3, :]
    b2 = prm_ref[3:4, :]
    g2 = prm_ref[4:5, :]
    be2 = prm_ref[5:6, :]
    b3 = prm_ref[6:7, 0:D]

    fx = lax.dot_general(featl, w1_ref[...], (((1,), (0,)), ((), ())),
                         preferred_element_type=jnp.float32) + b1
    fx = jnp.where(fx >= 0, fx, 0.2 * fx)
    fx = fx / s * g1 + be1

    fy = lax.dot_general(fx, w2_ref[...], (((1,), (0,)), ((), ())),
                         preferred_element_type=jnp.float32) + b2
    fy = jnp.where(fy >= 0, fy, 0.2 * fy)
    fy = fy / s * g2 + be2

    cc = jnp.concatenate([fx, fy], axis=1)
    out_ref[...] = lax.dot_general(cc, w3_ref[...], (((1,), (0,)), ((), ())),
                                   preferred_element_type=jnp.float32) + b3


def _run_mlp(g3, xe, w1p, w2p, w3p, prm):
    return pl.pallas_call(
        _mlp_body,
        grid=(NX,),
        in_specs=[
            pl.BlockSpec((BX, _KW), lambda i: (i, 0)),
            pl.BlockSpec((BX, 32), lambda i: (i, 0)),
            pl.BlockSpec((_KW, _KD), lambda i: (0, 0)),
            pl.BlockSpec((_KD, _KD), lambda i: (0, 0)),
            pl.BlockSpec((2 * _KD, D), lambda i: (0, 0)),
            pl.BlockSpec((8, _KD), lambda i: (0, 0)),
        ],
        out_specs=pl.BlockSpec((BX, D), lambda i: (i, 0)),
        out_shape=jax.ShapeDtypeStruct((N, D), jnp.float32),
    )(g3, xe, w1p, w2p, w3p, prm)



def kernel(x, y, y_atomtypes, W1, b1, W2, b2, W3, b3,
           bn1_g, bn1_b, bn2_g, bn2_b, x_batch, y_batch):
    f32 = jnp.float32
    x = x.astype(f32)
    y = y.astype(f32)

    xa = jnp.concatenate([x, jnp.zeros((N, 5), f32)], axis=1)
    yt = jnp.concatenate([y, jnp.zeros((M, 5), f32)], axis=1).T
    xbf = x_batch.astype(f32)[:, None]
    ybf = y_batch.astype(f32)[None, :]
    xb2 = x_batch.reshape(NX, BX).astype(jnp.int32)
    yb2 = y_batch.reshape(NCY, CY).astype(jnp.int32)
    xblo, xbhi = xb2.min(axis=1), xb2.max(axis=1)
    yblo, ybhi = yb2.min(axis=1), yb2.max(axis=1)

    idx = _run_topk(xa, yt, xbf, ybf, xblo, xbhi, yblo, ybhi)

    tab = jnp.concatenate([y_atomtypes.astype(f32), y,
                           jnp.zeros((M, 13), f32)], axis=1)
    gath = _run_gather(tab, idx.reshape(N * K))

    gl = gath.reshape(N, K * 32)
    xe = jnp.concatenate([jnp.zeros((N, D), f32), x,
                          jnp.zeros((N, 32 - D - 3), f32)], axis=1)
    w1p = jnp.concatenate([W1[:, :D].T, W1[:, D:D + 1].T,
                           jnp.zeros((32 - D - 1, D), f32)], axis=0)
    eyek = jnp.eye(K, dtype=f32)
    w1bd = jnp.kron(eyek, w1p)
    w2bd = jnp.kron(eyek, W2.T)
    w3cat = jnp.concatenate([jnp.tile(W3.T[:D], (K, 1)),
                             jnp.tile(W3.T[D:], (K, 1))], axis=0)
    b3p = jnp.concatenate([b3, jnp.zeros((K * D - D,), f32)])
    prm = jnp.stack([jnp.tile(b1, K), jnp.tile(bn1_g, K), jnp.tile(bn1_b, K),
                     jnp.tile(b2, K), jnp.tile(bn2_g, K), jnp.tile(bn2_b, K),
                     b3p, jnp.zeros((K * D,), f32)], axis=0)

    return _run_mlp(gl, xe, w1bd, w2bd, w3cat, prm)

# --- scband reference (transcript-rebuilt; emitter-appended) ---
"""Pipeline reference for scband-atom-embedding-19988777795860 (READ-ONLY COPY).

The authoritative reference and input builder live on the scoring server;
editing this copy changes nothing except your own understanding.
"""

import jax, jax.numpy as jnp
import numpy as np

N = 8192
M = 8192
D = 16
K = 16
NB = 4


def setup_inputs(seed: int = 0) -> dict:
    key = jax.random.key(seed)
    ks = jax.random.split(key, 16)
    x = jax.random.normal(ks[0], (N, 3), dtype=jnp.float32)
    y = jax.random.normal(ks[1], (M, 3), dtype=jnp.float32)
    y_atomtypes = jax.random.normal(ks[2], (M, D), dtype=jnp.float32)
    x_batch = jnp.sort(jax.random.randint(ks[3], (N,), 0, NB))
    y_batch = jnp.sort(jax.random.randint(ks[4], (M,), 0, NB))
    s1 = 1.0 / np.sqrt(D + 1)
    s2 = 1.0 / np.sqrt(D)
    s3 = 1.0 / np.sqrt(2 * D)
    W1 = jax.random.uniform(ks[5], (D, D + 1), dtype=jnp.float32, minval=-s1, maxval=s1)
    b1 = jax.random.uniform(ks[6], (D,), dtype=jnp.float32, minval=-s1, maxval=s1)
    W2 = jax.random.uniform(ks[7], (D, D), dtype=jnp.float32, minval=-s2, maxval=s2)
    b2 = jax.random.uniform(ks[8], (D,), dtype=jnp.float32, minval=-s2, maxval=s2)
    W3 = jax.random.uniform(ks[9], (D, 2 * D), dtype=jnp.float32, minval=-s3, maxval=s3)
    b3 = jax.random.uniform(ks[10], (D,), dtype=jnp.float32, minval=-s3, maxval=s3)
    bn1_g = jnp.ones((D,), dtype=jnp.float32)
    bn1_b = jnp.zeros((D,), dtype=jnp.float32)
    bn2_g = jnp.ones((D,), dtype=jnp.float32)
    bn2_b = jnp.zeros((D,), dtype=jnp.float32)
    return {"x": x, "y": y, "y_atomtypes": y_atomtypes, "W1": W1, "b1": b1,
            "W2": W2, "b2": b2, "W3": W3, "b3": b3,
            "bn1_g": bn1_g, "bn1_b": bn1_b, "bn2_g": bn2_g, "bn2_b": bn2_b,
            "x_batch": x_batch, "y_batch": y_batch}


def _leaky(v):
    return jnp.where(v >= 0, v, 0.2 * v)


def _bn_eval(v, g, b):
    # BatchNorm1d in eval mode with running_mean=0, running_var=1
    return v / jnp.sqrt(1.0 + 1e-5) * g + b


def reference(x, y, y_atomtypes, W1, b1, W2, b2, W3, b3, bn1_g, bn1_b, bn2_g, bn2_b, x_batch, y_batch):
    # masked pairwise squared distances (batch-diagonal ranges emulated via mask)
    d2 = (jnp.sum(x * x, axis=1)[:, None] + jnp.sum(y * y, axis=1)[None, :]
          - 2.0 * (x @ y.T))
    penalty = jnp.where(x_batch[:, None] != y_batch[None, :], 1e10, 0.0)
    _, idx = jax.lax.top_k(-(d2 + penalty), K)  # argKmin, idx: [N, K]
    # gather neighbor coords and recompute exact distances (as in torch ref)
    x_ik = y[idx.reshape(-1)].reshape(N, K, 3)
    dists = jnp.sum((x[:, None, :] - x_ik) ** 2, axis=-1)  # [N, K]
    # gather atom-type features and concat inverse distance
    feature = y_atomtypes[idx.reshape(-1)]  # [N*K, D]
    dinv = (1.0 / dists).reshape(-1, 1)
    feature = jnp.concatenate([feature, dinv], axis=1).reshape(N, K, D + 1)
    # dropout p=0.0 (identity)
    fx = feature @ W1.T + b1          # [N, K, D]
    fx = fx.reshape(-1, D)
    fx = _bn_eval(_leaky(fx), bn1_g, bn1_b)
    fx = fx.reshape(-1, K, D)
    fx1 = fx.sum(axis=1)
    fx = fx @ W2.T + b2
    fx = fx.reshape(-1, D)
    fx = _bn_eval(_leaky(fx), bn2_g, bn2_b)
    fx = fx.reshape(-1, K, D)
    fx2 = fx.sum(axis=1)
    fx = jnp.concatenate([fx1, fx2], axis=-1)
    out = fx @ W3.T + b3              # [N, D]
    return out

if __name__ == "__main__":
    import jax
    _d = setup_inputs()
    print(jax.jit(kernel)(*tuple(_d.values())))

</pallas_src>

<mosaic_0001>
#map = affine_map<(d0, d1) -> (0, 0)>
#map1 = affine_map<(d0, d1) -> (0)>
module attributes {stable_mosaic.version = 14 : i64} {
  func.func @_sc_gather_body(%arg0: i32, %arg1: i32, %arg2: memref<8192x32xf32, #tpu.memory_space<hbm>>, %arg3: memref<131072xi32, #tpu.memory_space<hbm>>, %arg4: memref<131072x32xf32, #tpu.memory_space<hbm>>, %arg5: memref<4096xi32, #tpu.memory_space<vmem>>, %arg6: memref<2048x32xf32, #tpu.memory_space<vmem>>, %arg7: memref<!tpu.dma_semaphore, #tpu.memory_space<semaphore_mem>>) attributes {dimension_semantics = [#tpu.dimension_semantics<core_parallel>, #tpu.dimension_semantics<subcore_parallel>], iteration_bounds = array<i64: 2, 16>, scalar_prefetch = 0 : i64, scratch_operands = 3 : i64, tpu.core_type = #tpu.core_type<sc_vector_subcore>, window_params = [{transform_indices = #map}, {transform_indices = #map1}, {transform_indices = #map}]} {
    %mul3A = arith.constant 2 : i32
    %mul3A_0 = arith.muli %arg1, %mul3A : i32
    %add3A = arith.addi %mul3A_0, %arg0 : i32
    %mul3A_1 = arith.constant 4096 : i32
    %mul3A_2 = arith.muli %add3A, %mul3A_1 : i32
    "tpu.region"() ({
      %run_scoped3A = tpu.sem_alloc : memref<!tpu.dma_semaphore, #tpu.memory_space<semaphore_mem>>
      %dma_start3A_517 = tpu.memref_slice %arg3[%mul3A_2] : memref<131072xi32, #tpu.memory_space<hbm>> -> memref<4096xi32, #tpu.memory_space<hbm>>
      %dma_start3A_518 = tpu.memref_slice %arg3[%mul3A_2] : memref<131072xi32, #tpu.memory_space<hbm>> -> memref<4096xi32, #tpu.memory_space<hbm>>
      tpu.enqueue_dma source(%dma_start3A_518 : memref<4096xi32, #tpu.memory_space<hbm>>) target(%arg5 : memref<4096xi32, #tpu.memory_space<vmem>>) target_semaphore(%run_scoped3A : memref<!tpu.dma_semaphore, #tpu.memory_space<semaphore_mem>>)
      %dma_wait3A_519 = tpu.memref_slice %arg3[%mul3A_2] : memref<131072xi32, #tpu.memory_space<hbm>> -> memref<4096xi32, #tpu.memory_space<hbm>>
      %dma_wait3A_520 = tpu.memref_slice %arg3[%mul3A_2] : memref<131072xi32, #tpu.memory_space<hbm>> -> memref<4096xi32, #tpu.memory_space<hbm>>
      tpu.wait_dma2 semaphore(%run_scoped3A : memref<!tpu.dma_semaphore, #tpu.memory_space<semaphore_mem>>) src(%dma_wait3A_520 : memref<4096xi32, #tpu.memory_space<hbm>>) dst(%arg5 : memref<4096xi32, #tpu.memory_space<vmem>>)
      tpu.yield
    }) : () -> ()
    %dma_start3A = arith.constant 0 : i32
    %dma_start3A_3 = arith.constant 0 : i32
    %dma_start3A_4 = tpu.memref_slice %arg6[%dma_start3A, %dma_start3A_3] : memref<2048x32xf32, #tpu.memory_space<vmem>> -> memref<128x32xf32, #tpu.memory_space<vmem>>
    %dma_start3A_5 = arith.constant 0 : i32
    %dma_start3A_6 = tpu.memref_slice %arg5[%dma_start3A_5] : memref<4096xi32, #tpu.memory_space<vmem>> -> memref<128xi32, #tpu.memory_space<vmem>>
    %dma_start3A_7 = arith.constant 0 : i32
    %dma_start3A_8 = arith.constant 0 : i32
    %dma_start3A_9 = tpu.memref_slice %arg2[%dma_start3A_7, %dma_start3A_8] : memref<8192x32xf32, #tpu.memory_space<hbm>> -> memref<8192x32xf32, #tpu.memory_space<hbm>>
    tpu.enqueue_indirect_dma source(%dma_start3A_9 : memref<8192x32xf32, #tpu.memory_space<hbm>>) target(%dma_start3A_4 : memref<128x32xf32, #tpu.memory_space<vmem>>) offsets(%dma_start3A_6 : memref<128xi32, #tpu.memory_space<vmem>>) semaphore(%arg7 : memref<!tpu.dma_semaphore, #tpu.memory_space<semaphore_mem>>)
    %dma_start3A_10 = arith.constant 128 : i32
    %dma_start3A_11 = arith.constant 0 : i32
    %dma_start3A_12 = tpu.memref_slice %arg6[%dma_start3A_10, %dma_start3A_11] : memref<2048x32xf32, #tpu.memory_space<vmem>> -> memref<128x32xf32, #tpu.memory_space<vmem>>
    %dma_start3A_13 = arith.constant 128 : i32
    %dma_start3A_14 = tpu.memref_slice %arg5[%dma_start3A_13] : memref<4096xi32, #tpu.memory_space<vmem>> -> memref<128xi32, #tpu.memory_space<vmem>>
    %dma_start3A_15 = arith.constant 0 : i32
    %dma_start3A_16 = arith.constant 0 : i32
    %dma_start3A_17 = tpu.memref_slice %arg2[%dma_start3A_15, %dma_start3A_16] : memref<8192x32xf32, #tpu.memory_space<hbm>> -> memref<8192x32xf32, #tpu.memory_space<hbm>>
    tpu.enqueue_indirect_dma source(%dma_start3A_17 : memref<8192x32xf32, #tpu.memory_space<hbm>>) target(%dma_start3A_12 : memref<128x32xf32, #tpu.memory_space<vmem>>) offsets(%dma_start3A_14 : memref<128xi32, #tpu.memory_space<vmem>>) semaphore(%arg7 : memref<!tpu.dma_semaphore, #tpu.memory_space<semaphore_mem>>)
    %dma_start3A_18 = arith.constant 256 : i32
    %dma_start3A_19 = arith.constant 0 : i32
    %dma_start3A_20 = tpu.memref_slice %arg6[%dma_start3A_18, %dma_start3A_19] : memref<2048x32xf32, #tpu.memory_space<vmem>> -> memref<128x32xf32, #tpu.memory_space<vmem>>
    %dma_start3A_21 = arith.constant 256 : i32
    %dma_start3A_22 = tpu.memref_slice %arg5[%dma_start3A_21] : memref<4096xi32, #tpu.memory_space<vmem>> -> memref<128xi32, #tpu.memory_space<vmem>>
    %dma_start3A_23 = arith.constant 0 : i32
    %dma_start3A_24 = arith.constant 0 : i32
    %dma_start3A_25 = tpu.memref_slice %arg2[%dma_start3A_23, %dma_start3A_24] : memref<8192x32xf32, #tpu.memory_space<hbm>> -> memref<8192x32xf32, #tpu.memory_space<hbm>>
    tpu.enqueue_indirect_dma source(%dma_start3A_25 : memref<8192x32xf32, #tpu.memory_space<hbm>>) target(%dma_start3A_20 : memref<128x32xf32, #tpu.memory_space<vmem>>) offsets(%dma_start3A_22 : memref<128xi32, #tpu.memory_space<vmem>>) semaphore(%arg7 : memref<!tpu.dma_semaphore, #tpu.memory_space<semaphore_mem>>)
    %dma_start3A_26 = arith.constant 384 : i32
    %dma_start3A_27 = arith.constant 0 : i32
    %dma_start3A_28 = tpu.memref_slice %arg6[%dma_start3A_26, %dma_start3A_27] : memref<2048x32xf32, #tpu.memory_space<vmem>> -> memref<128x32xf32, #tpu.memory_space<vmem>>
    %dma_start3A_29 = arith.constant 384 : i32
    %dma_start3A_30 = tpu.memref_slice %arg5[%dma_start3A_29] : memref<4096xi32, #tpu.memory_space<vmem>> -> memref<128xi32, #tpu.memory_space<vmem>>
    %dma_start3A_31 = arith.constant 0 : i32
    %dma_start3A_32 = arith.constant 0 : i32
    %dma_start3A_33 = tpu.memref_slice %arg2[%dma_start3A_31, %dma_start3A_32] : memref<8192x32xf32, #tpu.memory_space<hbm>> -> memref<8192x32xf32, #tpu.memory_space<hbm>>
    tpu.enqueue_indirect_dma source(%dma_start3A_33 : memref<8192x32xf32, #tpu.memory_space<hbm>>) target(%dma_start3A_28 : memref<128x32xf32, #tpu.memory_space<vmem>>) offsets(%dma_start3A_30 : memref<128xi32, #tpu.memory_space<vmem>>) semaphore(%arg7 : memref<!tpu.dma_semaphore, #tpu.memory_space<semaphore_mem>>)
    %dma_start3A_34 = arith.constant 512 : i32
    %dma_start3A_35 = arith.constant 0 : i32
    %dma_start3A_36 = tpu.memref_slice %arg6[%dma_start3A_34, %dma_start3A_35] : memref<2048x32xf32, #tpu.memory_space<vmem>> -> memref<128x32xf32, #tpu.memory_space<vmem>>
    %dma_start3A_37 = arith.constant 512 : i32
    %dma_start3A_38 = tpu.memref_slice %arg5[%dma_start3A_37] : memref<4096xi32, #tpu.memory_space<vmem>> -> memref<128xi32, #tpu.memory_space<vmem>>
    %dma_start3A_39 = arith.constant 0 : i32
    %dma_start3A_40 = arith.constant 0 : i32
    %dma_start3A_41 = tpu.memref_slice %arg2[%dma_start3A_39, %dma_start3A_40] : memref<8192x32xf32, #tpu.memory_space<hbm>> -> memref<8192x32xf32, #tpu.memory_space<hbm>>
    tpu.enqueue_indirect_dma source(%dma_start3A_41 : memref<8192x32xf32, #tpu.memory_space<hbm>>) target(%dma_start3A_36 : memref<128x32xf32, #tpu.memory_space<vmem>>) offsets(%dma_start3A_38 : memref<128xi32, #tpu.memory_space<vmem>>) semaphore(%arg7 : memref<!tpu.dma_semaphore, #tpu.memory_space<semaphore_mem>>)
    %dma_start3A_42 = arith.constant 640 : i32
    %dma_start3A_43 = arith.constant 0 : i32
    %dma_start3A_44 = tpu.memref_slice %arg6[%dma_start3A_42, %dma_start3A_43] : memref<2048x32xf32, #tpu.memory_space<vmem>> -> memref<128x32xf32, #tpu.memory_space<vmem>>
    %dma_start3A_45 = arith.constant 640 : i32
    %dma_start3A_46 = tpu.memref_slice %arg5[%dma_start3A_45] : memref<4096xi32, #tpu.memory_space<vmem>> -> memref<128xi32, #tpu.memory_space<vmem>>
    %dma_start3A_47 = arith.constant 0 : i32
    %dma_start3A_48 = arith.constant 0 : i32
    %dma_start3A_49 = tpu.memref_slice %arg2[%dma_start3A_47, %dma_start3A_48] : memref<8192x32xf32, #tpu.memory_space<hbm>> -> memref<8192x32xf32, #tpu.memory_space<hbm>>
    tpu.enqueue_indirect_dma source(%dma_start3A_49 : memref<8192x32xf32, #tpu.memory_space<hbm>>) target(%dma_start3A_44 : memref<128x32xf32, #tpu.memory_space<vmem>>) offsets(%dma_start3A_46 : memref<128xi32, #tpu.memory_space<vmem>>) semaphore(%arg7 : memref<!tpu.dma_semaphore, #tpu.memory_space<semaphore_mem>>)
    %dma_start3A_50 = arith.constant 768 : i32
    %dma_start3A_51 = arith.constant 0 : i32
    %dma_start3A_52 = tpu.memref_slice %arg6[%dma_start3A_50, %dma_start3A_51] : memref<2048x32xf32, #tpu.memory_space<vmem>> -> memref<128x32xf32, #tpu.memory_space<vmem>>
    %dma_start3A_53 = arith.constant 768 : i32
    %dma_start3A_54 = tpu.memref_slice %arg5[%dma_start3A_53] : memref<4096xi32, #tpu.memory_space<vmem>> -> memref<128xi32, #tpu.memory_space<vmem>>
    %dma_start3A_55 = arith.constant 0 : i32
    %dma_start3A_56 = arith.constant 0 : i32
    %dma_start3A_57 = tpu.memref_slice %arg2[%dma_start3A_55, %dma_start3A_56] : memref<8192x32xf32, #tpu.memory_space<hbm>> -> memref<8192x32xf32, #tpu.memory_space<hbm>>
    tpu.enqueue_indirect_dma source(%dma_start3A_57 : memref<8192x32xf32, #tpu.memory_space<hbm>>) target(%dma_start3A_52 : memref<128x32xf32, #tpu.memory_space<vmem>>) offsets(%dma_start3A_54 : memref<128xi32, #tpu.memory_space<vmem>>) semaphore(%arg7 : memref<!tpu.dma_semaphore, #tpu.memory_space<semaphore_mem>>)
    %dma_start3A_58 = arith.constant 896 : i32
    %dma_start3A_59 = arith.constant 0 : i32
    %dma_start3A_60 = tpu.memref_slice %arg6[%dma_start3A_58, %dma_start3A_59] : memref<2048x32xf32, #tpu.memory_space<vmem>> -> memref<128x32xf32, #tpu.memory_space<vmem>>
    %dma_start3A_61 = arith.constant 896 : i32
    %dma_start3A_62 = tpu.memref_slice %arg5[%dma_start3A_61] : memref<4096xi32, #tpu.memory_space<vmem>> -> memref<128xi32, #tpu.memory_space<vmem>>
    %dma_start3A_63 = arith.constant 0 : i32
    %dma_start3A_64 = arith.constant 0 : i32
    %dma_start3A_65 = tpu.memref_slice %arg2[%dma_start3A_63, %dma_start3A_64] : memref<8192x32xf32, #tpu.memory_space<hbm>> -> memref<8192x32xf32, #tpu.memory_space<hbm>>
    tpu.enqueue_indirect_dma source(%dma_start3A_65 : memref<8192x32xf32, #tpu.memory_space<hbm>>) target(%dma_start3A_60 : memref<128x32xf32, #tpu.memory_space<vmem>>) offsets(%dma_start3A_62 : memref<128xi32, #tpu.memory_space<vmem>>) semaphore(%arg7 : memref<!tpu.dma_semaphore, #tpu.memory_space<semaphore_mem>>)
    %dma_start3A_66 = arith.constant 1024 : i32
    %dma_start3A_67 = arith.constant 0 : i32
    %dma_start3A_68 = tpu.memref_slice %arg6[%dma_start3A_66, %dma_start3A_67] : memref<2048x32xf32, #tpu.memory_space<vmem>> -> memref<128x32xf32, #tpu.memory_space<vmem>>
    %dma_start3A_69 = arith.constant 1024 : i32
    %dma_start3A_70 = tpu.memref_slice %arg5[%dma_start3A_69] : memref<4096xi32, #tpu.memory_space<vmem>> -> memref<128xi32, #tpu.memory_space<vmem>>
    %dma_start3A_71 = arith.constant 0 : i32
    %dma_start3A_72 = arith.constant 0 : i32
    %dma_start3A_73 = tpu.memref_slice %arg2[%dma_start3A_71, %dma_start3A_72] : memref<8192x32xf32, #tpu.memory_space<hbm>> -> memref<8192x32xf32, #tpu.memory_space<hbm>>
    tpu.enqueue_indirect_dma source(%dma_start3A_73 : memref<8192x32xf32, #tpu.memory_space<hbm>>) target(%dma_start3A_68 : memref<128x32xf32, #tpu.memory_space<vmem>>) offsets(%dma_start3A_70 : memref<128xi32, #tpu.memory_space<vmem>>) semaphore(%arg7 : memref<!tpu.dma_semaphore, #tpu.memory_space<semaphore_mem>>)
    %dma_start3A_74 = arith.constant 1152 : i32
    %dma_start3A_75 = arith.constant 0 : i32
    %dma_start3A_76 = tpu.memref_slice %arg6[%dma_start3A_74, %dma_start3A_75] : memref<2048x32xf32, #tpu.memory_space<vmem>> -> memref<128x32xf32, #tpu.memory_space<vmem>>
    %dma_start3A_77 = arith.constant 1152 : i32
    %dma_start3A_78 = tpu.memref_slice %arg5[%dma_start3A_77] : memref<4096xi32, #tpu.memory_space<vmem>> -> memref<128xi32, #tpu.memory_space<vmem>>
    %dma_start3A_79 = arith.constant 0 : i32
    %dma_start3A_80 = arith.constant 0 : i32
    %dma_start3A_81 = tpu.memref_slice %arg2[%dma_start3A_79, %dma_start3A_80] : memref<8192x32xf32, #tpu.memory_space<hbm>> -> memref<8192x32xf32, #tpu.memory_space<hbm>>
    tpu.enqueue_indirect_dma source(%dma_start3A_81 : memref<8192x32xf32, #tpu.memory_space<hbm>>) target(%dma_start3A_76 : memref<128x32xf32, #tpu.memory_space<vmem>>) offsets(%dma_start3A_78 : memref<128xi32, #tpu.memory_space<vmem>>) semaphore(%arg7 : memref<!tpu.dma_semaphore, #tpu.memory_space<semaphore_mem>>)
    %dma_start3A_82 = arith.constant 1280 : i32
    %dma_start3A_83 = arith.constant 0 : i32
    %dma_start3A_84 = tpu.memref_slice %arg6[%dma_start3A_82, %dma_start3A_83] : memref<2048x32xf32, #tpu.memory_space<vmem>> -> memref<128x32xf32, #tpu.memory_space<vmem>>
    %dma_start3A_85 = arith.constant 1280 : i32
    %dma_start3A_86 = tpu.memref_slice %arg5[%dma_start3A_85] : memref<4096xi32, #tpu.memory_space<vmem>> -> memref<128xi32, #tpu.memory_space<vmem>>
    %dma_start3A_87 = arith.constant 0 : i32
    %dma_start3A_88 = arith.constant 0 : i32
    %dma_start3A_89 = tpu.memref_slice %arg2[%dma_start3A_87, %dma_start3A_88] : memref<8192x32xf32, #tpu.memory_space<hbm>> -> memref<8192x32xf32, #tpu.memory_space<hbm>>
    tpu.enqueue_indirect_dma source(%dma_start3A_89 : memref<8192x32xf32, #tpu.memory_space<hbm>>) target(%dma_start3A_84 : memref<128x32xf32, #tpu.memory_space<vmem>>) offsets(%dma_start3A_86 : memref<128xi32, #tpu.memory_space<vmem>>) semaphore(%arg7 : memref<!tpu.dma_semaphore, #tpu.memory_space<semaphore_mem>>)
    %dma_start3A_90 = arith.constant 1408 : i32
    %dma_start3A_91 = arith.constant 0 : i32
    %dma_start3A_92 = tpu.memref_slice %arg6[%dma_start3A_90, %dma_start3A_91] : memref<2048x32xf32, #tpu.memory_space<vmem>> -> memref<128x32xf32, #tpu.memory_space<vmem>>
    %dma_start3A_93 = arith.constant 1408 : i32
    %dma_start3A_94 = tpu.memref_slice %arg5[%dma_start3A_93] : memref<4096xi32, #tpu.memory_space<vmem>> -> memref<128xi32, #tpu.memory_space<vmem>>
    %dma_start3A_95 = arith.constant 0 : i32
    %dma_start3A_96 = arith.constant 0 : i32
    %dma_start3A_97 = tpu.memref_slice %arg2[%dma_start3A_95, %dma_start3A_96] : memref<8192x32xf32, #tpu.memory_space<hbm>> -> memref<8192x32xf32, #tpu.memory_space<hbm>>
    tpu.enqueue_indirect_dma source(%dma_start3A_97 : memref<8192x32xf32, #tpu.memory_space<hbm>>) target(%dma_start3A_92 : memref<128x32xf32, #tpu.memory_space<vmem>>) offsets(%dma_start3A_94 : memref<128xi32, #tpu.memory_space<vmem>>) semaphore(%arg7 : memref<!tpu.dma_semaphore, #tpu.memory_space<semaphore_mem>>)
    %dma_start3A_98 = arith.constant 1536 : i32
    %dma_start3A_99 = arith.constant 0 : i32
    %dma_start3A_100 = tpu.memref_slice %arg6[%dma_start3A_98, %dma_start3A_99] : memref<2048x32xf32, #tpu.memory_space<vmem>> -> memref<128x32xf32, #tpu.memory_space<vmem>>
    %dma_start3A_101 = arith.constant 1536 : i32
    %dma_start3A_102 = tpu.memref_slice %arg5[%dma_start3A_101] : memref<4096xi32, #tpu.memory_space<vmem>> -> memref<128xi32, #tpu.memory_space<vmem>>
    %dma_start3A_103 = arith.constant 0 : i32
    %dma_start3A_104 = arith.constant 0 : i32
    %dma_start3A_105 = tpu.memref_slice %arg2[%dma_start3A_103, %dma_start3A_104] : memref<8192x32xf32, #tpu.memory_space<hbm>> -> memref<8192x32xf32, #tpu.memory_space<hbm>>
    tpu.enqueue_indirect_dma source(%dma_start3A_105 : memref<8192x32xf32, #tpu.memory_space<hbm>>) target(%dma_start3A_100 : memref<128x32xf32, #tpu.memory_space<vmem>>) offsets(%dma_start3A_102 : memref<128xi32, #tpu.memory_space<vmem>>) semaphore(%arg7 : memref<!tpu.dma_semaphore, #tpu.memory_space<semaphore_mem>>)
    %dma_start3A_106 = arith.constant 1664 : i32
    %dma_start3A_107 = arith.constant 0 : i32
    %dma_start3A_108 = tpu.memref_slice %arg6[%dma_start3A_106, %dma_start3A_107] : memref<2048x32xf32, #tpu.memory_space<vmem>> -> memref<128x32xf32, #tpu.memory_space<vmem>>
    %dma_start3A_109 = arith.constant 1664 : i32
    %dma_start3A_110 = tpu.memref_slice %arg5[%dma_start3A_109] : memref<4096xi32, #tpu.memory_space<vmem>> -> memref<128xi32, #tpu.memory_space<vmem>>
    %dma_start3A_111 = arith.constant 0 : i32
    %dma_start3A_112 = arith.constant 0 : i32
    %dma_start3A_113 = tpu.memref_slice %arg2[%dma_start3A_111, %dma_start3A_112] : memref<8192x32xf32, #tpu.memory_space<hbm>> -> memref<8192x32xf32, #tpu.memory_space<hbm>>
    tpu.enqueue_indirect_dma source(%dma_start3A_113 : memref<8192x32xf32, #tpu.memory_space<hbm>>) target(%dma_start3A_108 : memref<128x32xf32, #tpu.memory_space<vmem>>) offsets(%dma_start3A_110 : memref<128xi32, #tpu.memory_space<vmem>>) semaphore(%arg7 : memref<!tpu.dma_semaphore, #tpu.memory_space<semaphore_mem>>)
    %dma_start3A_114 = arith.constant 1792 : i32
    %dma_start3A_115 = arith.constant 0 : i32
    %dma_start3A_116 = tpu.memref_slice %arg6[%dma_start3A_114, %dma_start3A_115] : memref<2048x32xf32, #tpu.memory_space<vmem>> -> memref<128x32xf32, #tpu.memory_space<vmem>>
    %dma_start3A_117 = arith.constant 1792 : i32
    %dma_start3A_118 = tpu.memref_slice %arg5[%dma_start3A_117] : memref<4096xi32, #tpu.memory_space<vmem>> -> memref<128xi32, #tpu.memory_space<vmem>>
    %dma_start3A_119 = arith.constant 0 : i32
    %dma_start3A_120 = arith.constant 0 : i32
    %dma_start3A_121 = tpu.memref_slice %arg2[%dma_start3A_119, %dma_start3A_120] : memref<8192x32xf32, #tpu.memory_space<hbm>> -> memref<8192x32xf32, #tpu.memory_space<hbm>>
    tpu.enqueue_indirect_dma source(%dma_start3A_121 : memref<8192x32xf32, #tpu.memory_space<hbm>>) target(%dma_start3A_116 : memref<128x32xf32, #tpu.memory_space<vmem>>) offsets(%dma_start3A_118 : memref<128xi32, #tpu.memory_space<vmem>>) semaphore(%arg7 : memref<!tpu.dma_semaphore, #tpu.memory_space<semaphore_mem>>)
    %dma_start3A_122 = arith.constant 1920 : i32
    %dma_start3A_123 = arith.constant 0 : i32
    %dma_start3A_124 = tpu.memref_slice %arg6[%dma_start3A_122, %dma_start3A_123] : memref<2048x32xf32, #tpu.memory_space<vmem>> -> memref<128x32xf32, #tpu.memory_space<vmem>>
    %dma_start3A_125 = arith.constant 1920 : i32
    %dma_start3A_126 = tpu.memref_slice %arg5[%dma_start3A_125] : memref<4096xi32, #tpu.memory_space<vmem>> -> memref<128xi32, #tpu.memory_space<vmem>>
    %dma_start3A_127 = arith.constant 0 : i32
    %dma_start3A_128 = arith.constant 0 : i32
    %dma_start3A_129 = tpu.memref_slice %arg2[%dma_start3A_127, %dma_start3A_128] : memref<8192x32xf32, #tpu.memory_space<hbm>> -> memref<8192x32xf32, #tpu.memory_space<hbm>>
    tpu.enqueue_indirect_dma source(%dma_start3A_129 : memref<8192x32xf32, #tpu.memory_space<hbm>>) target(%dma_start3A_124 : memref<128x32xf32, #tpu.memory_space<vmem>>) offsets(%dma_start3A_126 : memref<128xi32, #tpu.memory_space<vmem>>) semaphore(%arg7 : memref<!tpu.dma_semaphore, #tpu.memory_space<semaphore_mem>>)
    %dma_wait3A = arith.constant 0 : i32
    %dma_wait3A_130 = arith.constant 0 : i32
    %dma_wait3A_131 = tpu.memref_slice %arg6[%dma_wait3A, %dma_wait3A_130] : memref<2048x32xf32, #tpu.memory_space<vmem>> -> memref<128x32xf32, #tpu.memory_space<vmem>>
    %dma_wait3A_132 = arith.constant 0 : i32
    %dma_wait3A_133 = tpu.memref_slice %arg5[%dma_wait3A_132] : memref<4096xi32, #tpu.memory_space<vmem>> -> memref<128xi32, #tpu.memory_space<vmem>>
    %dma_wait3A_134 = arith.constant 0 : i32
    %dma_wait3A_135 = arith.constant 0 : i32
    %dma_wait3A_136 = tpu.memref_slice %arg2[%dma_wait3A_134, %dma_wait3A_135] : memref<8192x32xf32, #tpu.memory_space<hbm>> -> memref<8192x32xf32, #tpu.memory_space<hbm>>
    tpu.wait_indirect_dma semaphore(%arg7 : memref<!tpu.dma_semaphore, #tpu.memory_space<semaphore_mem>>) src(%dma_wait3A_136 : memref<8192x32xf32, #tpu.memory_space<hbm>>) dst(%dma_wait3A_131 : memref<128x32xf32, #tpu.memory_space<vmem>>)
    %dma_wait3A_137 = arith.constant 128 : i32
    %dma_wait3A_138 = arith.constant 0 : i32
    %dma_wait3A_139 = tpu.memref_slice %arg6[%dma_wait3A_137, %dma_wait3A_138] : memref<2048x32xf32, #tpu.memory_space<vmem>> -> memref<128x32xf32, #tpu.memory_space<vmem>>
    %dma_wait3A_140 = arith.constant 128 : i32
    %dma_wait3A_141 = tpu.memref_slice %arg5[%dma_wait3A_140] : memref<4096xi32, #tpu.memory_space<vmem>> -> memref<128xi32, #tpu.memory_space<vmem>>
    %dma_wait3A_142 = arith.constant 0 : i32
    %dma_wait3A_143 = arith.constant 0 : i32
    %dma_wait3A_144 = tpu.memref_slice %arg2[%dma_wait3A_142, %dma_wait3A_143] : memref<8192x32xf32, #tpu.memory_space<hbm>> -> memref<8192x32xf32, #tpu.memory_space<hbm>>
    tpu.wait_indirect_dma semaphore(%arg7 : memref<!tpu.dma_semaphore, #tpu.memory_space<semaphore_mem>>) src(%dma_wait3A_144 : memref<8192x32xf32, #tpu.memory_space<hbm>>) dst(%dma_wait3A_139 : memref<128x32xf32, #tpu.memory_space<vmem>>)
    %dma_wait3A_145 = arith.constant 256 : i32
    %dma_wait3A_146 = arith.constant 0 : i32
    %dma_wait3A_147 = tpu.memref_slice %arg6[%dma_wait3A_145, %dma_wait3A_146] : memref<2048x32xf32, #tpu.memory_space<vmem>> -> memref<128x32xf32, #tpu.memory_space<vmem>>
    %dma_wait3A_148 = arith.constant 256 : i32
    %dma_wait3A_149 = tpu.memref_slice %arg5[%dma_wait3A_148] : memref<4096xi32, #tpu.memory_space<vmem>> -> memref<128xi32, #tpu.memory_space<vmem>>
    %dma_wait3A_150 = arith.constant 0 : i32
    %dma_wait3A_151 = arith.constant 0 : i32
    %dma_wait3A_152 = tpu.memref_slice %arg2[%dma_wait3A_150, %dma_wait3A_151] : memref<8192x32xf32, #tpu.memory_space<hbm>> -> memref<8192x32xf32, #tpu.memory_space<hbm>>
    tpu.wait_indirect_dma semaphore(%arg7 : memref<!tpu.dma_semaphore, #tpu.memory_space<semaphore_mem>>) src(%dma_wait3A_152 : memref<8192x32xf32, #tpu.memory_space<hbm>>) dst(%dma_wait3A_147 : memref<128x32xf32, #tpu.memory_space<vmem>>)
    %dma_wait3A_153 = arith.constant 384 : i32
    %dma_wait3A_154 = arith.constant 0 : i32
    %dma_wait3A_155 = tpu.memref_slice %arg6[%dma_wait3A_153, %dma_wait3A_154] : memref<2048x32xf32, #tpu.memory_space<vmem>> -> memref<128x32xf32, #tpu.memory_space<vmem>>
    %dma_wait3A_156 = arith.constant 384 : i32
    %dma_wait3A_157 = tpu.memref_slice %arg5[%dma_wait3A_156] : memref<4096xi32, #tpu.memory_space<vmem>> -> memref<128xi32, #tpu.memory_space<vmem>>
    %dma_wait3A_158 = arith.constant 0 : i32
    %dma_wait3A_159 = arith.constant 0 : i32
    %dma_wait3A_160 = tpu.memref_slice %arg2[%dma_wait3A_158, %dma_wait3A_159] : memref<8192x32xf32, #tpu.memory_space<hbm>> -> memref<8192x32xf32, #tpu.memory_space<hbm>>
    tpu.wait_indirect_dma semaphore(%arg7 : memref<!tpu.dma_semaphore, #tpu.memory_space<semaphore_mem>>) src(%dma_wait3A_160 : memref<8192x32xf32, #tpu.memory_space<hbm>>) dst(%dma_wait3A_155 : memref<128x32xf32, #tpu.memory_space<vmem>>)
    %dma_wait3A_161 = arith.constant 512 : i32
    %dma_wait3A_162 = arith.constant 0 : i32
    %dma_wait3A_163 = tpu.memref_slice %arg6[%dma_wait3A_161, %dma_wait3A_162] : memref<2048x32xf32, #tpu.memory_space<vmem>> -> memref<128x32xf32, #tpu.memory_space<vmem>>
    %dma_wait3A_164 = arith.constant 512 : i32
    %dma_wait3A_165 = tpu.memref_slice %arg5[%dma_wait3A_164] : memref<4096xi32, #tpu.memory_space<vmem>> -> memref<128xi32, #tpu.memory_space<vmem>>
    %dma_wait3A_166 = arith.constant 0 : i32
    %dma_wait3A_167 = arith.constant 0 : i32
    %dma_wait3A_168 = tpu.memref_slice %arg2[%dma_wait3A_166, %dma_wait3A_167] : memref<8192x32xf32, #tpu.memory_space<hbm>> -> memref<8192x32xf32, #tpu.memory_space<hbm>>
    tpu.wait_indirect_dma semaphore(%arg7 : memref<!tpu.dma_semaphore, #tpu.memory_space<semaphore_mem>>) src(%dma_wait3A_168 : memref<8192x32xf32, #tpu.memory_space<hbm>>) dst(%dma_wait3A_163 : memref<128x32xf32, #tpu.memory_space<vmem>>)
    %dma_wait3A_169 = arith.constant 640 : i32
    %dma_wait3A_170 = arith.constant 0 : i32
    %dma_wait3A_171 = tpu.memref_slice %arg6[%dma_wait3A_169, %dma_wait3A_170] : memref<2048x32xf32, #tpu.memory_space<vmem>> -> memref<128x32xf32, #tpu.memory_space<vmem>>
    %dma_wait3A_172 = arith.constant 640 : i32
    %dma_wait3A_173 = tpu.memref_slice %arg5[%dma_wait3A_172] : memref<4096xi32, #tpu.memory_space<vmem>> -> memref<128xi32, #tpu.memory_space<vmem>>
    %dma_wait3A_174 = arith.constant 0 : i32
    %dma_wait3A_175 = arith.constant 0 : i32
    %dma_wait3A_176 = tpu.memref_slice %arg2[%dma_wait3A_174, %dma_wait3A_175] : memref<8192x32xf32, #tpu.memory_space<hbm>> -> memref<8192x32xf32, #tpu.memory_space<hbm>>
    tpu.wait_indirect_dma semaphore(%arg7 : memref<!tpu.dma_semaphore, #tpu.memory_space<semaphore_mem>>) src(%dma_wait3A_176 : memref<8192x32xf32, #tpu.memory_space<hbm>>) dst(%dma_wait3A_171 : memref<128x32xf32, #tpu.memory_space<vmem>>)
    %dma_wait3A_177 = arith.constant 768 : i32
    %dma_wait3A_178 = arith.constant 0 : i32
    %dma_wait3A_179 = tpu.memref_slice %arg6[%dma_wait3A_177, %dma_wait3A_178] : memref<2048x32xf32, #tpu.memory_space<vmem>> -> memref<128x32xf32, #tpu.memory_space<vmem>>
    %dma_wait3A_180 = arith.constant 768 : i32
    %dma_wait3A_181 = tpu.memref_slice %arg5[%dma_wait3A_180] : memref<4096xi32, #tpu.memory_space<vmem>> -> memref<128xi32, #tpu.memory_space<vmem>>
    %dma_wait3A_182 = arith.constant 0 : i32
    %dma_wait3A_183 = arith.constant 0 : i32
    %dma_wait3A_184 = tpu.memref_slice %arg2[%dma_wait3A_182, %dma_wait3A_183] : memref<8192x32xf32, #tpu.memory_space<hbm>> -> memref<8192x32xf32, #tpu.memory_space<hbm>>
    tpu.wait_indirect_dma semaphore(%arg7 : memref<!tpu.dma_semaphore, #tpu.memory_space<semaphore_mem>>) src(%dma_wait3A_184 : memref<8192x32xf32, #tpu.memory_space<hbm>>) dst(%dma_wait3A_179 : memref<128x32xf32, #tpu.memory_space<vmem>>)
    %dma_wait3A_185 = arith.constant 896 : i32
    %dma_wait3A_186 = arith.constant 0 : i32
    %dma_wait3A_187 = tpu.memref_slice %arg6[%dma_wait3A_185, %dma_wait3A_186] : memref<2048x32xf32, #tpu.memory_space<vmem>> -> memref<128x32xf32, #tpu.memory_space<vmem>>
    %dma_wait3A_188 = arith.constant 896 : i32
    %dma_wait3A_189 = tpu.memref_slice %arg5[%dma_wait3A_188] : memref<4096xi32, #tpu.memory_space<vmem>> -> memref<128xi32, #tpu.memory_space<vmem>>
    %dma_wait3A_190 = arith.constant 0 : i32
    %dma_wait3A_191 = arith.constant 0 : i32
    %dma_wait3A_192 = tpu.memref_slice %arg2[%dma_wait3A_190, %dma_wait3A_191] : memref<8192x32xf32, #tpu.memory_space<hbm>> -> memref<8192x32xf32, #tpu.memory_space<hbm>>
    tpu.wait_indirect_dma semaphore(%arg7 : memref<!tpu.dma_semaphore, #tpu.memory_space<semaphore_mem>>) src(%dma_wait3A_192 : memref<8192x32xf32, #tpu.memory_space<hbm>>) dst(%dma_wait3A_187 : memref<128x32xf32, #tpu.memory_space<vmem>>)
    %dma_wait3A_193 = arith.constant 1024 : i32
    %dma_wait3A_194 = arith.constant 0 : i32
    %dma_wait3A_195 = tpu.memref_slice %arg6[%dma_wait3A_193, %dma_wait3A_194] : memref<2048x32xf32, #tpu.memory_space<vmem>> -> memref<128x32xf32, #tpu.memory_space<vmem>>
    %dma_wait3A_196 = arith.constant 1024 : i32
    %dma_wait3A_197 = tpu.memref_slice %arg5[%dma_wait3A_196] : memref<4096xi32, #tpu.memory_space<vmem>> -> memref<128xi32, #tpu.memory_space<vmem>>
    %dma_wait3A_198 = arith.constant 0 : i32
    %dma_wait3A_199 = arith.constant 0 : i32
    %dma_wait3A_200 = tpu.memref_slice %arg2[%dma_wait3A_198, %dma_wait3A_199] : memref<8192x32xf32, #tpu.memory_space<hbm>> -> memref<8192x32xf32, #tpu.memory_space<hbm>>
    tpu.wait_indirect_dma semaphore(%arg7 : memref<!tpu.dma_semaphore, #tpu.memory_space<semaphore_mem>>) src(%dma_wait3A_200 : memref<8192x32xf32, #tpu.memory_space<hbm>>) dst(%dma_wait3A_195 : memref<128x32xf32, #tpu.memory_space<vmem>>)
    %dma_wait3A_201 = arith.constant 1152 : i32
    %dma_wait3A_202 = arith.constant 0 : i32
    %dma_wait3A_203 = tpu.memref_slice %arg6[%dma_wait3A_201, %dma_wait3A_202] : memref<2048x32xf32, #tpu.memory_space<vmem>> -> memref<128x32xf32, #tpu.memory_space<vmem>>
    %dma_wait3A_204 = arith.constant 1152 : i32
    %dma_wait3A_205 = tpu.memref_slice %arg5[%dma_wait3A_204] : memref<4096xi32, #tpu.memory_space<vmem>> -> memref<128xi32, #tpu.memory_space<vmem>>
    %dma_wait3A_206 = arith.constant 0 : i32
    %dma_wait3A_207 = arith.constant 0 : i32
    %dma_wait3A_208 = tpu.memref_slice %arg2[%dma_wait3A_206, %dma_wait3A_207] : memref<8192x32xf32, #tpu.memory_space<hbm>> -> memref<8192x32xf32, #tpu.memory_space<hbm>>
    tpu.wait_indirect_dma semaphore(%arg7 : memref<!tpu.dma_semaphore, #tpu.memory_space<semaphore_mem>>) src(%dma_wait3A_208 : memref<8192x32xf32, #tpu.memory_space<hbm>>) dst(%dma_wait3A_203 : memref<128x32xf32, #tpu.memory_space<vmem>>)
    %dma_wait3A_209 = arith.constant 1280 : i32
    %dma_wait3A_210 = arith.constant 0 : i32
    %dma_wait3A_211 = tpu.memref_slice %arg6[%dma_wait3A_209, %dma_wait3A_210] : memref<2048x32xf32, #tpu.memory_space<vmem>> -> memref<128x32xf32, #tpu.memory_space<vmem>>
    %dma_wait3A_212 = arith.constant 1280 : i32
    %dma_wait3A_213 = tpu.memref_slice %arg5[%dma_wait3A_212] : memref<4096xi32, #tpu.memory_space<vmem>> -> memref<128xi32, #tpu.memory_space<vmem>>
    %dma_wait3A_214 = arith.constant 0 : i32
    %dma_wait3A_215 = arith.constant 0 : i32
    %dma_wait3A_216 = tpu.memref_slice %arg2[%dma_wait3A_214, %dma_wait3A_215] : memref<8192x32xf32, #tpu.memory_space<hbm>> -> memref<8192x32xf32, #tpu.memory_space<hbm>>
    tpu.wait_indirect_dma semaphore(%arg7 : memref<!tpu.dma_semaphore, #tpu.memory_space<semaphore_mem>>) src(%dma_wait3A_216 : memref<8192x32xf32, #tpu.memory_space<hbm>>) dst(%dma_wait3A_211 : memref<128x32xf32, #tpu.memory_space<vmem>>)
    %dma_wait3A_217 = arith.constant 1408 : i32
    %dma_wait3A_218 = arith.constant 0 : i32
    %dma_wait3A_219 = tpu.memref_slice %arg6[%dma_wait3A_217, %dma_wait3A_218] : memref<2048x32xf32, #tpu.memory_space<vmem>> -> memref<128x32xf32, #tpu.memory_space<vmem>>
    %dma_wait3A_220 = arith.constant 1408 : i32
    %dma_wait3A_221 = tpu.memref_slice %arg5[%dma_wait3A_220] : memref<4096xi32, #tpu.memory_space<vmem>> -> memref<128xi32, #tpu.memory_space<vmem>>
    %dma_wait3A_222 = arith.constant 0 : i32
    %dma_wait3A_223 = arith.constant 0 : i32
    %dma_wait3A_224 = tpu.memref_slice %arg2[%dma_wait3A_222, %dma_wait3A_223] : memref<8192x32xf32, #tpu.memory_space<hbm>> -> memref<8192x32xf32, #tpu.memory_space<hbm>>
    tpu.wait_indirect_dma semaphore(%arg7 : memref<!tpu.dma_semaphore, #tpu.memory_space<semaphore_mem>>) src(%dma_wait3A_224 : memref<8192x32xf32, #tpu.memory_space<hbm>>) dst(%dma_wait3A_219 : memref<128x32xf32, #tpu.memory_space<vmem>>)
    %dma_wait3A_225 = arith.constant 1536 : i32
    %dma_wait3A_226 = arith.constant 0 : i32
    %dma_wait3A_227 = tpu.memref_slice %arg6[%dma_wait3A_225, %dma_wait3A_226] : memref<2048x32xf32, #tpu.memory_space<vmem>> -> memref<128x32xf32, #tpu.memory_space<vmem>>
    %dma_wait3A_228 = arith.constant 1536 : i32
    %dma_wait3A_229 = tpu.memref_slice %arg5[%dma_wait3A_228] : memref<4096xi32, #tpu.memory_space<vmem>> -> memref<128xi32, #tpu.memory_space<vmem>>
    %dma_wait3A_230 = arith.constant 0 : i32
    %dma_wait3A_231 = arith.constant 0 : i32
    %dma_wait3A_232 = tpu.memref_slice %arg2[%dma_wait3A_230, %dma_wait3A_231] : memref<8192x32xf32, #tpu.memory_space<hbm>> -> memref<8192x32xf32, #tpu.memory_space<hbm>>
    tpu.wait_indirect_dma semaphore(%arg7 : memref<!tpu.dma_semaphore, #tpu.memory_space<semaphore_mem>>) src(%dma_wait3A_232 : memref<8192x32xf32, #tpu.memory_space<hbm>>) dst(%dma_wait3A_227 : memref<128x32xf32, #tpu.memory_space<vmem>>)
    %dma_wait3A_233 = arith.constant 1664 : i32
    %dma_wait3A_234 = arith.constant 0 : i32
    %dma_wait3A_235 = tpu.memref_slice %arg6[%dma_wait3A_233, %dma_wait3A_234] : memref<2048x32xf32, #tpu.memory_space<vmem>> -> memref<128x32xf32, #tpu.memory_space<vmem>>
    %dma_wait3A_236 = arith.constant 1664 : i32
    %dma_wait3A_237 = tpu.memref_slice %arg5[%dma_wait3A_236] : memref<4096xi32, #tpu.memory_space<vmem>> -> memref<128xi32, #tpu.memory_space<vmem>>
    %dma_wait3A_238 = arith.constant 0 : i32
    %dma_wait3A_239 = arith.constant 0 : i32
    %dma_wait3A_240 = tpu.memref_slice %arg2[%dma_wait3A_238, %dma_wait3A_239] : memref<8192x32xf32, #tpu.memory_space<hbm>> -> memref<8192x32xf32, #tpu.memory_space<hbm>>
    tpu.wait_indirect_dma semaphore(%arg7 : memref<!tpu.dma_semaphore, #tpu.memory_space<semaphore_mem>>) src(%dma_wait3A_240 : memref<8192x32xf32, #tpu.memory_space<hbm>>) dst(%dma_wait3A_235 : memref<128x32xf32, #tpu.memory_space<vmem>>)
    %dma_wait3A_241 = arith.constant 1792 : i32
    %dma_wait3A_242 = arith.constant 0 : i32
    %dma_wait3A_243 = tpu.memref_slice %arg6[%dma_wait3A_241, %dma_wait3A_242] : memref<2048x32xf32, #tpu.memory_space<vmem>> -> memref<128x32xf32, #tpu.memory_space<vmem>>
    %dma_wait3A_244 = arith.constant 1792 : i32
    %dma_wait3A_245 = tpu.memref_slice %arg5[%dma_wait3A_244] : memref<4096xi32, #tpu.memory_space<vmem>> -> memref<128xi32, #tpu.memory_space<vmem>>
    %dma_wait3A_246 = arith.constant 0 : i32
    %dma_wait3A_247 = arith.constant 0 : i32
    %dma_wait3A_248 = tpu.memref_slice %arg2[%dma_wait3A_246, %dma_wait3A_247] : memref<8192x32xf32, #tpu.memory_space<hbm>> -> memref<8192x32xf32, #tpu.memory_space<hbm>>
    tpu.wait_indirect_dma semaphore(%arg7 : memref<!tpu.dma_semaphore, #tpu.memory_space<semaphore_mem>>) src(%dma_wait3A_248 : memref<8192x32xf32, #tpu.memory_space<hbm>>) dst(%dma_wait3A_243 : memref<128x32xf32, #tpu.memory_space<vmem>>)
    %dma_wait3A_249 = arith.constant 1920 : i32
    %dma_wait3A_250 = arith.constant 0 : i32
    %dma_wait3A_251 = tpu.memref_slice %arg6[%dma_wait3A_249, %dma_wait3A_250] : memref<2048x32xf32, #tpu.memory_space<vmem>> -> memref<128x32xf32, #tpu.memory_space<vmem>>
    %dma_wait3A_252 = arith.constant 1920 : i32
    %dma_wait3A_253 = tpu.memref_slice %arg5[%dma_wait3A_252] : memref<4096xi32, #tpu.memory_space<vmem>> -> memref<128xi32, #tpu.memory_space<vmem>>
    %dma_wait3A_254 = arith.constant 0 : i32
    %dma_wait3A_255 = arith.constant 0 : i32
    %dma_wait3A_256 = tpu.memref_slice %arg2[%dma_wait3A_254, %dma_wait3A_255] : memref<8192x32xf32, #tpu.memory_space<hbm>> -> memref<8192x32xf32, #tpu.memory_space<hbm>>
    tpu.wait_indirect_dma semaphore(%arg7 : memref<!tpu.dma_semaphore, #tpu.memory_space<semaphore_mem>>) src(%dma_wait3A_256 : memref<8192x32xf32, #tpu.memory_space<hbm>>) dst(%dma_wait3A_251 : memref<128x32xf32, #tpu.memory_space<vmem>>)
    %add3A_257 = arith.constant 0 : i32
    %add3A_258 = arith.addi %mul3A_2, %add3A_257 : i32
    "tpu.region"() ({
      %run_scoped3A = tpu.sem_alloc : memref<!tpu.dma_semaphore, #tpu.memory_space<semaphore_mem>>
      %dma_start3A_517 = arith.constant 0 : i32
      %dma_start3A_518 = tpu.memref_slice %arg4[%add3A_258, %dma_start3A_517] : memref<131072x32xf32, #tpu.memory_space<hbm>> -> memref<2048x32xf32, #tpu.memory_space<hbm>>
      %dma_start3A_519 = arith.constant 0 : i32
      %dma_start3A_520 = tpu.memref_slice %arg4[%add3A_258, %dma_start3A_519] : memref<131072x32xf32, #tpu.memory_space<hbm>> -> memref<2048x32xf32, #tpu.memory_space<hbm>>
      tpu.enqueue_dma source(%arg6 : memref<2048x32xf32, #tpu.memory_space<vmem>>) target(%dma_start3A_520 : memref<2048x32xf32, #tpu.memory_space<hbm>>) target_semaphore(%run_scoped3A : memref<!tpu.dma_semaphore, #tpu.memory_space<semaphore_mem>>)
      %dma_wait3A_521 = arith.constant 0 : i32
      %dma_wait3A_522 = tpu.memref_slice %arg4[%add3A_258, %dma_wait3A_521] : memref<131072x32xf32, #tpu.memory_space<hbm>> -> memref<2048x32xf32, #tpu.memory_space<hbm>>
      %dma_wait3A_523 = arith.constant 0 : i32
      %dma_wait3A_524 = tpu.memref_slice %arg4[%add3A_258, %dma_wait3A_523] : memref<131072x32xf32, #tpu.memory_space<hbm>> -> memref<2048x32xf32, #tpu.memory_space<hbm>>
      tpu.wait_dma2 semaphore(%run_scoped3A : memref<!tpu.dma_semaphore, #tpu.memory_space<semaphore_mem>>) src(%arg6 : memref<2048x32xf32, #tpu.memory_space<vmem>>) dst(%dma_wait3A_524 : memref<2048x32xf32, #tpu.memory_space<hbm>>)
      tpu.yield
    }) : () -> ()
    %dma_start3A_259 = arith.constant 0 : i32
    %dma_start3A_260 = arith.constant 0 : i32
    %dma_start3A_261 = tpu.memref_slice %arg6[%dma_start3A_259, %dma_start3A_260] : memref<2048x32xf32, #tpu.memory_space<vmem>> -> memref<128x32xf32, #tpu.memory_space<vmem>>
    %dma_start3A_262 = arith.constant 2048 : i32
    %dma_start3A_263 = tpu.memref_slice %arg5[%dma_start3A_262] : memref<4096xi32, #tpu.memory_space<vmem>> -> memref<128xi32, #tpu.memory_space<vmem>>
    %dma_start3A_264 = arith.constant 0 : i32
    %dma_start3A_265 = arith.constant 0 : i32
    %dma_start3A_266 = tpu.memref_slice %arg2[%dma_start3A_264, %dma_start3A_265] : memref<8192x32xf32, #tpu.memory_space<hbm>> -> memref<8192x32xf32, #tpu.memory_space<hbm>>
    tpu.enqueue_indirect_dma source(%dma_start3A_266 : memref<8192x32xf32, #tpu.memory_space<hbm>>) target(%dma_start3A_261 : memref<128x32xf32, #tpu.memory_space<vmem>>) offsets(%dma_start3A_263 : memref<128xi32, #tpu.memory_space<vmem>>) semaphore(%arg7 : memref<!tpu.dma_semaphore, #tpu.memory_space<semaphore_mem>>)
    %dma_start3A_267 = arith.constant 128 : i32
    %dma_start3A_268 = arith.constant 0 : i32
    %dma_start3A_269 = tpu.memref_slice %arg6[%dma_start3A_267, %dma_start3A_268] : memref<2048x32xf32, #tpu.memory_space<vmem>> -> memref<128x32xf32, #tpu.memory_space<vmem>>
    %dma_start3A_270 = arith.constant 2176 : i32
    %dma_start3A_271 = tpu.memref_slice %arg5[%dma_start3A_270] : memref<4096xi32, #tpu.memory_space<vmem>> -> memref<128xi32, #tpu.memory_space<vmem>>
    %dma_start3A_272 = arith.constant 0 : i32
    %dma_start3A_273 = arith.constant 0 : i32
    %dma_start3A_274 = tpu.memref_slice %arg2[%dma_start3A_272, %dma_start3A_273] : memref<8192x32xf32, #tpu.memory_space<hbm>> -> memref<8192x32xf32, #tpu.memory_space<hbm>>
    tpu.enqueue_indirect_dma source(%dma_start3A_274 : memref<8192x32xf32, #tpu.memory_space<hbm>>) target(%dma_start3A_269 : memref<128x32xf32, #tpu.memory_space<vmem>>) offsets(%dma_start3A_271 : memref<128xi32, #tpu.memory_space<vmem>>) semaphore(%arg7 : memref<!tpu.dma_semaphore, #tpu.memory_space<semaphore_mem>>)
    %dma_start3A_275 = arith.constant 256 : i32
    %dma_start3A_276 = arith.constant 0 : i32
    %dma_start3A_277 = tpu.memref_slice %arg6[%dma_start3A_275, %dma_start3A_276] : memref<2048x32xf32, #tpu.memory_space<vmem>> -> memref<128x32xf32, #tpu.memory_space<vmem>>
    %dma_start3A_278 = arith.constant 2304 : i32
    %dma_start3A_279 = tpu.memref_slice %arg5[%dma_start3A_278] : memref<4096xi32, #tpu.memory_space<vmem>> -> memref<128xi32, #tpu.memory_space<vmem>>
    %dma_start3A_280 = arith.constant 0 : i32
    %dma_start3A_281 = arith.constant 0 : i32
    %dma_start3A_282 = tpu.memref_slice %arg2[%dma_start3A_280, %dma_start3A_281] : memref<8192x32xf32, #tpu.memory_space<hbm>> -> memref<8192x32xf32, #tpu.memory_space<hbm>>
    tpu.enqueue_indirect_dma source(%dma_start3A_282 : memref<8192x32xf32, #tpu.memory_space<hbm>>) target(%dma_start3A_277 : memref<128x32xf32, #tpu.memory_space<vmem>>) offsets(%dma_start3A_279 : memref<128xi32, #tpu.memory_space<vmem>>) semaphore(%arg7 : memref<!tpu.dma_semaphore, #tpu.memory_space<semaphore_mem>>)
    %dma_start3A_283 = arith.constant 384 : i32
    %dma_start3A_284 = arith.constant 0 : i32
    %dma_start3A_285 = tpu.memref_slice %arg6[%dma_start3A_283, %dma_start3A_284] : memref<2048x32xf32, #tpu.memory_space<vmem>> -> memref<128x32xf32, #tpu.memory_space<vmem>>
    %dma_start3A_286 = arith.constant 2432 : i32
    %dma_start3A_287 = tpu.memref_slice %arg5[%dma_start3A_286] : memref<4096xi32, #tpu.memory_space<vmem>> -> memref<128xi32, #tpu.memory_space<vmem>>
    %dma_start3A_288 = arith.constant 0 : i32
    %dma_start3A_289 = arith.constant 0 : i32
    %dma_start3A_290 = tpu.memref_slice %arg2[%dma_start3A_288, %dma_start3A_289] : memref<8192x32xf32, #tpu.memory_space<hbm>> -> memref<8192x32xf32, #tpu.memory_space<hbm>>
    tpu.enqueue_indirect_dma source(%dma_start3A_290 : memref<8192x32xf32, #tpu.memory_space<hbm>>) target(%dma_start3A_285 : memref<128x32xf32, #tpu.memory_space<vmem>>) offsets(%dma_start3A_287 : memref<128xi32, #tpu.memory_space<vmem>>) semaphore(%arg7 : memref<!tpu.dma_semaphore, #tpu.memory_space<semaphore_mem>>)
    %dma_start3A_291 = arith.constant 512 : i32
    %dma_start3A_292 = arith.constant 0 : i32
    %dma_start3A_293 = tpu.memref_slice %arg6[%dma_start3A_291, %dma_start3A_292] : memref<2048x32xf32, #tpu.memory_space<vmem>> -> memref<128x32xf32, #tpu.memory_space<vmem>>
    %dma_start3A_294 = arith.constant 2560 : i32
    %dma_start3A_295 = tpu.memref_slice %arg5[%dma_start3A_294] : memref<4096xi32, #tpu.memory_space<vmem>> -> memref<128xi32, #tpu.memory_space<vmem>>
    %dma_start3A_296 = arith.constant 0 : i32
    %dma_start3A_297 = arith.constant 0 : i32
    %dma_start3A_298 = tpu.memref_slice %arg2[%dma_start3A_296, %dma_start3A_297] : memref<8192x32xf32, #tpu.memory_space<hbm>> -> memref<8192x32xf32, #tpu.memory_space<hbm>>
    tpu.enqueue_indirect_dma source(%dma_start3A_298 : memref<8192x32xf32, #tpu.memory_space<hbm>>) target(%dma_start3A_293 : memref<128x32xf32, #tpu.memory_space<vmem>>) offsets(%dma_start3A_295 : memref<128xi32, #tpu.memory_space<vmem>>) semaphore(%arg7 : memref<!tpu.dma_semaphore, #tpu.memory_space<semaphore_mem>>)
    %dma_start3A_299 = arith.constant 640 : i32
    %dma_start3A_300 = arith.constant 0 : i32
    %dma_start3A_301 = tpu.memref_slice %arg6[%dma_start3A_299, %dma_start3A_300] : memref<2048x32xf32, #tpu.memory_space<vmem>> -> memref<128x32xf32, #tpu.memory_space<vmem>>
    %dma_start3A_302 = arith.constant 2688 : i32
    %dma_start3A_303 = tpu.memref_slice %arg5[%dma_start3A_302] : memref<4096xi32, #tpu.memory_space<vmem>> -> memref<128xi32, #tpu.memory_space<vmem>>
    %dma_start3A_304 = arith.constant 0 : i32
    %dma_start3A_305 = arith.constant 0 : i32
    %dma_start3A_306 = tpu.memref_slice %arg2[%dma_start3A_304, %dma_start3A_305] : memref<8192x32xf32, #tpu.memory_space<hbm>> -> memref<8192x32xf32, #tpu.memory_space<hbm>>
    tpu.enqueue_indirect_dma source(%dma_start3A_306 : memref<8192x32xf32, #tpu.memory_space<hbm>>) target(%dma_start3A_301 : memref<128x32xf32, #tpu.memory_space<vmem>>) offsets(%dma_start3A_303 : memref<128xi32, #tpu.memory_space<vmem>>) semaphore(%arg7 : memref<!tpu.dma_semaphore, #tpu.memory_space<semaphore_mem>>)
    %dma_start3A_307 = arith.constant 768 : i32
    %dma_start3A_308 = arith.constant 0 : i32
    %dma_start3A_309 = tpu.memref_slice %arg6[%dma_start3A_307, %dma_start3A_308] : memref<2048x32xf32, #tpu.memory_space<vmem>> -> memref<128x32xf32, #tpu.memory_space<vmem>>
    %dma_start3A_310 = arith.constant 2816 : i32
    %dma_start3A_311 = tpu.memref_slice %arg5[%dma_start3A_310] : memref<4096xi32, #tpu.memory_space<vmem>> -> memref<128xi32, #tpu.memory_space<vmem>>
    %dma_start3A_312 = arith.constant 0 : i32
    %dma_start3A_313 = arith.constant 0 : i32
    %dma_start3A_314 = tpu.memref_slice %arg2[%dma_start3A_312, %dma_start3A_313] : memref<8192x32xf32, #tpu.memory_space<hbm>> -> memref<8192x32xf32, #tpu.memory_space<hbm>>
    tpu.enqueue_indirect_dma source(%dma_start3A_314 : memref<8192x32xf32, #tpu.memory_space<hbm>>) target(%dma_start3A_309 : memref<128x32xf32, #tpu.memory_space<vmem>>) offsets(%dma_start3A_311 : memref<128xi32, #tpu.memory_space<vmem>>) semaphore(%arg7 : memref<!tpu.dma_semaphore, #tpu.memory_space<semaphore_mem>>)
    %dma_start3A_315 = arith.constant 896 : i32
    %dma_start3A_316 = arith.constant 0 : i32
    %dma_start3A_317 = tpu.memref_slice %arg6[%dma_start3A_315, %dma_start3A_316] : memref<2048x32xf32, #tpu.memory_space<vmem>> -> memref<128x32xf32, #tpu.memory_space<vmem>>
    %dma_start3A_318 = arith.constant 2944 : i32
    %dma_start3A_319 = tpu.memref_slice %arg5[%dma_start3A_318] : memref<4096xi32, #tpu.memory_space<vmem>> -> memref<128xi32, #tpu.memory_space<vmem>>
    %dma_start3A_320 = arith.constant 0 : i32
    %dma_start3A_321 = arith.constant 0 : i32
    %dma_start3A_322 = tpu.memref_slice %arg2[%dma_start3A_320, %dma_start3A_321] : memref<8192x32xf32, #tpu.memory_space<hbm>> -> memref<8192x32xf32, #tpu.memory_space<hbm>>
    tpu.enqueue_indirect_dma source(%dma_start3A_322 : memref<8192x32xf32, #tpu.memory_space<hbm>>) target(%dma_start3A_317 : memref<128x32xf32, #tpu.memory_space<vmem>>) offsets(%dma_start3A_319 : memref<128xi32, #tpu.memory_space<vmem>>) semaphore(%arg7 : memref<!tpu.dma_semaphore, #tpu.memory_space<semaphore_mem>>)
    %dma_start3A_323 = arith.constant 1024 : i32
    %dma_start3A_324 = arith.constant 0 : i32
    %dma_start3A_325 = tpu.memref_slice %arg6[%dma_start3A_323, %dma_start3A_324] : memref<2048x32xf32, #tpu.memory_space<vmem>> -> memref<128x32xf32, #tpu.memory_space<vmem>>
    %dma_start3A_326 = arith.constant 3072 : i32
    %dma_start3A_327 = tpu.memref_slice %arg5[%dma_start3A_326] : memref<4096xi32, #tpu.memory_space<vmem>> -> memref<128xi32, #tpu.memory_space<vmem>>
    %dma_start3A_328 = arith.constant 0 : i32
    %dma_start3A_329 = arith.constant 0 : i32
    %dma_start3A_330 = tpu.memref_slice %arg2[%dma_start3A_328, %dma_start3A_329] : memref<8192x32xf32, #tpu.memory_space<hbm>> -> memref<8192x32xf32, #tpu.memory_space<hbm>>
    tpu.enqueue_indirect_dma source(%dma_start3A_330 : memref<8192x32xf32, #tpu.memory_space<hbm>>) target(%dma_start3A_325 : memref<128x32xf32, #tpu.memory_space<vmem>>) offsets(%dma_start3A_327 : memref<128xi32, #tpu.memory_space<vmem>>) semaphore(%arg7 : memref<!tpu.dma_semaphore, #tpu.memory_space<semaphore_mem>>)
    %dma_start3A_331 = arith.constant 1152 : i32
    %dma_start3A_332 = arith.constant 0 : i32
    %dma_start3A_333 = tpu.memref_slice %arg6[%dma_start3A_331, %dma_start3A_332] : memref<2048x32xf32, #tpu.memory_space<vmem>> -> memref<128x32xf32, #tpu.memory_space<vmem>>
    %dma_start3A_334 = arith.constant 3200 : i32
    %dma_start3A_335 = tpu.memref_slice %arg5[%dma_start3A_334] : memref<4096xi32, #tpu.memory_space<vmem>> -> memref<128xi32, #tpu.memory_space<vmem>>
    %dma_start3A_336 = arith.constant 0 : i32
    %dma_start3A_337 = arith.constant 0 : i32
    %dma_start3A_338 = tpu.memref_slice %arg2[%dma_start3A_336, %dma_start3A_337] : memref<8192x32xf32, #tpu.memory_space<hbm>> -> memref<8192x32xf32, #tpu.memory_space<hbm>>
    tpu.enqueue_indirect_dma source(%dma_start3A_338 : memref<8192x32xf32, #tpu.memory_space<hbm>>) target(%dma_start3A_333 : memref<128x32xf32, #tpu.memory_space<vmem>>) offsets(%dma_start3A_335 : memref<128xi32, #tpu.memory_space<vmem>>) semaphore(%arg7 : memref<!tpu.dma_semaphore, #tpu.memory_space<semaphore_mem>>)
    %dma_start3A_339 = arith.constant 1280 : i32
    %dma_start3A_340 = arith.constant 0 : i32
    %dma_start3A_341 = tpu.memref_slice %arg6[%dma_start3A_339, %dma_start3A_340] : memref<2048x32xf32, #tpu.memory_space<vmem>> -> memref<128x32xf32, #tpu.memory_space<vmem>>
    %dma_start3A_342 = arith.constant 3328 : i32
    %dma_start3A_343 = tpu.memref_slice %arg5[%dma_start3A_342] : memref<4096xi32, #tpu.memory_space<vmem>> -> memref<128xi32, #tpu.memory_space<vmem>>
    %dma_start3A_344 = arith.constant 0 : i32
    %dma_start3A_345 = arith.constant 0 : i32
    %dma_start3A_346 = tpu.memref_slice %arg2[%dma_start3A_344, %dma_start3A_345] : memref<8192x32xf32, #tpu.memory_space<hbm>> -> memref<8192x32xf32, #tpu.memory_space<hbm>>
    tpu.enqueue_indirect_dma source(%dma_start3A_346 : memref<8192x32xf32, #tpu.memory_space<hbm>>) target(%dma_start3A_341 : memref<128x32xf32, #tpu.memory_space<vmem>>) offsets(%dma_start3A_343 : memref<128xi32, #tpu.memory_space<vmem>>) semaphore(%arg7 : memref<!tpu.dma_semaphore, #tpu.memory_space<semaphore_mem>>)
    %dma_start3A_347 = arith.constant 1408 : i32
    %dma_start3A_348 = arith.constant 0 : i32
    %dma_start3A_349 = tpu.memref_slice %arg6[%dma_start3A_347, %dma_start3A_348] : memref<2048x32xf32, #tpu.memory_space<vmem>> -> memref<128x32xf32, #tpu.memory_space<vmem>>
    %dma_start3A_350 = arith.constant 3456 : i32
    %dma_start3A_351 = tpu.memref_slice %arg5[%dma_start3A_350] : memref<4096xi32, #tpu.memory_space<vmem>> -> memref<128xi32, #tpu.memory_space<vmem>>
    %dma_start3A_352 = arith.constant 0 : i32
    %dma_start3A_353 = arith.constant 0 : i32
    %dma_start3A_354 = tpu.memref_slice %arg2[%dma_start3A_352, %dma_start3A_353] : memref<8192x32xf32, #tpu.memory_space<hbm>> -> memref<8192x32xf32, #tpu.memory_space<hbm>>
    tpu.enqueue_indirect_dma source(%dma_start3A_354 : memref<8192x32xf32, #tpu.memory_space<hbm>>) target(%dma_start3A_349 : memref<128x32xf32, #tpu.memory_space<vmem>>) offsets(%dma_start3A_351 : memref<128xi32, #tpu.memory_space<vmem>>) semaphore(%arg7 : memref<!tpu.dma_semaphore, #tpu.memory_space<semaphore_mem>>)
    %dma_start3A_355 = arith.constant 1536 : i32
    %dma_start3A_356 = arith.constant 0 : i32
    %dma_start3A_357 = tpu.memref_slice %arg6[%dma_start3A_355, %dma_start3A_356] : memref<2048x32xf32, #tpu.memory_space<vmem>> -> memref<128x32xf32, #tpu.memory_space<vmem>>
    %dma_start3A_358 = arith.constant 3584 : i32
    %dma_start3A_359 = tpu.memref_slice %arg5[%dma_start3A_358] : memref<4096xi32, #tpu.memory_space<vmem>> -> memref<128xi32, #tpu.memory_space<vmem>>
    %dma_start3A_360 = arith.constant 0 : i32
    %dma_start3A_361 = arith.constant 0 : i32
    %dma_start3A_362 = tpu.memref_slice %arg2[%dma_start3A_360, %dma_start3A_361] : memref<8192x32xf32, #tpu.memory_space<hbm>> -> memref<8192x32xf32, #tpu.memory_space<hbm>>
    tpu.enqueue_indirect_dma source(%dma_start3A_362 : memref<8192x32xf32, #tpu.memory_space<hbm>>) target(%dma_start3A_357 : memref<128x32xf32, #tpu.memory_space<vmem>>) offsets(%dma_start3A_359 : memref<128xi32, #tpu.memory_space<vmem>>) semaphore(%arg7 : memref<!tpu.dma_semaphore, #tpu.memory_space<semaphore_mem>>)
    %dma_start3A_363 = arith.constant 1664 : i32
    %dma_start3A_364 = arith.constant 0 : i32
    %dma_start3A_365 = tpu.memref_slice %arg6[%dma_start3A_363, %dma_start3A_364] : memref<2048x32xf32, #tpu.memory_space<vmem>> -> memref<128x32xf32, #tpu.memory_space<vmem>>
    %dma_start3A_366 = arith.constant 3712 : i32
    %dma_start3A_367 = tpu.memref_slice %arg5[%dma_start3A_366] : memref<4096xi32, #tpu.memory_space<vmem>> -> memref<128xi32, #tpu.memory_space<vmem>>
    %dma_start3A_368 = arith.constant 0 : i32
    %dma_start3A_369 = arith.constant 0 : i32
    %dma_start3A_370 = tpu.memref_slice %arg2[%dma_start3A_368, %dma_start3A_369] : memref<8192x32xf32, #tpu.memory_space<hbm>> -> memref<8192x32xf32, #tpu.memory_space<hbm>>
    tpu.enqueue_indirect_dma source(%dma_start3A_370 : memref<8192x32xf32, #tpu.memory_space<hbm>>) target(%dma_start3A_365 : memref<128x32xf32, #tpu.memory_space<vmem>>) offsets(%dma_start3A_367 : memref<128xi32, #tpu.memory_space<vmem>>) semaphore(%arg7 : memref<!tpu.dma_semaphore, #tpu.memory_space<semaphore_mem>>)
    %dma_start3A_371 = arith.constant 1792 : i32
    %dma_start3A_372 = arith.constant 0 : i32
    %dma_start3A_373 = tpu.memref_slice %arg6[%dma_start3A_371, %dma_start3A_372] : memref<2048x32xf32, #tpu.memory_space<vmem>> -> memref<128x32xf32, #tpu.memory_space<vmem>>
    %dma_start3A_374 = arith.constant 3840 : i32
    %dma_start3A_375 = tpu.memref_slice %arg5[%dma_start3A_374] : memref<4096xi32, #tpu.memory_space<vmem>> -> memref<128xi32, #tpu.memory_space<vmem>>
    %dma_start3A_376 = arith.constant 0 : i32
    %dma_start3A_377 = arith.constant 0 : i32
    %dma_start3A_378 = tpu.memref_slice %arg2[%dma_start3A_376, %dma_start3A_377] : memref<8192x32xf32, #tpu.memory_space<hbm>> -> memref<8192x32xf32, #tpu.memory_space<hbm>>
    tpu.enqueue_indirect_dma source(%dma_start3A_378 : memref<8192x32xf32, #tpu.memory_space<hbm>>) target(%dma_start3A_373 : memref<128x32xf32, #tpu.memory_space<vmem>>) offsets(%dma_start3A_375 : memref<128xi32, #tpu.memory_space<vmem>>) semaphore(%arg7 : memref<!tpu.dma_semaphore, #tpu.memory_space<semaphore_mem>>)
    %dma_start3A_379 = arith.constant 1920 : i32
    %dma_start3A_380 = arith.constant 0 : i32
    %dma_start3A_381 = tpu.memref_slice %arg6[%dma_start3A_379, %dma_start3A_380] : memref<2048x32xf32, #tpu.memory_space<vmem>> -> memref<128x32xf32, #tpu.memory_space<vmem>>
    %dma_start3A_382 = arith.constant 3968 : i32
    %dma_start3A_383 = tpu.memref_slice %arg5[%dma_start3A_382] : memref<4096xi32, #tpu.memory_space<vmem>> -> memref<128xi32, #tpu.memory_space<vmem>>
    %dma_start3A_384 = arith.constant 0 : i32
    %dma_start3A_385 = arith.constant 0 : i32
    %dma_start3A_386 = tpu.memref_slice %arg2[%dma_start3A_384, %dma_start3A_385] : memref<8192x32xf32, #tpu.memory_space<hbm>> -> memref<8192x32xf32, #tpu.memory_space<hbm>>
    tpu.enqueue_indirect_dma source(%dma_start3A_386 : memref<8192x32xf32, #tpu.memory_space<hbm>>) target(%dma_start3A_381 : memref<128x32xf32, #tpu.memory_space<vmem>>) offsets(%dma_start3A_383 : memref<128xi32, #tpu.memory_space<vmem>>) semaphore(%arg7 : memref<!tpu.dma_semaphore, #tpu.memory_space<semaphore_mem>>)
    %dma_wait3A_387 = arith.constant 0 : i32
    %dma_wait3A_388 = arith.constant 0 : i32
    %dma_wait3A_389 = tpu.memref_slice %arg6[%dma_wait3A_387, %dma_wait3A_388] : memref<2048x32xf32, #tpu.memory_space<vmem>> -> memref<128x32xf32, #tpu.memory_space<vmem>>
    %dma_wait3A_390 = arith.constant 2048 : i32
    %dma_wait3A_391 = tpu.memref_slice %arg5[%dma_wait3A_390] : memref<4096xi32, #tpu.memory_space<vmem>> -> memref<128xi32, #tpu.memory_space<vmem>>
    %dma_wait3A_392 = arith.constant 0 : i32
    %dma_wait3A_393 = arith.constant 0 : i32
    %dma_wait3A_394 = tpu.memref_slice %arg2[%dma_wait3A_392, %dma_wait3A_393] : memref<8192x32xf32, #tpu.memory_space<hbm>> -> memref<8192x32xf32, #tpu.memory_space<hbm>>
    tpu.wait_indirect_dma semaphore(%arg7 : memref<!tpu.dma_semaphore, #tpu.memory_space<semaphore_mem>>) src(%dma_wait3A_394 : memref<8192x32xf32, #tpu.memory_space<hbm>>) dst(%dma_wait3A_389 : memref<128x32xf32, #tpu.memory_space<vmem>>)
    %dma_wait3A_395 = arith.constant 128 : i32
    %dma_wait3A_396 = arith.constant 0 : i32
    %dma_wait3A_397 = tpu.memref_slice %arg6[%dma_wait3A_395, %dma_wait3A_396] : memref<2048x32xf32, #tpu.memory_space<vmem>> -> memref<128x32xf32, #tpu.memory_space<vmem>>
    %dma_wait3A_398 = arith.constant 2176 : i32
    %dma_wait3A_399 = tpu.memref_slice %arg5[%dma_wait3A_398] : memref<4096xi32, #tpu.memory_space<vmem>> -> memref<128xi32, #tpu.memory_space<vmem>>
    %dma_wait3A_400 = arith.constant 0 : i32
    %dma_wait3A_401 = arith.constant 0 : i32
    %dma_wait3A_402 = tpu.memref_slice %arg2[%dma_wait3A_400, %dma_wait3A_401] : memref<8192x32xf32, #tpu.memory_space<hbm>> -> memref<8192x32xf32, #tpu.memory_space<hbm>>
    tpu.wait_indirect_dma semaphore(%arg7 : memref<!tpu.dma_semaphore, #tpu.memory_space<semaphore_mem>>) src(%dma_wait3A_402 : memref<8192x32xf32, #tpu.memory_space<hbm>>) dst(%dma_wait3A_397 : memref<128x32xf32, #tpu.memory_space<vmem>>)
    %dma_wait3A_403 = arith.constant 256 : i32
    %dma_wait3A_404 = arith.constant 0 : i32
    %dma_wait3A_405 = tpu.memref_slice %arg6[%dma_wait3A_403, %dma_wait3A_404] : memref<2048x32xf32, #tpu.memory_space<vmem>> -> memref<128x32xf32, #tpu.memory_space<vmem>>
    %dma_wait3A_406 = arith.constant 2304 : i32
    %dma_wait3A_407 = tpu.memref_slice %arg5[%dma_wait3A_406] : memref<4096xi32, #tpu.memory_space<vmem>> -> memref<128xi32, #tpu.memory_space<vmem>>
    %dma_wait3A_408 = arith.constant 0 : i32
    %dma_wait3A_409 = arith.constant 0 : i32
    %dma_wait3A_410 = tpu.memref_slice %arg2[%dma_wait3A_408, %dma_wait3A_409] : memref<8192x32xf32, #tpu.memory_space<hbm>> -> memref<8192x32xf32, #tpu.memory_space<hbm>>
    tpu.wait_indirect_dma semaphore(%arg7 : memref<!tpu.dma_semaphore, #tpu.memory_space<semaphore_mem>>) src(%dma_wait3A_410 : memref<8192x32xf32, #tpu.memory_space<hbm>>) dst(%dma_wait3A_405 : memref<128x32xf32, #tpu.memory_space<vmem>>)
    %dma_wait3A_411 = arith.constant 384 : i32
    %dma_wait3A_412 = arith.constant 0 : i32
    %dma_wait3A_413 = tpu.memref_slice %arg6[%dma_wait3A_411, %dma_wait3A_412] : memref<2048x32xf32, #tpu.memory_space<vmem>> -> memref<128x32xf32, #tpu.memory_space<vmem>>
    %dma_wait3A_414 = arith.constant 2432 : i32
    %dma_wait3A_415 = tpu.memref_slice %arg5[%dma_wait3A_414] : memref<4096xi32, #tpu.memory_space<vmem>> -> memref<128xi32, #tpu.memory_space<vmem>>
    %dma_wait3A_416 = arith.constant 0 : i32
    %dma_wait3A_417 = arith.constant 0 : i32
    %dma_wait3A_418 = tpu.memref_slice %arg2[%dma_wait3A_416, %dma_wait3A_417] : memref<8192x32xf32, #tpu.memory_space<hbm>> -> memref<8192x32xf32, #tpu.memory_space<hbm>>
    tpu.wait_indirect_dma semaphore(%arg7 : memref<!tpu.dma_semaphore, #tpu.memory_space<semaphore_mem>>) src(%dma_wait3A_418 : memref<8192x32xf32, #tpu.memory_space<hbm>>) dst(%dma_wait3A_413 : memref<128x32xf32, #tpu.memory_space<vmem>>)
    %dma_wait3A_419 = arith.constant 512 : i32
    %dma_wait3A_420 = arith.constant 0 : i32
    %dma_wait3A_421 = tpu.memref_slice %arg6[%dma_wait3A_419, %dma_wait3A_420] : memref<2048x32xf32, #tpu.memory_space<vmem>> -> memref<128x32xf32, #tpu.memory_space<vmem>>
    %dma_wait3A_422 = arith.constant 2560 : i32
    %dma_wait3A_423 = tpu.memref_slice %arg5[%dma_wait3A_422] : memref<4096xi32, #tpu.memory_space<vmem>> -> memref<128xi32, #tpu.memory_space<vmem>>
    %dma_wait3A_424 = arith.constant 0 : i32
    %dma_wait3A_425 = arith.constant 0 : i32
    %dma_wait3A_426 = tpu.memref_slice %arg2[%dma_wait3A_424, %dma_wait3A_425] : memref<8192x32xf32, #tpu.memory_space<hbm>> -> memref<8192x32xf32, #tpu.memory_space<hbm>>
    tpu.wait_indirect_dma semaphore(%arg7 : memref<!tpu.dma_semaphore, #tpu.memory_space<semaphore_mem>>) src(%dma_wait3A_426 : memref<8192x32xf32, #tpu.memory_space<hbm>>) dst(%dma_wait3A_421 : memref<128x32xf32, #tpu.memory_space<vmem>>)
    %dma_wait3A_427 = arith.constant 640 : i32
    %dma_wait3A_428 = arith.constant 0 : i32
    %dma_wait3A_429 = tpu.memref_slice %arg6[%dma_wait3A_427, %dma_wait3A_428] : memref<2048x32xf32, #tpu.memory_space<vmem>> -> memref<128x32xf32, #tpu.memory_space<vmem>>
    %dma_wait3A_430 = arith.constant 2688 : i32
    %dma_wait3A_431 = tpu.memref_slice %arg5[%dma_wait3A_430] : memref<4096xi32, #tpu.memory_space<vmem>> -> memref<128xi32, #tpu.memory_space<vmem>>
    %dma_wait3A_432 = arith.constant 0 : i32
    %dma_wait3A_433 = arith.constant 0 : i32
    %dma_wait3A_434 = tpu.memref_slice %arg2[%dma_wait3A_432, %dma_wait3A_433] : memref<8192x32xf32, #tpu.memory_space<hbm>> -> memref<8192x32xf32, #tpu.memory_space<hbm>>
    tpu.wait_indirect_dma semaphore(%arg7 : memref<!tpu.dma_semaphore, #tpu.memory_space<semaphore_mem>>) src(%dma_wait3A_434 : memref<8192x32xf32, #tpu.memory_space<hbm>>) dst(%dma_wait3A_429 : memref<128x32xf32, #tpu.memory_space<vmem>>)
    %dma_wait3A_435 = arith.constant 768 : i32
    %dma_wait3A_436 = arith.constant 0 : i32
    %dma_wait3A_437 = tpu.memref_slice %arg6[%dma_wait3A_435, %dma_wait3A_436] : memref<2048x32xf32, #tpu.memory_space<vmem>> -> memref<128x32xf32, #tpu.memory_space<vmem>>
    %dma_wait3A_438 = arith.constant 2816 : i32
    %dma_wait3A_439 = tpu.memref_slice %arg5[%dma_wait3A_438] : memref<4096xi32, #tpu.memory_space<vmem>> -> memref<128xi32, #tpu.memory_space<vmem>>
    %dma_wait3A_440 = arith.constant 0 : i32
    %dma_wait3A_441 = arith.constant 0 : i32
    %dma_wait3A_442 = tpu.memref_slice %arg2[%dma_wait3A_440, %dma_wait3A_441] : memref<8192x32xf32, #tpu.memory_space<hbm>> -> memref<8192x32xf32, #tpu.memory_space<hbm>>
    tpu.wait_indirect_dma semaphore(%arg7 : memref<!tpu.dma_semaphore, #tpu.memory_space<semaphore_mem>>) src(%dma_wait3A_442 : memref<8192x32xf32, #tpu.memory_space<hbm>>) dst(%dma_wait3A_437 : memref<128x32xf32, #tpu.memory_space<vmem>>)
    %dma_wait3A_443 = arith.constant 896 : i32
    %dma_wait3A_444 = arith.constant 0 : i32
    %dma_wait3A_445 = tpu.memref_slice %arg6[%dma_wait3A_443, %dma_wait3A_444] : memref<2048x32xf32, #tpu.memory_space<vmem>> -> memref<128x32xf32, #tpu.memory_space<vmem>>
    %dma_wait3A_446 = arith.constant 2944 : i32
    %dma_wait3A_447 = tpu.memref_slice %arg5[%dma_wait3A_446] : memref<4096xi32, #tpu.memory_space<vmem>> -> memref<128xi32, #tpu.memory_space<vmem>>
    %dma_wait3A_448 = arith.constant 0 : i32
    %dma_wait3A_449 = arith.constant 0 : i32
    %dma_wait3A_450 = tpu.memref_slice %arg2[%dma_wait3A_448, %dma_wait3A_449] : memref<8192x32xf32, #tpu.memory_space<hbm>> -> memref<8192x32xf32, #tpu.memory_space<hbm>>
    tpu.wait_indirect_dma semaphore(%arg7 : memref<!tpu.dma_semaphore, #tpu.memory_space<semaphore_mem>>) src(%dma_wait3A_450 : memref<8192x32xf32, #tpu.memory_space<hbm>>) dst(%dma_wait3A_445 : memref<128x32xf32, #tpu.memory_space<vmem>>)
    %dma_wait3A_451 = arith.constant 1024 : i32
    %dma_wait3A_452 = arith.constant 0 : i32
    %dma_wait3A_453 = tpu.memref_slice %arg6[%dma_wait3A_451, %dma_wait3A_452] : memref<2048x32xf32, #tpu.memory_space<vmem>> -> memref<128x32xf32, #tpu.memory_space<vmem>>
    %dma_wait3A_454 = arith.constant 3072 : i32
    %dma_wait3A_455 = tpu.memref_slice %arg5[%dma_wait3A_454] : memref<4096xi32, #tpu.memory_space<vmem>> -> memref<128xi32, #tpu.memory_space<vmem>>
    %dma_wait3A_456 = arith.constant 0 : i32
    %dma_wait3A_457 = arith.constant 0 : i32
    %dma_wait3A_458 = tpu.memref_slice %arg2[%dma_wait3A_456, %dma_wait3A_457] : memref<8192x32xf32, #tpu.memory_space<hbm>> -> memref<8192x32xf32, #tpu.memory_space<hbm>>
    tpu.wait_indirect_dma semaphore(%arg7 : memref<!tpu.dma_semaphore, #tpu.memory_space<semaphore_mem>>) src(%dma_wait3A_458 : memref<8192x32xf32, #tpu.memory_space<hbm>>) dst(%dma_wait3A_453 : memref<128x32xf32, #tpu.memory_space<vmem>>)
    %dma_wait3A_459 = arith.constant 1152 : i32
    %dma_wait3A_460 = arith.constant 0 : i32
    %dma_wait3A_461 = tpu.memref_slice %arg6[%dma_wait3A_459, %dma_wait3A_460] : memref<2048x32xf32, #tpu.memory_space<vmem>> -> memref<128x32xf32, #tpu.memory_space<vmem>>
    %dma_wait3A_462 = arith.constant 3200 : i32
    %dma_wait3A_463 = tpu.memref_slice %arg5[%dma_wait3A_462] : memref<4096xi32, #tpu.memory_space<vmem>> -> memref<128xi32, #tpu.memory_space<vmem>>
    %dma_wait3A_464 = arith.constant 0 : i32
    %dma_wait3A_465 = arith.constant 0 : i32
    %dma_wait3A_466 = tpu.memref_slice %arg2[%dma_wait3A_464, %dma_wait3A_465] : memref<8192x32xf32, #tpu.memory_space<hbm>> -> memref<8192x32xf32, #tpu.memory_space<hbm>>
    tpu.wait_indirect_dma semaphore(%arg7 : memref<!tpu.dma_semaphore, #tpu.memory_space<semaphore_mem>>) src(%dma_wait3A_466 : memref<8192x32xf32, #tpu.memory_space<hbm>>) dst(%dma_wait3A_461 : memref<128x32xf32, #tpu.memory_space<vmem>>)
    %dma_wait3A_467 = arith.constant 1280 : i32
    %dma_wait3A_468 = arith.constant 0 : i32
    %dma_wait3A_469 = tpu.memref_slice %arg6[%dma_wait3A_467, %dma_wait3A_468] : memref<2048x32xf32, #tpu.memory_space<vmem>> -> memref<128x32xf32, #tpu.memory_space<vmem>>
    %dma_wait3A_470 = arith.constant 3328 : i32
    %dma_wait3A_471 = tpu.memref_slice %arg5[%dma_wait3A_470] : memref<4096xi32, #tpu.memory_space<vmem>> -> memref<128xi32, #tpu.memory_space<vmem>>
    %dma_wait3A_472 = arith.constant 0 : i32
    %dma_wait3A_473 = arith.constant 0 : i32
    %dma_wait3A_474 = tpu.memref_slice %arg2[%dma_wait3A_472, %dma_wait3A_473] : memref<8192x32xf32, #tpu.memory_space<hbm>> -> memref<8192x32xf32, #tpu.memory_space<hbm>>
    tpu.wait_indirect_dma semaphore(%arg7 : memref<!tpu.dma_semaphore, #tpu.memory_space<semaphore_mem>>) src(%dma_wait3A_474 : memref<8192x32xf32, #tpu.memory_space<hbm>>) dst(%dma_wait3A_469 : memref<128x32xf32, #tpu.memory_space<vmem>>)
    %dma_wait3A_475 = arith.constant 1408 : i32
    %dma_wait3A_476 = arith.constant 0 : i32
    %dma_wait3A_477 = tpu.memref_slice %arg6[%dma_wait3A_475, %dma_wait3A_476] : memref<2048x32xf32, #tpu.memory_space<vmem>> -> memref<128x32xf32, #tpu.memory_space<vmem>>
    %dma_wait3A_478 = arith.constant 3456 : i32
    %dma_wait3A_479 = tpu.memref_slice %arg5[%dma_wait3A_478] : memref<4096xi32, #tpu.memory_space<vmem>> -> memref<128xi32, #tpu.memory_space<vmem>>
    %dma_wait3A_480 = arith.constant 0 : i32
    %dma_wait3A_481 = arith.constant 0 : i32
    %dma_wait3A_482 = tpu.memref_slice %arg2[%dma_wait3A_480, %dma_wait3A_481] : memref<8192x32xf32, #tpu.memory_space<hbm>> -> memref<8192x32xf32, #tpu.memory_space<hbm>>
    tpu.wait_indirect_dma semaphore(%arg7 : memref<!tpu.dma_semaphore, #tpu.memory_space<semaphore_mem>>) src(%dma_wait3A_482 : memref<8192x32xf32, #tpu.memory_space<hbm>>) dst(%dma_wait3A_477 : memref<128x32xf32, #tpu.memory_space<vmem>>)
    %dma_wait3A_483 = arith.constant 1536 : i32
    %dma_wait3A_484 = arith.constant 0 : i32
    %dma_wait3A_485 = tpu.memref_slice %arg6[%dma_wait3A_483, %dma_wait3A_484] : memref<2048x32xf32, #tpu.memory_space<vmem>> -> memref<128x32xf32, #tpu.memory_space<vmem>>
    %dma_wait3A_486 = arith.constant 3584 : i32
    %dma_wait3A_487 = tpu.memref_slice %arg5[%dma_wait3A_486] : memref<4096xi32, #tpu.memory_space<vmem>> -> memref<128xi32, #tpu.memory_space<vmem>>
    %dma_wait3A_488 = arith.constant 0 : i32
    %dma_wait3A_489 = arith.constant 0 : i32
    %dma_wait3A_490 = tpu.memref_slice %arg2[%dma_wait3A_488, %dma_wait3A_489] : memref<8192x32xf32, #tpu.memory_space<hbm>> -> memref<8192x32xf32, #tpu.memory_space<hbm>>
    tpu.wait_indirect_dma semaphore(%arg7 : memref<!tpu.dma_semaphore, #tpu.memory_space<semaphore_mem>>) src(%dma_wait3A_490 : memref<8192x32xf32, #tpu.memory_space<hbm>>) dst(%dma_wait3A_485 : memref<128x32xf32, #tpu.memory_space<vmem>>)
    %dma_wait3A_491 = arith.constant 1664 : i32
    %dma_wait3A_492 = arith.constant 0 : i32
    %dma_wait3A_493 = tpu.memref_slice %arg6[%dma_wait3A_491, %dma_wait3A_492] : memref<2048x32xf32, #tpu.memory_space<vmem>> -> memref<128x32xf32, #tpu.memory_space<vmem>>
    %dma_wait3A_494 = arith.constant 3712 : i32
    %dma_wait3A_495 = tpu.memref_slice %arg5[%dma_wait3A_494] : memref<4096xi32, #tpu.memory_space<vmem>> -> memref<128xi32, #tpu.memory_space<vmem>>
    %dma_wait3A_496 = arith.constant 0 : i32
    %dma_wait3A_497 = arith.constant 0 : i32
    %dma_wait3A_498 = tpu.memref_slice %arg2[%dma_wait3A_496, %dma_wait3A_497] : memref<8192x32xf32, #tpu.memory_space<hbm>> -> memref<8192x32xf32, #tpu.memory_space<hbm>>
    tpu.wait_indirect_dma semaphore(%arg7 : memref<!tpu.dma_semaphore, #tpu.memory_space<semaphore_mem>>) src(%dma_wait3A_498 : memref<8192x32xf32, #tpu.memory_space<hbm>>) dst(%dma_wait3A_493 : memref<128x32xf32, #tpu.memory_space<vmem>>)
    %dma_wait3A_499 = arith.constant 1792 : i32
    %dma_wait3A_500 = arith.constant 0 : i32
    %dma_wait3A_501 = tpu.memref_slice %arg6[%dma_wait3A_499, %dma_wait3A_500] : memref<2048x32xf32, #tpu.memory_space<vmem>> -> memref<128x32xf32, #tpu.memory_space<vmem>>
    %dma_wait3A_502 = arith.constant 3840 : i32
    %dma_wait3A_503 = tpu.memref_slice %arg5[%dma_wait3A_502] : memref<4096xi32, #tpu.memory_space<vmem>> -> memref<128xi32, #tpu.memory_space<vmem>>
    %dma_wait3A_504 = arith.constant 0 : i32
    %dma_wait3A_505 = arith.constant 0 : i32
    %dma_wait3A_506 = tpu.memref_slice %arg2[%dma_wait3A_504, %dma_wait3A_505] : memref<8192x32xf32, #tpu.memory_space<hbm>> -> memref<8192x32xf32, #tpu.memory_space<hbm>>
    tpu.wait_indirect_dma semaphore(%arg7 : memref<!tpu.dma_semaphore, #tpu.memory_space<semaphore_mem>>) src(%dma_wait3A_506 : memref<8192x32xf32, #tpu.memory_space<hbm>>) dst(%dma_wait3A_501 : memref<128x32xf32, #tpu.memory_space<vmem>>)
    %dma_wait3A_507 = arith.constant 1920 : i32
    %dma_wait3A_508 = arith.constant 0 : i32
    %dma_wait3A_509 = tpu.memref_slice %arg6[%dma_wait3A_507, %dma_wait3A_508] : memref<2048x32xf32, #tpu.memory_space<vmem>> -> memref<128x32xf32, #tpu.memory_space<vmem>>
    %dma_wait3A_510 = arith.constant 3968 : i32
    %dma_wait3A_511 = tpu.memref_slice %arg5[%dma_wait3A_510] : memref<4096xi32, #tpu.memory_space<vmem>> -> memref<128xi32, #tpu.memory_space<vmem>>
    %dma_wait3A_512 = arith.constant 0 : i32
    %dma_wait3A_513 = arith.constant 0 : i32
    %dma_wait3A_514 = tpu.memref_slice %arg2[%dma_wait3A_512, %dma_wait3A_513] : memref<8192x32xf32, #tpu.memory_space<hbm>> -> memref<8192x32xf32, #tpu.memory_space<hbm>>
    tpu.wait_indirect_dma semaphore(%arg7 : memref<!tpu.dma_semaphore, #tpu.memory_space<semaphore_mem>>) src(%dma_wait3A_514 : memref<8192x32xf32, #tpu.memory_space<hbm>>) dst(%dma_wait3A_509 : memref<128x32xf32, #tpu.memory_space<vmem>>)
    %add3A_515 = arith.constant 2048 : i32
    %add3A_516 = arith.addi %mul3A_2, %add3A_515 : i32
    "tpu.region"() ({
      %run_scoped3A = tpu.sem_alloc : memref<!tpu.dma_semaphore, #tpu.memory_space<semaphore_mem>>
      %dma_start3A_517 = arith.constant 0 : i32
      %dma_start3A_518 = tpu.memref_slice %arg4[%add3A_516, %dma_start3A_517] : memref<131072x32xf32, #tpu.memory_space<hbm>> -> memref<2048x32xf32, #tpu.memory_space<hbm>>
      %dma_start3A_519 = arith.constant 0 : i32
      %dma_start3A_520 = tpu.memref_slice %arg4[%add3A_516, %dma_start3A_519] : memref<131072x32xf32, #tpu.memory_space<hbm>> -> memref<2048x32xf32, #tpu.memory_space<hbm>>
      tpu.enqueue_dma source(%arg6 : memref<2048x32xf32, #tpu.memory_space<vmem>>) target(%dma_start3A_520 : memref<2048x32xf32, #tpu.memory_space<hbm>>) target_semaphore(%run_scoped3A : memref<!tpu.dma_semaphore, #tpu.memory_space<semaphore_mem>>)
      %dma_wait3A_521 = arith.constant 0 : i32
      %dma_wait3A_522 = tpu.memref_slice %arg4[%add3A_516, %dma_wait3A_521] : memref<131072x32xf32, #tpu.memory_space<hbm>> -> memref<2048x32xf32, #tpu.memory_space<hbm>>
      %dma_wait3A_523 = arith.constant 0 : i32
      %dma_wait3A_524 = tpu.memref_slice %arg4[%add3A_516, %dma_wait3A_523] : memref<131072x32xf32, #tpu.memory_space<hbm>> -> memref<2048x32xf32, #tpu.memory_space<hbm>>
      tpu.wait_dma2 semaphore(%run_scoped3A : memref<!tpu.dma_semaphore, #tpu.memory_space<semaphore_mem>>) src(%arg6 : memref<2048x32xf32, #tpu.memory_space<vmem>>) dst(%dma_wait3A_524 : memref<2048x32xf32, #tpu.memory_space<hbm>>)
      tpu.yield
    }) : () -> ()
    return
  }
}

module attributes {stable_mosaic.version = 14 : i64} {
  func.func @_topk_body(%arg0: i32, %arg1: i32, %arg2: memref<16xi32, #tpu.memory_space<smem>>, %arg3: memref<16xi32, #tpu.memory_space<smem>>, %arg4: memref<8xi32, #tpu.memory_space<smem>>, %arg5: memref<8xi32, #tpu.memory_space<smem>>, %arg6: memref<512x8xf32, #tpu.memory_space<vmem>>, %arg7: memref<8x1024xf32, #tpu.memory_space<vmem>>, %arg8: memref<512x1xf32, #tpu.memory_space<vmem>>, %arg9: memref<1x1024xf32, #tpu.memory_space<vmem>>, %arg10: memref<512x16xi32, #tpu.memory_space<vmem>>, %arg11: memref<512x528xf32, #tpu.memory_space<vmem>>, %arg12: memref<512x528xf32, #tpu.memory_space<vmem>>, %arg13: memref<512x512xf32, #tpu.memory_space<vmem>>, %arg14: memref<512x512xf32, #tpu.memory_space<vmem>>) attributes {dimension_semantics = [#tpu.dimension_semantics<arbitrary>, #tpu.dimension_semantics<arbitrary>], iteration_bounds = array<i64: 16, 8>, scalar_prefetch = 4 : i64, scratch_operands = 4 : i64, tpu.core_type = #tpu.core_type<tc>, window_params = [{transform_indices = @transform_0, window_bounds = array<i64: 512, 8>}, {transform_indices = @transform_1, window_bounds = array<i64: 8, 1024>}, {transform_indices = @transform_2, window_bounds = array<i64: 512, 1>}, {transform_indices = @transform_3, window_bounds = array<i64: 1, 1024>}, {transform_indices = @transform_4, window_bounds = array<i64: 512, 16>}]} {
    %eq3A = arith.constant 0 : i32
    %eq3A_0 = arith.cmpi eq, %arg1, %eq3A : i32
    %convert_element_type3A = arith.extui %eq3A_0 : i1 to i32
    %cond3A = arith.constant 0 : i32
    %cond3A_1 = arith.cmpi ne, %convert_element_type3A, %cond3A : i32
    scf.if %cond3A_1 {
      %broadcast_in_dim3A = arith.constant 1.000000e+30 : f32
      %broadcast_in_dim3A_18 = vector.broadcast %broadcast_in_dim3A : f32 to vector<512x16xf32>
      %swap3A = arith.constant 0 : index
      %swap3A_19 = arith.constant 512 : index
      %swap3A_20 = vector.load %arg11[%swap3A, %swap3A_19] : memref<512x528xf32, #tpu.memory_space<vmem>>, vector<512x16xf32>
      tpu.vector_store %arg11[%swap3A, %swap3A_19], %broadcast_in_dim3A_18 {strides = array<i32>} : memref<512x528xf32, #tpu.memory_space<vmem>>, vector<512x16xf32>,
      %broadcast_in_dim3A_21 = arith.constant 0.000000e+00 : f32
      %broadcast_in_dim3A_22 = vector.broadcast %broadcast_in_dim3A_21 : f32 to vector<512x16xf32>
      %swap3A_23 = arith.constant 0 : index
      %swap3A_24 = arith.constant 512 : index
      %swap3A_25 = vector.load %arg12[%swap3A_23, %swap3A_24] : memref<512x528xf32, #tpu.memory_space<vmem>>, vector<512x16xf32>
      tpu.vector_store %arg12[%swap3A_23, %swap3A_24], %broadcast_in_dim3A_22 {strides = array<i32>} : memref<512x528xf32, #tpu.memory_space<vmem>>, vector<512x16xf32>,
    } else {
    }
    %get3A = arith.index_cast %arg0 : i32 to index
    %get3A_2 = memref.load %arg2[%get3A] : memref<16xi32, #tpu.memory_space<smem>>
    %get3A_3 = arith.index_cast %arg1 : i32 to index
    %get3A_4 = memref.load %arg5[%get3A_3] : memref<8xi32, #tpu.memory_space<smem>>
    %le3A = arith.cmpi sle, %get3A_2, %get3A_4 : i32
    %get3A_5 = arith.index_cast %arg1 : i32 to index
    %get3A_6 = memref.load %arg4[%get3A_5] : memref<8xi32, #tpu.memory_space<smem>>
    %get3A_7 = arith.index_cast %arg0 : i32 to index
    %get3A_8 = memref.load %arg3[%get3A_7] : memref<16xi32, #tpu.memory_space<smem>>
    %le3A_9 = arith.cmpi sle, %get3A_6, %get3A_8 : i32
    %and3A = arith.andi %le3A, %le3A_9 : i1
    %convert_element_type3A_10 = arith.extui %and3A : i1 to i32
    %cond3A_11 = arith.constant 0 : i32
    %cond3A_12 = arith.cmpi ne, %convert_element_type3A_10, %cond3A_11 : i32
    scf.if %cond3A_12 {
      %get3A_18 = arith.constant 0 : index
      %get3A_19 = arith.constant 0 : index
      %get3A_20 = vector.load %arg6[%get3A_18, %get3A_19] : memref<512x8xf32, #tpu.memory_space<vmem>>, vector<512x8xf32>
      %get3A_21 = arith.constant 0 : index
      %get3A_22 = arith.constant 0 : index
      %get3A_23 = vector.load %arg7[%get3A_21, %get3A_22] : memref<8x1024xf32, #tpu.memory_space<vmem>>, vector<8x1024xf32>
      %dot_general3A = arith.constant dense<0.000000e+00> : vector<512x1024xf32>
      %dot_general3A_24 = tpu.matmul %get3A_20, %get3A_23, %dot_general3A {dimension_numbers = #tpu.dot_dimension_numbers<[1], [0], [0], [1], [0, 0, 1, 1], [], []>, transpose_lhs_hint = false} : vector<512x8xf32>, vector<8x1024xf32>, vector<512x1024xf32> -> vector<512x1024xf32>
      %mul3A = arith.mulf %get3A_20, %get3A_20 : vector<512x8xf32>
      %reduce_sum3A = arith.constant dense<0.000000e+00> : vector<512xf32>
      %reduce_sum3A_25 = vector.multi_reduction <add>, %mul3A, %reduce_sum3A [1] : vector<512x8xf32> to vector<512xf32>
      %broadcast_in_dim3A = vector.shape_cast %reduce_sum3A_25 : vector<512xf32> to vector<512x1xf32>
      %mul3A_26 = arith.mulf %get3A_23, %get3A_23 : vector<8x1024xf32>
      %reduce_sum3A_27 = arith.constant dense<0.000000e+00> : vector<1024xf32>
      %reduce_sum3A_28 = vector.multi_reduction <add>, %mul3A_26, %reduce_sum3A_27 [0] : vector<8x1024xf32> to vector<1024xf32>
      %broadcast_in_dim3A_29 = vector.shape_cast %reduce_sum3A_28 : vector<1024xf32> to vector<1x1024xf32>
      %add3A = vector.broadcast %broadcast_in_dim3A : vector<512x1xf32> to vector<512x1024xf32>
      %add3A_30 = vector.broadcast %broadcast_in_dim3A_29 : vector<1x1024xf32> to vector<512x1024xf32>
      %add3A_31 = arith.addf %add3A, %add3A_30 : vector<512x1024xf32>
      %mul3A_32 = arith.constant 2.000000e+00 : f32
      %mul3A_33 = vector.broadcast %mul3A_32 : f32 to vector<512x1024xf32>
      %mul3A_34 = arith.mulf %mul3A_33, %dot_general3A_24 : vector<512x1024xf32>
      %sub3A = arith.subf %add3A_31, %mul3A_34 : vector<512x1024xf32>
      %get3A_35 = arith.constant 0 : index
      %get3A_36 = arith.constant 0 : index
      %get3A_37 = vector.load %arg8[%get3A_35, %get3A_36] : memref<512x1xf32, #tpu.memory_space<vmem>>, vector<512x1xf32>
      %get3A_38 = arith.constant 0 : index
      %get3A_39 = arith.constant 0 : index
      %get3A_40 = vector.load %arg9[%get3A_38, %get3A_39] : memref<1x1024xf32, #tpu.memory_space<vmem>>, vector<1x1024xf32>
      %ne3A = vector.broadcast %get3A_37 : vector<512x1xf32> to vector<512x1024xf32>
      %ne3A_41 = vector.broadcast %get3A_40 : vector<1x1024xf32> to vector<512x1024xf32>
      %ne3A_42 = arith.cmpf one, %ne3A, %ne3A_41 : vector<512x1024xf32>
      %jit3A = arith.constant 1.000000e+10 : f32
      %jit3A_43 = arith.constant 0.000000e+00 : f32
      %broadcast_in_dim3A_44 = vector.broadcast %jit3A : f32 to vector<512x1024xf32>
      %broadcast_in_dim3A_45 = vector.broadcast %jit3A_43 : f32 to vector<512x1024xf32>
      %select_n3A = arith.select %ne3A_42, %broadcast_in_dim3A_44, %broadcast_in_dim3A_45 : vector<512x1024xi1>, vector<512x1024xf32>
      %add3A_46 = arith.addf %sub3A, %select_n3A : vector<512x1024xf32>
      %mul3A_47 = arith.constant 1024 : i32
      %mul3A_48 = arith.muli %arg1, %mul3A_47 : i32
      %convert_element_type3A_49 = arith.sitofp %mul3A_48 : i32 to f32
      %iota3A = tpu.iota {dimensions = array<i32: 1>} : vector<512x512xi32>
      %convert_element_type3A_50 = arith.sitofp %iota3A : vector<512x512xi32> to vector<512x512xf32>
      %add3A_51 = vector.broadcast %convert_element_type3A_49 : f32 to vector<512x512xf32>
      %add3A_52 = arith.addf %convert_element_type3A_50, %add3A_51 : vector<512x512xf32>
      %slice3A = vector.extract_strided_slice %add3A_46 {offsets = [0, 0], sizes = [512, 512], strides = [1, 1]} : vector<512x1024xf32> to vector<512x512xf32>
      %slice3A_53 = vector.extract_strided_slice %add3A_46 {offsets = [0, 512], sizes = [512, 512], strides = [1, 1]} : vector<512x1024xf32> to vector<512x512xf32>
      %le3A_54 = arith.cmpf ole, %slice3A, %slice3A_53 : vector<512x512xf32>
      %select_n3A_55 = arith.select %le3A_54, %slice3A, %slice3A_53 : vector<512x512xi1>, vector<512x512xf32>
      %swap3A = arith.constant 0 : index
      %swap3A_56 = arith.constant 0 : index
      %swap3A_57 = vector.load %arg11[%swap3A, %swap3A_56] : memref<512x528xf32, #tpu.memory_space<vmem>>, vector<512x512xf32>
      tpu.vector_store %arg11[%swap3A, %swap3A_56], %select_n3A_55 {strides = array<i32>} : memref<512x528xf32, #tpu.memory_space<vmem>>, vector<512x512xf32>,
      %select_n3A_58 = arith.select %le3A_54, %slice3A_53, %slice3A : vector<512x512xi1>, vector<512x512xf32>
      %swap3A_59 = arith.constant 0 : index
      %swap3A_60 = arith.constant 0 : index
      %swap3A_61 = vector.load %arg13[%swap3A_59, %swap3A_60] : memref<512x512xf32, #tpu.memory_space<vmem>>, vector<512x512xf32>
      tpu.vector_store %arg13[%swap3A_59, %swap3A_60], %select_n3A_58 {strides = array<i32>} : memref<512x512xf32, #tpu.memory_space<vmem>>, vector<512x512xf32>,
      %add3A_62 = arith.constant 5.120000e+02 : f32
      %add3A_63 = vector.broadcast %add3A_62 : f32 to vector<512x512xf32>
      %add3A_64 = arith.addf %add3A_52, %add3A_63 : vector<512x512xf32>
      %select_n3A_65 = arith.select %le3A_54, %add3A_52, %add3A_64 : vector<512x512xi1>, vector<512x512xf32>
      %swap3A_66 = arith.constant 0 : index
      %swap3A_67 = arith.constant 0 : index
      %swap3A_68 = vector.load %arg12[%swap3A_66, %swap3A_67] : memref<512x528xf32, #tpu.memory_space<vmem>>, vector<512x512xf32>
      tpu.vector_store %arg12[%swap3A_66, %swap3A_67], %select_n3A_65 {strides = array<i32>} : memref<512x528xf32, #tpu.memory_space<vmem>>, vector<512x512xf32>,
      %add3A_69 = arith.constant 5.120000e+02 : f32
      %add3A_70 = vector.broadcast %add3A_69 : f32 to vector<512x512xf32>
      %add3A_71 = arith.addf %add3A_52, %add3A_70 : vector<512x512xf32>
      %select_n3A_72 = arith.select %le3A_54, %add3A_71, %add3A_52 : vector<512x512xi1>, vector<512x512xf32>
      %swap3A_73 = arith.constant 0 : index
      %swap3A_74 = arith.constant 0 : index
      %swap3A_75 = vector.load %arg14[%swap3A_73, %swap3A_74] : memref<512x512xf32, #tpu.memory_space<vmem>>, vector<512x512xf32>
      tpu.vector_store %arg14[%swap3A_73, %swap3A_74], %select_n3A_72 {strides = array<i32>} : memref<512x512xf32, #tpu.memory_space<vmem>>, vector<512x512xf32>,
      %iota3A_76 = tpu.iota {dimensions = array<i32: 1>} : vector<512x16xi32>
      %broadcast_in_dim3A_77 = arith.constant 0.000000e+00 : f32
      %broadcast_in_dim3A_78 = vector.broadcast %broadcast_in_dim3A_77 : f32 to vector<512x16xf32>
      %broadcast_in_dim3A_79 = arith.constant 0.000000e+00 : f32
      %broadcast_in_dim3A_80 = vector.broadcast %broadcast_in_dim3A_79 : f32 to vector<512x16xf32>
      %scan3A = arith.constant 0 : i32
      %get3A_81 = arith.constant 0 : index
      %get3A_82 = arith.constant 0 : index
      %get3A_83 = vector.load %arg11[%get3A_81, %get3A_82] : memref<512x528xf32, #tpu.memory_space<vmem>>, vector<512x528xf32>
      %reduce_min3A = arith.constant dense<0x7F800000> : vector<512xf32>
      %reduce_min3A_84 = vector.multi_reduction <minimumf>, %get3A_83, %reduce_min3A [1] : vector<512x528xf32> to vector<512xf32>
      %broadcast_in_dim3A_85 = vector.shape_cast %reduce_min3A_84 : vector<512xf32> to vector<512x1xf32>
      %le3A_86 = vector.broadcast %broadcast_in_dim3A_85 : vector<512x1xf32> to vector<512x528xf32>
      %le3A_87 = arith.cmpf ole, %get3A_83, %le3A_86 : vector<512x528xf32>
      %get3A_88 = arith.constant 0 : index
      %get3A_89 = arith.constant 0 : index
      %get3A_90 = vector.load %arg12[%get3A_88, %get3A_89] : memref<512x528xf32, #tpu.memory_space<vmem>>, vector<512x528xf32>
      %jit3A_91 = arith.constant 1.000000e+09 : f32
      %broadcast_in_dim3A_92 = vector.broadcast %jit3A_91 : f32 to vector<512x528xf32>
      %select_n3A_93 = arith.select %le3A_87, %get3A_90, %broadcast_in_dim3A_92 : vector<512x528xi1>, vector<512x528xf32>
      %reduce_min3A_94 = arith.constant dense<0x7F800000> : vector<512xf32>
      %reduce_min3A_95 = vector.multi_reduction <minimumf>, %select_n3A_93, %reduce_min3A_94 [1] : vector<512x528xf32> to vector<512xf32>
      %broadcast_in_dim3A_96 = vector.shape_cast %reduce_min3A_95 : vector<512xf32> to vector<512x1xf32>
      %get3A_97 = arith.constant 0 : index
      %get3A_98 = arith.constant 0 : index
      %get3A_99 = vector.load %arg13[%get3A_97, %get3A_98] : memref<512x512xf32, #tpu.memory_space<vmem>>, vector<512x512xf32>
      %slice3A_100 = vector.extract_strided_slice %le3A_87 {offsets = [0, 0], sizes = [512, 512], strides = [1, 1]} : vector<512x528xi1> to vector<512x512xi1>
      %slice3A_101 = vector.extract_strided_slice %get3A_83 {offsets = [0, 0], sizes = [512, 512], strides = [1, 1]} : vector<512x528xf32> to vector<512x512xf32>
      %select_n3A_102 = arith.select %slice3A_100, %get3A_99, %slice3A_101 : vector<512x512xi1>, vector<512x512xf32>
      %swap3A_103 = arith.constant 0 : index
      %swap3A_104 = arith.constant 0 : index
      %swap3A_105 = vector.load %arg11[%swap3A_103, %swap3A_104] : memref<512x528xf32, #tpu.memory_space<vmem>>, vector<512x512xf32>
      tpu.vector_store %arg11[%swap3A_103, %swap3A_104], %select_n3A_102 {strides = array<i32>} : memref<512x528xf32, #tpu.memory_space<vmem>>, vector<512x512xf32>,
      %slice3A_106 = vector.extract_strided_slice %le3A_87 {offsets = [0, 512], sizes = [512, 16], strides = [1, 1]} : vector<512x528xi1> to vector<512x16xi1>
      %slice3A_107 = vector.extract_strided_slice %get3A_83 {offsets = [0, 512], sizes = [512, 16], strides = [1, 1]} : vector<512x528xf32> to vector<512x16xf32>
      %jit3A_108 = arith.constant 1.000000e+30 : f32
      %broadcast_in_dim3A_109 = vector.broadcast %jit3A_108 : f32 to vector<512x16xf32>
      %select_n3A_110 = arith.select %slice3A_106, %broadcast_in_dim3A_109, %slice3A_107 : vector<512x16xi1>, vector<512x16xf32>
      %swap3A_111 = arith.constant 0 : index
      %swap3A_112 = arith.constant 512 : index
      %swap3A_113 = vector.load %arg11[%swap3A_111, %swap3A_112] : memref<512x528xf32, #tpu.memory_space<vmem>>, vector<512x16xf32>
      tpu.vector_store %arg11[%swap3A_111, %swap3A_112], %select_n3A_110 {strides = array<i32>} : memref<512x528xf32, #tpu.memory_space<vmem>>, vector<512x16xf32>,
      %get3A_114 = arith.constant 0 : index
      %get3A_115 = arith.constant 0 : index
      %get3A_116 = vector.load %arg14[%get3A_114, %get3A_115] : memref<512x512xf32, #tpu.memory_space<vmem>>, vector<512x512xf32>
      %slice3A_117 = vector.extract_strided_slice %get3A_90 {offsets = [0, 0], sizes = [512, 512], strides = [1, 1]} : vector<512x528xf32> to vector<512x512xf32>
      %select_n3A_118 = arith.select %slice3A_100, %get3A_116, %slice3A_117 : vector<512x512xi1>, vector<512x512xf32>
      %swap3A_119 = arith.constant 0 : index
      %swap3A_120 = arith.constant 0 : index
      %swap3A_121 = vector.load %arg12[%swap3A_119, %swap3A_120] : memref<512x528xf32, #tpu.memory_space<vmem>>, vector<512x512xf32>
      tpu.vector_store %arg12[%swap3A_119, %swap3A_120], %select_n3A_118 {strides = array<i32>} : memref<512x528xf32, #tpu.memory_space<vmem>>, vector<512x512xf32>,
      %jit3A_122 = arith.constant 1.000000e+30 : f32
      %broadcast_in_dim3A_123 = vector.broadcast %jit3A_122 : f32 to vector<512x512xf32>
      %select_n3A_124 = arith.select %slice3A_100, %broadcast_in_dim3A_123, %get3A_99 : vector<512x512xi1>, vector<512x512xf32>
      %swap3A_125 = arith.constant 0 : index
      %swap3A_126 = arith.constant 0 : index
      %swap3A_127 = vector.load %arg13[%swap3A_125, %swap3A_126] : memref<512x512xf32, #tpu.memory_space<vmem>>, vector<512x512xf32>
      tpu.vector_store %arg13[%swap3A_125, %swap3A_126], %select_n3A_124 {strides = array<i32>} : memref<512x512xf32, #tpu.memory_space<vmem>>, vector<512x512xf32>,
      %eq3A_128 = vector.broadcast %scan3A : i32 to vector<512x16xi32>
      %eq3A_129 = arith.cmpi eq, %iota3A_76, %eq3A_128 : vector<512x16xi32>
      %broadcast_in_dim3A_130 = vector.shape_cast %broadcast_in_dim3A_85 : vector<512x1xf32> to vector<512x1xf32>
      %broadcast_in_dim3A_131 = vector.broadcast %broadcast_in_dim3A_130 : vector<512x1xf32> to vector<512x16xf32>
      %select_n3A_132 = arith.select %eq3A_129, %broadcast_in_dim3A_131, %broadcast_in_dim3A_78 : vector<512x16xi1>, vector<512x16xf32>
      %eq3A_133 = vector.broadcast %scan3A : i32 to vector<512x16xi32>
      %eq3A_134 = arith.cmpi eq, %iota3A_76, %eq3A_133 : vector<512x16xi32>
      %broadcast_in_dim3A_135 = vector.shape_cast %broadcast_in_dim3A_96 : vector<512x1xf32> to vector<512x1xf32>
      %broadcast_in_dim3A_136 = vector.broadcast %broadcast_in_dim3A_135 : vector<512x1xf32> to vector<512x16xf32>
      %select_n3A_137 = arith.select %eq3A_134, %broadcast_in_dim3A_136, %broadcast_in_dim3A_80 : vector<512x16xi1>, vector<512x16xf32>
      %scan3A_138 = arith.constant 1 : i32
      %get3A_139 = arith.constant 0 : index
      %get3A_140 = arith.constant 0 : index
      %get3A_141 = vector.load %arg11[%get3A_139, %get3A_140] : memref<512x528xf32, #tpu.memory_space<vmem>>, vector<512x528xf32>
      %reduce_min3A_142 = arith.constant dense<0x7F800000> : vector<512xf32>
      %reduce_min3A_143 = vector.multi_reduction <minimumf>, %get3A_141, %reduce_min3A_142 [1] : vector<512x528xf32> to vector<512xf32>
      %broadcast_in_dim3A_144 = vector.shape_cast %reduce_min3A_143 : vector<512xf32> to vector<512x1xf32>
      %le3A_145 = vector.broadcast %broadcast_in_dim3A_144 : vector<512x1xf32> to vector<512x528xf32>
      %le3A_146 = arith.cmpf ole, %get3A_141, %le3A_145 : vector<512x528xf32>
      %get3A_147 = arith.constant 0 : index
      %get3A_148 = arith.constant 0 : index
      %get3A_149 = vector.load %arg12[%get3A_147, %get3A_148] : memref<512x528xf32, #tpu.memory_space<vmem>>, vector<512x528xf32>
      %jit3A_150 = arith.constant 1.000000e+09 : f32
      %broadcast_in_dim3A_151 = vector.broadcast %jit3A_150 : f32 to vector<512x528xf32>
      %select_n3A_152 = arith.select %le3A_146, %get3A_149, %broadcast_in_dim3A_151 : vector<512x528xi1>, vector<512x528xf32>
      %reduce_min3A_153 = arith.constant dense<0x7F800000> : vector<512xf32>
      %reduce_min3A_154 = vector.multi_reduction <minimumf>, %select_n3A_152, %reduce_min3A_153 [1] : vector<512x528xf32> to vector<512xf32>
      %broadcast_in_dim3A_155 = vector.shape_cast %reduce_min3A_154 : vector<512xf32> to vector<512x1xf32>
      %get3A_156 = arith.constant 0 : index
      %get3A_157 = arith.constant 0 : index
      %get3A_158 = vector.load %arg13[%get3A_156, %get3A_157] : memref<512x512xf32, #tpu.memory_space<vmem>>, vector<512x512xf32>
      %slice3A_159 = vector.extract_strided_slice %le3A_146 {offsets = [0, 0], sizes = [512, 512], strides = [1, 1]} : vector<512x528xi1> to vector<512x512xi1>
      %slice3A_160 = vector.extract_strided_slice %get3A_141 {offsets = [0, 0], sizes = [512, 512], strides = [1, 1]} : vector<512x528xf32> to vector<512x512xf32>
      %select_n3A_161 = arith.select %slice3A_159, %get3A_158, %slice3A_160 : vector<512x512xi1>, vector<512x512xf32>
      %swap3A_162 = arith.constant 0 : index
      %swap3A_163 = arith.constant 0 : index
      %swap3A_164 = vector.load %arg11[%swap3A_162, %swap3A_163] : memref<512x528xf32, #tpu.memory_space<vmem>>, vector<512x512xf32>
      tpu.vector_store %arg11[%swap3A_162, %swap3A_163], %select_n3A_161 {strides = array<i32>} : memref<512x528xf32, #tpu.memory_space<vmem>>, vector<512x512xf32>,
      %slice3A_165 = vector.extract_strided_slice %le3A_146 {offsets = [0, 512], sizes = [512, 16], strides = [1, 1]} : vector<512x528xi1> to vector<512x16xi1>
      %slice3A_166 = vector.extract_strided_slice %get3A_141 {offsets = [0, 512], sizes = [512, 16], strides = [1, 1]} : vector<512x528xf32> to vector<512x16xf32>
      %jit3A_167 = arith.constant 1.000000e+30 : f32
      %broadcast_in_dim3A_168 = vector.broadcast %jit3A_167 : f32 to vector<512x16xf32>
      %select_n3A_169 = arith.select %slice3A_165, %broadcast_in_dim3A_168, %slice3A_166 : vector<512x16xi1>, vector<512x16xf32>
      %swap3A_170 = arith.constant 0 : index
      %swap3A_171 = arith.constant 512 : index
      %swap3A_172 = vector.load %arg11[%swap3A_170, %swap3A_171] : memref<512x528xf32, #tpu.memory_space<vmem>>, vector<512x16xf32>
      tpu.vector_store %arg11[%swap3A_170, %swap3A_171], %select_n3A_169 {strides = array<i32>} : memref<512x528xf32, #tpu.memory_space<vmem>>, vector<512x16xf32>,
      %get3A_173 = arith.constant 0 : index
      %get3A_174 = arith.constant 0 : index
      %get3A_175 = vector.load %arg14[%get3A_173, %get3A_174] : memref<512x512xf32, #tpu.memory_space<vmem>>, vector<512x512xf32>
      %slice3A_176 = vector.extract_strided_slice %get3A_149 {offsets = [0, 0], sizes = [512, 512], strides = [1, 1]} : vector<512x528xf32> to vector<512x512xf32>
      %select_n3A_177 = arith.select %slice3A_159, %get3A_175, %slice3A_176 : vector<512x512xi1>, vector<512x512xf32>
      %swap3A_178 = arith.constant 0 : index
      %swap3A_179 = arith.constant 0 : index
      %swap3A_180 = vector.load %arg12[%swap3A_178, %swap3A_179] : memref<512x528xf32, #tpu.memory_space<vmem>>, vector<512x512xf32>
      tpu.vector_store %arg12[%swap3A_178, %swap3A_179], %select_n3A_177 {strides = array<i32>} : memref<512x528xf32, #tpu.memory_space<vmem>>, vector<512x512xf32>,
      %jit3A_181 = arith.constant 1.000000e+30 : f32
      %broadcast_in_dim3A_182 = vector.broadcast %jit3A_181 : f32 to vector<512x512xf32>
      %select_n3A_183 = arith.select %slice3A_159, %broadcast_in_dim3A_182, %get3A_158 : vector<512x512xi1>, vector<512x512xf32>
      %swap3A_184 = arith.constant 0 : index
      %swap3A_185 = arith.constant 0 : index
      %swap3A_186 = vector.load %arg13[%swap3A_184, %swap3A_185] : memref<512x512xf32, #tpu.memory_space<vmem>>, vector<512x512xf32>
      tpu.vector_store %arg13[%swap3A_184, %swap3A_185], %select_n3A_183 {strides = array<i32>} : memref<512x512xf32, #tpu.memory_space<vmem>>, vector<512x512xf32>,
      %eq3A_187 = vector.broadcast %scan3A_138 : i32 to vector<512x16xi32>
      %eq3A_188 = arith.cmpi eq, %iota3A_76, %eq3A_187 : vector<512x16xi32>
      %broadcast_in_dim3A_189 = vector.shape_cast %broadcast_in_dim3A_144 : vector<512x1xf32> to vector<512x1xf32>
      %broadcast_in_dim3A_190 = vector.broadcast %broadcast_in_dim3A_189 : vector<512x1xf32> to vector<512x16xf32>
      %select_n3A_191 = arith.select %eq3A_188, %broadcast_in_dim3A_190, %select_n3A_132 : vector<512x16xi1>, vector<512x16xf32>
      %eq3A_192 = vector.broadcast %scan3A_138 : i32 to vector<512x16xi32>
      %eq3A_193 = arith.cmpi eq, %iota3A_76, %eq3A_192 : vector<512x16xi32>
      %broadcast_in_dim3A_194 = vector.shape_cast %broadcast_in_dim3A_155 : vector<512x1xf32> to vector<512x1xf32>
      %broadcast_in_dim3A_195 = vector.broadcast %broadcast_in_dim3A_194 : vector<512x1xf32> to vector<512x16xf32>
      %select_n3A_196 = arith.select %eq3A_193, %broadcast_in_dim3A_195, %select_n3A_137 : vector<512x16xi1>, vector<512x16xf32>
      %scan3A_197 = arith.constant 2 : i32
      %get3A_198 = arith.constant 0 : index
      %get3A_199 = arith.constant 0 : index
      %get3A_200 = vector.load %arg11[%get3A_198, %get3A_199] : memref<512x528xf32, #tpu.memory_space<vmem>>, vector<512x528xf32>
      %reduce_min3A_201 = arith.constant dense<0x7F800000> : vector<512xf32>
      %reduce_min3A_202 = vector.multi_reduction <minimumf>, %get3A_200, %reduce_min3A_201 [1] : vector<512x528xf32> to vector<512xf32>
      %broadcast_in_dim3A_203 = vector.shape_cast %reduce_min3A_202 : vector<512xf32> to vector<512x1xf32>
      %le3A_204 = vector.broadcast %broadcast_in_dim3A_203 : vector<512x1xf32> to vector<512x528xf32>
      %le3A_205 = arith.cmpf ole, %get3A_200, %le3A_204 : vector<512x528xf32>
      %get3A_206 = arith.constant 0 : index
      %get3A_207 = arith.constant 0 : index
      %get3A_208 = vector.load %arg12[%get3A_206, %get3A_207] : memref<512x528xf32, #tpu.memory_space<vmem>>, vector<512x528xf32>
      %jit3A_209 = arith.constant 1.000000e+09 : f32
      %broadcast_in_dim3A_210 = vector.broadcast %jit3A_209 : f32 to vector<512x528xf32>
      %select_n3A_211 = arith.select %le3A_205, %get3A_208, %broadcast_in_dim3A_210 : vector<512x528xi1>, vector<512x528xf32>
      %reduce_min3A_212 = arith.constant dense<0x7F800000> : vector<512xf32>
      %reduce_min3A_213 = vector.multi_reduction <minimumf>, %select_n3A_211, %reduce_min3A_212 [1] : vector<512x528xf32> to vector<512xf32>
      %broadcast_in_dim3A_214 = vector.shape_cast %reduce_min3A_213 : vector<512xf32> to vector<512x1xf32>
      %get3A_215 = arith.constant 0 : index
      %get3A_216 = arith.constant 0 : index
      %get3A_217 = vector.load %arg13[%get3A_215, %get3A_216] : memref<512x512xf32, #tpu.memory_space<vmem>>, vector<512x512xf32>
      %slice3A_218 = vector.extract_strided_slice %le3A_205 {offsets = [0, 0], sizes = [512, 512], strides = [1, 1]} : vector<512x528xi1> to vector<512x512xi1>
      %slice3A_219 = vector.extract_strided_slice %get3A_200 {offsets = [0, 0], sizes = [512, 512], strides = [1, 1]} : vector<512x528xf32> to vector<512x512xf32>
      %select_n3A_220 = arith.select %slice3A_218, %get3A_217, %slice3A_219 : vector<512x512xi1>, vector<512x512xf32>
      %swap3A_221 = arith.constant 0 : index
      %swap3A_222 = arith.constant 0 : index
      %swap3A_223 = vector.load %arg11[%swap3A_221, %swap3A_222] : memref<512x528xf32, #tpu.memory_space<vmem>>, vector<512x512xf32>
      tpu.vector_store %arg11[%swap3A_221, %swap3A_222], %select_n3A_220 {strides = array<i32>} : memref<512x528xf32, #tpu.memory_space<vmem>>, vector<512x512xf32>,
      %slice3A_224 = vector.extract_strided_slice %le3A_205 {offsets = [0, 512], sizes = [512, 16], strides = [1, 1]} : vector<512x528xi1> to vector<512x16xi1>
      %slice3A_225 = vector.extract_strided_slice %get3A_200 {offsets = [0, 512], sizes = [512, 16], strides = [1, 1]} : vector<512x528xf32> to vector<512x16xf32>
      %jit3A_226 = arith.constant 1.000000e+30 : f32
      %broadcast_in_dim3A_227 = vector.broadcast %jit3A_226 : f32 to vector<512x16xf32>
      %select_n3A_228 = arith.select %slice3A_224, %broadcast_in_dim3A_227, %slice3A_225 : vector<512x16xi1>, vector<512x16xf32>
      %swap3A_229 = arith.constant 0 : index
      %swap3A_230 = arith.constant 512 : index
      %swap3A_231 = vector.load %arg11[%swap3A_229, %swap3A_230] : memref<512x528xf32, #tpu.memory_space<vmem>>, vector<512x16xf32>
      tpu.vector_store %arg11[%swap3A_229, %swap3A_230], %select_n3A_228 {strides = array<i32>} : memref<512x528xf32, #tpu.memory_space<vmem>>, vector<512x16xf32>,
      %get3A_232 = arith.constant 0 : index
      %get3A_233 = arith.constant 0 : index
      %get3A_234 = vector.load %arg14[%get3A_232, %get3A_233] : memref<512x512xf32, #tpu.memory_space<vmem>>, vector<512x512xf32>
      %slice3A_235 = vector.extract_strided_slice %get3A_208 {offsets = [0, 0], sizes = [512, 512], strides = [1, 1]} : vector<512x528xf32> to vector<512x512xf32>
      %select_n3A_236 = arith.select %slice3A_218, %get3A_234, %slice3A_235 : vector<512x512xi1>, vector<512x512xf32>
      %swap3A_237 = arith.constant 0 : index
      %swap3A_238 = arith.constant 0 : index
      %swap3A_239 = vector.load %arg12[%swap3A_237, %swap3A_238] : memref<512x528xf32, #tpu.memory_space<vmem>>, vector<512x512xf32>
      tpu.vector_store %arg12[%swap3A_237, %swap3A_238], %select_n3A_236 {strides = array<i32>} : memref<512x528xf32, #tpu.memory_space<vmem>>, vector<512x512xf32>,
      %jit3A_240 = arith.constant 1.000000e+30 : f32
      %broadcast_in_dim3A_241 = vector.broadcast %jit3A_240 : f32 to vector<512x512xf32>
      %select_n3A_242 = arith.select %slice3A_218, %broadcast_in_dim3A_241, %get3A_217 : vector<512x512xi1>, vector<512x512xf32>
      %swap3A_243 = arith.constant 0 : index
      %swap3A_244 = arith.constant 0 : index
      %swap3A_245 = vector.load %arg13[%swap3A_243, %swap3A_244] : memref<512x512xf32, #tpu.memory_space<vmem>>, vector<512x512xf32>
      tpu.vector_store %arg13[%swap3A_243, %swap3A_244], %select_n3A_242 {strides = array<i32>} : memref<512x512xf32, #tpu.memory_space<vmem>>, vector<512x512xf32>,
      %eq3A_246 = vector.broadcast %scan3A_197 : i32 to vector<512x16xi32>
      %eq3A_247 = arith.cmpi eq, %iota3A_76, %eq3A_246 : vector<512x16xi32>
      %broadcast_in_dim3A_248 = vector.shape_cast %broadcast_in_dim3A_203 : vector<512x1xf32> to vector<512x1xf32>
      %broadcast_in_dim3A_249 = vector.broadcast %broadcast_in_dim3A_248 : vector<512x1xf32> to vector<512x16xf32>
      %select_n3A_250 = arith.select %eq3A_247, %broadcast_in_dim3A_249, %select_n3A_191 : vector<512x16xi1>, vector<512x16xf32>
      %eq3A_251 = vector.broadcast %scan3A_197 : i32 to vector<512x16xi32>
      %eq3A_252 = arith.cmpi eq, %iota3A_76, %eq3A_251 : vector<512x16xi32>
      %broadcast_in_dim3A_253 = vector.shape_cast %broadcast_in_dim3A_214 : vector<512x1xf32> to vector<512x1xf32>
      %broadcast_in_dim3A_254 = vector.broadcast %broadcast_in_dim3A_253 : vector<512x1xf32> to vector<512x16xf32>
      %select_n3A_255 = arith.select %eq3A_252, %broadcast_in_dim3A_254, %select_n3A_196 : vector<512x16xi1>, vector<512x16xf32>
      %scan3A_256 = arith.constant 3 : i32
      %get3A_257 = arith.constant 0 : index
      %get3A_258 = arith.constant 0 : index
      %get3A_259 = vector.load %arg11[%get3A_257, %get3A_258] : memref<512x528xf32, #tpu.memory_space<vmem>>, vector<512x528xf32>
      %reduce_min3A_260 = arith.constant dense<0x7F800000> : vector<512xf32>
      %reduce_min3A_261 = vector.multi_reduction <minimumf>, %get3A_259, %reduce_min3A_260 [1] : vector<512x528xf32> to vector<512xf32>
      %broadcast_in_dim3A_262 = vector.shape_cast %reduce_min3A_261 : vector<512xf32> to vector<512x1xf32>
      %le3A_263 = vector.broadcast %broadcast_in_dim3A_262 : vector<512x1xf32> to vector<512x528xf32>
      %le3A_264 = arith.cmpf ole, %get3A_259, %le3A_263 : vector<512x528xf32>
      %get3A_265 = arith.constant 0 : index
      %get3A_266 = arith.constant 0 : index
      %get3A_267 = vector.load %arg12[%get3A_265, %get3A_266] : memref<512x528xf32, #tpu.memory_space<vmem>>, vector<512x528xf32>
      %jit3A_268 = arith.constant 1.000000e+09 : f32
      %broadcast_in_dim3A_269 = vector.broadcast %jit3A_268 : f32 to vector<512x528xf32>
      %select_n3A_270 = arith.select %le3A_264, %get3A_267, %broadcast_in_dim3A_269 : vector<512x528xi1>, vector<512x528xf32>
      %reduce_min3A_271 = arith.constant dense<0x7F800000> : vector<512xf32>
      %reduce_min3A_272 = vector.multi_reduction <minimumf>, %select_n3A_270, %reduce_min3A_271 [1] : vector<512x528xf32> to vector<512xf32>
      %broadcast_in_dim3A_273 = vector.shape_cast %reduce_min3A_272 : vector<512xf32> to vector<512x1xf32>
      %get3A_274 = arith.constant 0 : index
      %get3A_275 = arith.constant 0 : index
      %get3A_276 = vector.load %arg13[%get3A_274, %get3A_275] : memref<512x512xf32, #tpu.memory_space<vmem>>, vector<512x512xf32>
      %slice3A_277 = vector.extract_strided_slice %le3A_264 {offsets = [0, 0], sizes = [512, 512], strides = [1, 1]} : vector<512x528xi1> to vector<512x512xi1>
      %slice3A_278 = vector.extract_strided_slice %get3A_259 {offsets = [0, 0], sizes = [512, 512], strides = [1, 1]} : vector<512x528xf32> to vector<512x512xf32>
      %select_n3A_279 = arith.select %slice3A_277, %get3A_276, %slice3A_278 : vector<512x512xi1>, vector<512x512xf32>
      %swap3A_280 = arith.constant 0 : index
      %swap3A_281 = arith.constant 0 : index
      %swap3A_282 = vector.load %arg11[%swap3A_280, %swap3A_281] : memref<512x528xf32, #tpu.memory_space<vmem>>, vector<512x512xf32>
      tpu.vector_store %arg11[%swap3A_280, %swap3A_281], %select_n3A_279 {strides = array<i32>} : memref<512x528xf32, #tpu.memory_space<vmem>>, vector<512x512xf32>,
      %slice3A_283 = vector.extract_strided_slice %le3A_264 {offsets = [0, 512], sizes = [512, 16], strides = [1, 1]} : vector<512x528xi1> to vector<512x16xi1>
      %slice3A_284 = vector.extract_strided_slice %get3A_259 {offsets = [0, 512], sizes = [512, 16], strides = [1, 1]} : vector<512x528xf32> to vector<512x16xf32>
      %jit3A_285 = arith.constant 1.000000e+30 : f32
      %broadcast_in_dim3A_286 = vector.broadcast %jit3A_285 : f32 to vector<512x16xf32>
      %select_n3A_287 = arith.select %slice3A_283, %broadcast_in_dim3A_286, %slice3A_284 : vector<512x16xi1>, vector<512x16xf32>
      %swap3A_288 = arith.constant 0 : index
      %swap3A_289 = arith.constant 512 : index
      %swap3A_290 = vector.load %arg11[%swap3A_288, %swap3A_289] : memref<512x528xf32, #tpu.memory_space<vmem>>, vector<512x16xf32>
      tpu.vector_store %arg11[%swap3A_288, %swap3A_289], %select_n3A_287 {strides = array<i32>} : memref<512x528xf32, #tpu.memory_space<vmem>>, vector<512x16xf32>,
      %get3A_291 = arith.constant 0 : index
      %get3A_292 = arith.constant 0 : index
      %get3A_293 = vector.load %arg14[%get3A_291, %get3A_292] : memref<512x512xf32, #tpu.memory_space<vmem>>, vector<512x512xf32>
      %slice3A_294 = vector.extract_strided_slice %get3A_267 {offsets = [0, 0], sizes = [512, 512], strides = [1, 1]} : vector<512x528xf32> to vector<512x512xf32>
      %select_n3A_295 = arith.select %slice3A_277, %get3A_293, %slice3A_294 : vector<512x512xi1>, vector<512x512xf32>
      %swap3A_296 = arith.constant 0 : index
      %swap3A_297 = arith.constant 0 : index
      %swap3A_298 = vector.load %arg12[%swap3A_296, %swap3A_297] : memref<512x528xf32, #tpu.memory_space<vmem>>, vector<512x512xf32>
      tpu.vector_store %arg12[%swap3A_296, %swap3A_297], %select_n3A_295 {strides = array<i32>} : memref<512x528xf32, #tpu.memory_space<vmem>>, vector<512x512xf32>,
      %jit3A_299 = arith.constant 1.000000e+30 : f32
      %broadcast_in_dim3A_300 = vector.broadcast %jit3A_299 : f32 to vector<512x512xf32>
      %select_n3A_301 = arith.select %slice3A_277, %broadcast_in_dim3A_300, %get3A_276 : vector<512x512xi1>, vector<512x512xf32>
      %swap3A_302 = arith.constant 0 : index
      %swap3A_303 = arith.constant 0 : index
      %swap3A_304 = vector.load %arg13[%swap3A_302, %swap3A_303] : memref<512x512xf32, #tpu.memory_space<vmem>>, vector<512x512xf32>
      tpu.vector_store %arg13[%swap3A_302, %swap3A_303], %select_n3A_301 {strides = array<i32>} : memref<512x512xf32, #tpu.memory_space<vmem>>, vector<512x512xf32>,
      %eq3A_305 = vector.broadcast %scan3A_256 : i32 to vector<512x16xi32>
      %eq3A_306 = arith.cmpi eq, %iota3A_76, %eq3A_305 : vector<512x16xi32>
      %broadcast_in_dim3A_307 = vector.shape_cast %broadcast_in_dim3A_262 : vector<512x1xf32> to vector<512x1xf32>
      %broadcast_in_dim3A_308 = vector.broadcast %broadcast_in_dim3A_307 : vector<512x1xf32> to vector<512x16xf32>
      %select_n3A_309 = arith.select %eq3A_306, %broadcast_in_dim3A_308, %select_n3A_250 : vector<512x16xi1>, vector<512x16xf32>
      %eq3A_310 = vector.broadcast %scan3A_256 : i32 to vector<512x16xi32>
      %eq3A_311 = arith.cmpi eq, %iota3A_76, %eq3A_310 : vector<512x16xi32>
      %broadcast_in_dim3A_312 = vector.shape_cast %broadcast_in_dim3A_273 : vector<512x1xf32> to vector<512x1xf32>
      %broadcast_in_dim3A_313 = vector.broadcast %broadcast_in_dim3A_312 : vector<512x1xf32> to vector<512x16xf32>
      %select_n3A_314 = arith.select %eq3A_311, %broadcast_in_dim3A_313, %select_n3A_255 : vector<512x16xi1>, vector<512x16xf32>
      %scan3A_315 = arith.constant 4 : i32
      %get3A_316 = arith.constant 0 : index
      %get3A_317 = arith.constant 0 : index
      %get3A_318 = vector.load %arg11[%get3A_316, %get3A_317] : memref<512x528xf32, #tpu.memory_space<vmem>>, vector<512x528xf32>
      %reduce_min3A_319 = arith.constant dense<0x7F800000> : vector<512xf32>
      %reduce_min3A_320 = vector.multi_reduction <minimumf>, %get3A_318, %reduce_min3A_319 [1] : vector<512x528xf32> to vector<512xf32>
      %broadcast_in_dim3A_321 = vector.shape_cast %reduce_min3A_320 : vector<512xf32> to vector<512x1xf32>
      %le3A_322 = vector.broadcast %broadcast_in_dim3A_321 : vector<512x1xf32> to vector<512x528xf32>
      %le3A_323 = arith.cmpf ole, %get3A_318, %le3A_322 : vector<512x528xf32>
      %get3A_324 = arith.constant 0 : index
      %get3A_325 = arith.constant 0 : index
      %get3A_326 = vector.load %arg12[%get3A_324, %get3A_325] : memref<512x528xf32, #tpu.memory_space<vmem>>, vector<512x528xf32>
      %jit3A_327 = arith.constant 1.000000e+09 : f32
      %broadcast_in_dim3A_328 = vector.broadcast %jit3A_327 : f32 to vector<512x528xf32>
      %select_n3A_329 = arith.select %le3A_323, %get3A_326, %broadcast_in_dim3A_328 : vector<512x528xi1>, vector<512x528xf32>
      %reduce_min3A_330 = arith.constant dense<0x7F800000> : vector<512xf32>
      %reduce_min3A_331 = vector.multi_reduction <minimumf>, %select_n3A_329, %reduce_min3A_330 [1] : vector<512x528xf32> to vector<512xf32>
      %broadcast_in_dim3A_332 = vector.shape_cast %reduce_min3A_331 : vector<512xf32> to vector<512x1xf32>
      %get3A_333 = arith.constant 0 : index
      %get3A_334 = arith.constant 0 : index
      %get3A_335 = vector.load %arg13[%get3A_333, %get3A_334] : memref<512x512xf32, #tpu.memory_space<vmem>>, vector<512x512xf32>
      %slice3A_336 = vector.extract_strided_slice %le3A_323 {offsets = [0, 0], sizes = [512, 512], strides = [1, 1]} : vector<512x528xi1> to vector<512x512xi1>
      %slice3A_337 = vector.extract_strided_slice %get3A_318 {offsets = [0, 0], sizes = [512, 512], strides = [1, 1]} : vector<512x528xf32> to vector<512x512xf32>
      %select_n3A_338 = arith.select %slice3A_336, %get3A_335, %slice3A_337 : vector<512x512xi1>, vector<512x512xf32>
      %swap3A_339 = arith.constant 0 : index
      %swap3A_340 = arith.constant 0 : index
      %swap3A_341 = vector.load %arg11[%swap3A_339, %swap3A_340] : memref<512x528xf32, #tpu.memory_space<vmem>>, vector<512x512xf32>
      tpu.vector_store %arg11[%swap3A_339, %swap3A_340], %select_n3A_338 {strides = array<i32>} : memref<512x528xf32, #tpu.memory_space<vmem>>, vector<512x512xf32>,
      %slice3A_342 = vector.extract_strided_slice %le3A_323 {offsets = [0, 512], sizes = [512, 16], strides = [1, 1]} : vector<512x528xi1> to vector<512x16xi1>
      %slice3A_343 = vector.extract_strided_slice %get3A_318 {offsets = [0, 512], sizes = [512, 16], strides = [1, 1]} : vector<512x528xf32> to vector<512x16xf32>
      %jit3A_344 = arith.constant 1.000000e+30 : f32
      %broadcast_in_dim3A_345 = vector.broadcast %jit3A_344 : f32 to vector<512x16xf32>
      %select_n3A_346 = arith.select %slice3A_342, %broadcast_in_dim3A_345, %slice3A_343 : vector<512x16xi1>, vector<512x16xf32>
      %swap3A_347 = arith.constant 0 : index
      %swap3A_348 = arith.constant 512 : index
      %swap3A_349 = vector.load %arg11[%swap3A_347, %swap3A_348] : memref<512x528xf32, #tpu.memory_space<vmem>>, vector<512x16xf32>
      tpu.vector_store %arg11[%swap3A_347, %swap3A_348], %select_n3A_346 {strides = array<i32>} : memref<512x528xf32, #tpu.memory_space<vmem>>, vector<512x16xf32>,
      %get3A_350 = arith.constant 0 : index
      %get3A_351 = arith.constant 0 : index
      %get3A_352 = vector.load %arg14[%get3A_350, %get3A_351] : memref<512x512xf32, #tpu.memory_space<vmem>>, vector<512x512xf32>
      %slice3A_353 = vector.extract_strided_slice %get3A_326 {offsets = [0, 0], sizes = [512, 512], strides = [1, 1]} : vector<512x528xf32> to vector<512x512xf32>
      %select_n3A_354 = arith.select %slice3A_336, %get3A_352, %slice3A_353 : vector<512x512xi1>, vector<512x512xf32>
      %swap3A_355 = arith.constant 0 : index
      %swap3A_356 = arith.constant 0 : index
      %swap3A_357 = vector.load %arg12[%swap3A_355, %swap3A_356] : memref<512x528xf32, #tpu.memory_space<vmem>>, vector<512x512xf32>
      tpu.vector_store %arg12[%swap3A_355, %swap3A_356], %select_n3A_354 {strides = array<i32>} : memref<512x528xf32, #tpu.memory_space<vmem>>, vector<512x512xf32>,
      %jit3A_358 = arith.constant 1.000000e+30 : f32
      %broadcast_in_dim3A_359 = vector.broadcast %jit3A_358 : f32 to vector<512x512xf32>
      %select_n3A_360 = arith.select %slice3A_336, %broadcast_in_dim3A_359, %get3A_335 : vector<512x512xi1>, vector<512x512xf32>
      %swap3A_361 = arith.constant 0 : index
      %swap3A_362 = arith.constant 0 : index
      %swap3A_363 = vector.load %arg13[%swap3A_361, %swap3A_362] : memref<512x512xf32, #tpu.memory_space<vmem>>, vector<512x512xf32>
      tpu.vector_store %arg13[%swap3A_361, %swap3A_362], %select_n3A_360 {strides = array<i32>} : memref<512x512xf32, #tpu.memory_space<vmem>>, vector<512x512xf32>,
      %eq3A_364 = vector.broadcast %scan3A_315 : i32 to vector<512x16xi32>
      %eq3A_365 = arith.cmpi eq, %iota3A_76, %eq3A_364 : vector<512x16xi32>
      %broadcast_in_dim3A_366 = vector.shape_cast %broadcast_in_dim3A_321 : vector<512x1xf32> to vector<512x1xf32>
      %broadcast_in_dim3A_367 = vector.broadcast %broadcast_in_dim3A_366 : vector<512x1xf32> to vector<512x16xf32>
      %select_n3A_368 = arith.select %eq3A_365, %broadcast_in_dim3A_367, %select_n3A_309 : vector<512x16xi1>, vector<512x16xf32>
      %eq3A_369 = vector.broadcast %scan3A_315 : i32 to vector<512x16xi32>
      %eq3A_370 = arith.cmpi eq, %iota3A_76, %eq3A_369 : vector<512x16xi32>
      %broadcast_in_dim3A_371 = vector.shape_cast %broadcast_in_dim3A_332 : vector<512x1xf32> to vector<512x1xf32>
      %broadcast_in_dim3A_372 = vector.broadcast %broadcast_in_dim3A_371 : vector<512x1xf32> to vector<512x16xf32>
      %select_n3A_373 = arith.select %eq3A_370, %broadcast_in_dim3A_372, %select_n3A_314 : vector<512x16xi1>, vector<512x16xf32>
      %scan3A_374 = arith.constant 5 : i32
      %get3A_375 = arith.constant 0 : index
      %get3A_376 = arith.constant 0 : index
      %get3A_377 = vector.load %arg11[%get3A_375, %get3A_376] : memref<512x528xf32, #tpu.memory_space<vmem>>, vector<512x528xf32>
      %reduce_min3A_378 = arith.constant dense<0x7F800000> : vector<512xf32>
      %reduce_min3A_379 = vector.multi_reduction <minimumf>, %get3A_377, %reduce_min3A_378 [1] : vector<512x528xf32> to vector<512xf32>
      %broadcast_in_dim3A_380 = vector.shape_cast %reduce_min3A_379 : vector<512xf32> to vector<512x1xf32>
      %le3A_381 = vector.broadcast %broadcast_in_dim3A_380 : vector<512x1xf32> to vector<512x528xf32>
      %le3A_382 = arith.cmpf ole, %get3A_377, %le3A_381 : vector<512x528xf32>
      %get3A_383 = arith.constant 0 : index
      %get3A_384 = arith.constant 0 : index
      %get3A_385 = vector.load %arg12[%get3A_383, %get3A_384] : memref<512x528xf32, #tpu.memory_space<vmem>>, vector<512x528xf32>
      %jit3A_386 = arith.constant 1.000000e+09 : f32
      %broadcast_in_dim3A_387 = vector.broadcast %jit3A_386 : f32 to vector<512x528xf32>
      %select_n3A_388 = arith.select %le3A_382, %get3A_385, %broadcast_in_dim3A_387 : vector<512x528xi1>, vector<512x528xf32>
      %reduce_min3A_389 = arith.constant dense<0x7F800000> : vector<512xf32>
      %reduce_min3A_390 = vector.multi_reduction <minimumf>, %select_n3A_388, %reduce_min3A_389 [1] : vector<512x528xf32> to vector<512xf32>
      %broadcast_in_dim3A_391 = vector.shape_cast %reduce_min3A_390 : vector<512xf32> to vector<512x1xf32>
      %get3A_392 = arith.constant 0 : index
      %get3A_393 = arith.constant 0 : index
      %get3A_394 = vector.load %arg13[%get3A_392, %get3A_393] : memref<512x512xf32, #tpu.memory_space<vmem>>, vector<512x512xf32>
      %slice3A_395 = vector.extract_strided_slice %le3A_382 {offsets = [0, 0], sizes = [512, 512], strides = [1, 1]} : vector<512x528xi1> to vector<512x512xi1>
      %slice3A_396 = vector.extract_strided_slice %get3A_377 {offsets = [0, 0], sizes = [512, 512], strides = [1, 1]} : vector<512x528xf32> to vector<512x512xf32>
      %select_n3A_397 = arith.select %slice3A_395, %get3A_394, %slice3A_396 : vector<512x512xi1>, vector<512x512xf32>
      %swap3A_398 = arith.constant 0 : index
      %swap3A_399 = arith.constant 0 : index
      %swap3A_400 = vector.load %arg11[%swap3A_398, %swap3A_399] : memref<512x528xf32, #tpu.memory_space<vmem>>, vector<512x512xf32>
      tpu.vector_store %arg11[%swap3A_398, %swap3A_399], %select_n3A_397 {strides = array<i32>} : memref<512x528xf32, #tpu.memory_space<vmem>>, vector<512x512xf32>,
      %slice3A_401 = vector.extract_strided_slice %le3A_382 {offsets = [0, 512], sizes = [512, 16], strides = [1, 1]} : vector<512x528xi1> to vector<512x16xi1>
      %slice3A_402 = vector.extract_strided_slice %get3A_377 {offsets = [0, 512], sizes = [512, 16], strides = [1, 1]} : vector<512x528xf32> to vector<512x16xf32>
      %jit3A_403 = arith.constant 1.000000e+30 : f32
      %broadcast_in_dim3A_404 = vector.broadcast %jit3A_403 : f32 to vector<512x16xf32>
      %select_n3A_405 = arith.select %slice3A_401, %broadcast_in_dim3A_404, %slice3A_402 : vector<512x16xi1>, vector<512x16xf32>
      %swap3A_406 = arith.constant 0 : index
      %swap3A_407 = arith.constant 512 : index
      %swap3A_408 = vector.load %arg11[%swap3A_406, %swap3A_407] : memref<512x528xf32, #tpu.memory_space<vmem>>, vector<512x16xf32>
      tpu.vector_store %arg11[%swap3A_406, %swap3A_407], %select_n3A_405 {strides = array<i32>} : memref<512x528xf32, #tpu.memory_space<vmem>>, vector<512x16xf32>,
      %get3A_409 = arith.constant 0 : index
      %get3A_410 = arith.constant 0 : index
      %get3A_411 = vector.load %arg14[%get3A_409, %get3A_410] : memref<512x512xf32, #tpu.memory_space<vmem>>, vector<512x512xf32>
      %slice3A_412 = vector.extract_strided_slice %get3A_385 {offsets = [0, 0], sizes = [512, 512], strides = [1, 1]} : vector<512x528xf32> to vector<512x512xf32>
      %select_n3A_413 = arith.select %slice3A_395, %get3A_411, %slice3A_412 : vector<512x512xi1>, vector<512x512xf32>
      %swap3A_414 = arith.constant 0 : index
      %swap3A_415 = arith.constant 0 : index
      %swap3A_416 = vector.load %arg12[%swap3A_414, %swap3A_415] : memref<512x528xf32, #tpu.memory_space<vmem>>, vector<512x512xf32>
      tpu.vector_store %arg12[%swap3A_414, %swap3A_415], %select_n3A_413 {strides = array<i32>} : memref<512x528xf32, #tpu.memory_space<vmem>>, vector<512x512xf32>,
      %jit3A_417 = arith.constant 1.000000e+30 : f32
      %broadcast_in_dim3A_418 = vector.broadcast %jit3A_417 : f32 to vector<512x512xf32>
      %select_n3A_419 = arith.select %slice3A_395, %broadcast_in_dim3A_418, %get3A_394 : vector<512x512xi1>, vector<512x512xf32>
      %swap3A_420 = arith.constant 0 : index
      %swap3A_421 = arith.constant 0 : index
      %swap3A_422 = vector.load %arg13[%swap3A_420, %swap3A_421] : memref<512x512xf32, #tpu.memory_space<vmem>>, vector<512x512xf32>
      tpu.vector_store %arg13[%swap3A_420, %swap3A_421], %select_n3A_419 {strides = array<i32>} : memref<512x512xf32, #tpu.memory_space<vmem>>, vector<512x512xf32>,
      %eq3A_423 = vector.broadcast %scan3A_374 : i32 to vector<512x16xi32>
      %eq3A_424 = arith.cmpi eq, %iota3A_76, %eq3A_423 : vector<512x16xi32>
      %broadcast_in_dim3A_425 = vector.shape_cast %broadcast_in_dim3A_380 : vector<512x1xf32> to vector<512x1xf32>
      %broadcast_in_dim3A_426 = vector.broadcast %broadcast_in_dim3A_425 : vector<512x1xf32> to vector<512x16xf32>
      %select_n3A_427 = arith.select %eq3A_424, %broadcast_in_dim3A_426, %select_n3A_368 : vector<512x16xi1>, vector<512x16xf32>
      %eq3A_428 = vector.broadcast %scan3A_374 : i32 to vector<512x16xi32>
      %eq3A_429 = arith.cmpi eq, %iota3A_76, %eq3A_428 : vector<512x16xi32>
      %broadcast_in_dim3A_430 = vector.shape_cast %broadcast_in_dim3A_391 : vector<512x1xf32> to vector<512x1xf32>
      %broadcast_in_dim3A_431 = vector.broadcast %broadcast_in_dim3A_430 : vector<512x1xf32> to vector<512x16xf32>
      %select_n3A_432 = arith.select %eq3A_429, %broadcast_in_dim3A_431, %select_n3A_373 : vector<512x16xi1>, vector<512x16xf32>
      %scan3A_433 = arith.constant 6 : i32
      %get3A_434 = arith.constant 0 : index
      %get3A_435 = arith.constant 0 : index
      %get3A_436 = vector.load %arg11[%get3A_434, %get3A_435] : memref<512x528xf32, #tpu.memory_space<vmem>>, vector<512x528xf32>
      %reduce_min3A_437 = arith.constant dense<0x7F800000> : vector<512xf32>
      %reduce_min3A_438 = vector.multi_reduction <minimumf>, %get3A_436, %reduce_min3A_437 [1] : vector<512x528xf32> to vector<512xf32>
      %broadcast_in_dim3A_439 = vector.shape_cast %reduce_min3A_438 : vector<512xf32> to vector<512x1xf32>
      %le3A_440 = vector.broadcast %broadcast_in_dim3A_439 : vector<512x1xf32> to vector<512x528xf32>
      %le3A_441 = arith.cmpf ole, %get3A_436, %le3A_440 : vector<512x528xf32>
      %get3A_442 = arith.constant 0 : index
      %get3A_443 = arith.constant 0 : index
      %get3A_444 = vector.load %arg12[%get3A_442, %get3A_443] : memref<512x528xf32, #tpu.memory_space<vmem>>, vector<512x528xf32>
      %jit3A_445 = arith.constant 1.000000e+09 : f32
      %broadcast_in_dim3A_446 = vector.broadcast %jit3A_445 : f32 to vector<512x528xf32>
      %select_n3A_447 = arith.select %le3A_441, %get3A_444, %broadcast_in_dim3A_446 : vector<512x528xi1>, vector<512x528xf32>
      %reduce_min3A_448 = arith.constant dense<0x7F800000> : vector<512xf32>
      %reduce_min3A_449 = vector.multi_reduction <minimumf>, %select_n3A_447, %reduce_min3A_448 [1] : vector<512x528xf32> to vector<512xf32>
      %broadcast_in_dim3A_450 = vector.shape_cast %reduce_min3A_449 : vector<512xf32> to vector<512x1xf32>
      %get3A_451 = arith.constant 0 : index
      %get3A_452 = arith.constant 0 : index
      %get3A_453 = vector.load %arg13[%get3A_451, %get3A_452] : memref<512x512xf32, #tpu.memory_space<vmem>>, vector<512x512xf32>
      %slice3A_454 = vector.extract_strided_slice %le3A_441 {offsets = [0, 0], sizes = [512, 512], strides = [1, 1]} : vector<512x528xi1> to vector<512x512xi1>
      %slice3A_455 = vector.extract_strided_slice %get3A_436 {offsets = [0, 0], sizes = [512, 512], strides = [1, 1]} : vector<512x528xf32> to vector<512x512xf32>
      %select_n3A_456 = arith.select %slice3A_454, %get3A_453, %slice3A_455 : vector<512x512xi1>, vector<512x512xf32>
      %swap3A_457 = arith.constant 0 : index
      %swap3A_458 = arith.constant 0 : index
      %swap3A_459 = vector.load %arg11[%swap3A_457, %swap3A_458] : memref<512x528xf32, #tpu.memory_space<vmem>>, vector<512x512xf32>
      tpu.vector_store %arg11[%swap3A_457, %swap3A_458], %select_n3A_456 {strides = array<i32>} : memref<512x528xf32, #tpu.memory_space<vmem>>, vector<512x512xf32>,
      %slice3A_460 = vector.extract_strided_slice %le3A_441 {offsets = [0, 512], sizes = [512, 16], strides = [1, 1]} : vector<512x528xi1> to vector<512x16xi1>
      %slice3A_461 = vector.extract_strided_slice %get3A_436 {offsets = [0, 512], sizes = [512, 16], strides = [1, 1]} : vector<512x528xf32> to vector<512x16xf32>
      %jit3A_462 = arith.constant 1.000000e+30 : f32
      %broadcast_in_dim3A_463 = vector.broadcast %jit3A_462 : f32 to vector<512x16xf32>
      %select_n3A_464 = arith.select %slice3A_460, %broadcast_in_dim3A_463, %slice3A_461 : vector<512x16xi1>, vector<512x16xf32>
      %swap3A_465 = arith.constant 0 : index
      %swap3A_466 = arith.constant 512 : index
      %swap3A_467 = vector.load %arg11[%swap3A_465, %swap3A_466] : memref<512x528xf32, #tpu.memory_space<vmem>>, vector<512x16xf32>
      tpu.vector_store %arg11[%swap3A_465, %swap3A_466], %select_n3A_464 {strides = array<i32>} : memref<512x528xf32, #tpu.memory_space<vmem>>, vector<512x16xf32>,
      %get3A_468 = arith.constant 0 : index
      %get3A_469 = arith.constant 0 : index
      %get3A_470 = vector.load %arg14[%get3A_468, %get3A_469] : memref<512x512xf32, #tpu.memory_space<vmem>>, vector<512x512xf32>
      %slice3A_471 = vector.extract_strided_slice %get3A_444 {offsets = [0, 0], sizes = [512, 512], strides = [1, 1]} : vector<512x528xf32> to vector<512x512xf32>
      %select_n3A_472 = arith.select %slice3A_454, %get3A_470, %slice3A_471 : vector<512x512xi1>, vector<512x512xf32>
      %swap3A_473 = arith.constant 0 : index
      %swap3A_474 = arith.constant 0 : index
      %swap3A_475 = vector.load %arg12[%swap3A_473, %swap3A_474] : memref<512x528xf32, #tpu.memory_space<vmem>>, vector<512x512xf32>
      tpu.vector_store %arg12[%swap3A_473, %swap3A_474], %select_n3A_472 {strides = array<i32>} : memref<512x528xf32, #tpu.memory_space<vmem>>, vector<512x512xf32>,
      %jit3A_476 = arith.constant 1.000000e+30 : f32
      %broadcast_in_dim3A_477 = vector.broadcast %jit3A_476 : f32 to vector<512x512xf32>
      %select_n3A_478 = arith.select %slice3A_454, %broadcast_in_dim3A_477, %get3A_453 : vector<512x512xi1>, vector<512x512xf32>
      %swap3A_479 = arith.constant 0 : index
      %swap3A_480 = arith.constant 0 : index
      %swap3A_481 = vector.load %arg13[%swap3A_479, %swap3A_480] : memref<512x512xf32, #tpu.memory_space<vmem>>, vector<512x512xf32>
      tpu.vector_store %arg13[%swap3A_479, %swap3A_480], %select_n3A_478 {strides = array<i32>} : memref<512x512xf32, #tpu.memory_space<vmem>>, vector<512x512xf32>,
      %eq3A_482 = vector.broadcast %scan3A_433 : i32 to vector<512x16xi32>
      %eq3A_483 = arith.cmpi eq, %iota3A_76, %eq3A_482 : vector<512x16xi32>
      %broadcast_in_dim3A_484 = vector.shape_cast %broadcast_in_dim3A_439 : vector<512x1xf32> to vector<512x1xf32>
      %broadcast_in_dim3A_485 = vector.broadcast %broadcast_in_dim3A_484 : vector<512x1xf32> to vector<512x16xf32>
      %select_n3A_486 = arith.select %eq3A_483, %broadcast_in_dim3A_485, %select_n3A_427 : vector<512x16xi1>, vector<512x16xf32>
      %eq3A_487 = vector.broadcast %scan3A_433 : i32 to vector<512x16xi32>
      %eq3A_488 = arith.cmpi eq, %iota3A_76, %eq3A_487 : vector<512x16xi32>
      %broadcast_in_dim3A_489 = vector.shape_cast %broadcast_in_dim3A_450 : vector<512x1xf32> to vector<512x1xf32>
      %broadcast_in_dim3A_490 = vector.broadcast %broadcast_in_dim3A_489 : vector<512x1xf32> to vector<512x16xf32>
      %select_n3A_491 = arith.select %eq3A_488, %broadcast_in_dim3A_490, %select_n3A_432 : vector<512x16xi1>, vector<512x16xf32>
      %scan3A_492 = arith.constant 7 : i32
      %get3A_493 = arith.constant 0 : index
      %get3A_494 = arith.constant 0 : index
      %get3A_495 = vector.load %arg11[%get3A_493, %get3A_494] : memref<512x528xf32, #tpu.memory_space<vmem>>, vector<512x528xf32>
      %reduce_min3A_496 = arith.constant dense<0x7F800000> : vector<512xf32>
      %reduce_min3A_497 = vector.multi_reduction <minimumf>, %get3A_495, %reduce_min3A_496 [1] : vector<512x528xf32> to vector<512xf32>
      %broadcast_in_dim3A_498 = vector.shape_cast %reduce_min3A_497 : vector<512xf32> to vector<512x1xf32>
      %le3A_499 = vector.broadcast %broadcast_in_dim3A_498 : vector<512x1xf32> to vector<512x528xf32>
      %le3A_500 = arith.cmpf ole, %get3A_495, %le3A_499 : vector<512x528xf32>
      %get3A_501 = arith.constant 0 : index
      %get3A_502 = arith.constant 0 : index
      %get3A_503 = vector.load %arg12[%get3A_501, %get3A_502] : memref<512x528xf32, #tpu.memory_space<vmem>>, vector<512x528xf32>
      %jit3A_504 = arith.constant 1.000000e+09 : f32
      %broadcast_in_dim3A_505 = vector.broadcast %jit3A_504 : f32 to vector<512x528xf32>
      %select_n3A_506 = arith.select %le3A_500, %get3A_503, %broadcast_in_dim3A_505 : vector<512x528xi1>, vector<512x528xf32>
      %reduce_min3A_507 = arith.constant dense<0x7F800000> : vector<512xf32>
      %reduce_min3A_508 = vector.multi_reduction <minimumf>, %select_n3A_506, %reduce_min3A_507 [1] : vector<512x528xf32> to vector<512xf32>
      %broadcast_in_dim3A_509 = vector.shape_cast %reduce_min3A_508 : vector<512xf32> to vector<512x1xf32>
      %get3A_510 = arith.constant 0 : index
      %get3A_511 = arith.constant 0 : index
      %get3A_512 = vector.load %arg13[%get3A_510, %get3A_511] : memref<512x512xf32, #tpu.memory_space<vmem>>, vector<512x512xf32>
      %slice3A_513 = vector.extract_strided_slice %le3A_500 {offsets = [0, 0], sizes = [512, 512], strides = [1, 1]} : vector<512x528xi1> to vector<512x512xi1>
      %slice3A_514 = vector.extract_strided_slice %get3A_495 {offsets = [0, 0], sizes = [512, 512], strides = [1, 1]} : vector<512x528xf32> to vector<512x512xf32>
      %select_n3A_515 = arith.select %slice3A_513, %get3A_512, %slice3A_514 : vector<512x512xi1>, vector<512x512xf32>
      %swap3A_516 = arith.constant 0 : index
      %swap3A_517 = arith.constant 0 : index
      %swap3A_518 = vector.load %arg11[%swap3A_516, %swap3A_517] : memref<512x528xf32, #tpu.memory_space<vmem>>, vector<512x512xf32>
      tpu.vector_store %arg11[%swap3A_516, %swap3A_517], %select_n3A_515 {strides = array<i32>} : memref<512x528xf32, #tpu.memory_space<vmem>>, vector<512x512xf32>,
      %slice3A_519 = vector.extract_strided_slice %le3A_500 {offsets = [0, 512], sizes = [512, 16], strides = [1, 1]} : vector<512x528xi1> to vector<512x16xi1>
      %slice3A_520 = vector.extract_strided_slice %get3A_495 {offsets = [0, 512], sizes = [512, 16], strides = [1, 1]} : vector<512x528xf32> to vector<512x16xf32>
      %jit3A_521 = arith.constant 1.000000e+30 : f32
      %broadcast_in_dim3A_522 = vector.broadcast %jit3A_521 : f32 to vector<512x16xf32>
      %select_n3A_523 = arith.select %slice3A_519, %broadcast_in_dim3A_522, %slice3A_520 : vector<512x16xi1>, vector<512x16xf32>
      %swap3A_524 = arith.constant 0 : index
      %swap3A_525 = arith.constant 512 : index
      %swap3A_526 = vector.load %arg11[%swap3A_524, %swap3A_525] : memref<512x528xf32, #tpu.memory_space<vmem>>, vector<512x16xf32>
      tpu.vector_store %arg11[%swap3A_524, %swap3A_525], %select_n3A_523 {strides = array<i32>} : memref<512x528xf32, #tpu.memory_space<vmem>>, vector<512x16xf32>,
      %get3A_527 = arith.constant 0 : index
      %get3A_528 = arith.constant 0 : index
      %get3A_529 = vector.load %arg14[%get3A_527, %get3A_528] : memref<512x512xf32, #tpu.memory_space<vmem>>, vector<512x512xf32>
      %slice3A_530 = vector.extract_strided_slice %get3A_503 {offsets = [0, 0], sizes = [512, 512], strides = [1, 1]} : vector<512x528xf32> to vector<512x512xf32>
      %select_n3A_531 = arith.select %slice3A_513, %get3A_529, %slice3A_530 : vector<512x512xi1>, vector<512x512xf32>
      %swap3A_532 = arith.constant 0 : index
      %swap3A_533 = arith.constant 0 : index
      %swap3A_534 = vector.load %arg12[%swap3A_532, %swap3A_533] : memref<512x528xf32, #tpu.memory_space<vmem>>, vector<512x512xf32>
      tpu.vector_store %arg12[%swap3A_532, %swap3A_533], %select_n3A_531 {strides = array<i32>} : memref<512x528xf32, #tpu.memory_space<vmem>>, vector<512x512xf32>,
      %jit3A_535 = arith.constant 1.000000e+30 : f32
      %broadcast_in_dim3A_536 = vector.broadcast %jit3A_535 : f32 to vector<512x512xf32>
      %select_n3A_537 = arith.select %slice3A_513, %broadcast_in_dim3A_536, %get3A_512 : vector<512x512xi1>, vector<512x512xf32>
      %swap3A_538 = arith.constant 0 : index
      %swap3A_539 = arith.constant 0 : index
      %swap3A_540 = vector.load %arg13[%swap3A_538, %swap3A_539] : memref<512x512xf32, #tpu.memory_space<vmem>>, vector<512x512xf32>
      tpu.vector_store %arg13[%swap3A_538, %swap3A_539], %select_n3A_537 {strides = array<i32>} : memref<512x512xf32, #tpu.memory_space<vmem>>, vector<512x512xf32>,
      %eq3A_541 = vector.broadcast %scan3A_492 : i32 to vector<512x16xi32>
      %eq3A_542 = arith.cmpi eq, %iota3A_76, %eq3A_541 : vector<512x16xi32>
      %broadcast_in_dim3A_543 = vector.shape_cast %broadcast_in_dim3A_498 : vector<512x1xf32> to vector<512x1xf32>
      %broadcast_in_dim3A_544 = vector.broadcast %broadcast_in_dim3A_543 : vector<512x1xf32> to vector<512x16xf32>
      %select_n3A_545 = arith.select %eq3A_542, %broadcast_in_dim3A_544, %select_n3A_486 : vector<512x16xi1>, vector<512x16xf32>
      %eq3A_546 = vector.broadcast %scan3A_492 : i32 to vector<512x16xi32>
      %eq3A_547 = arith.cmpi eq, %iota3A_76, %eq3A_546 : vector<512x16xi32>
      %broadcast_in_dim3A_548 = vector.shape_cast %broadcast_in_dim3A_509 : vector<512x1xf32> to vector<512x1xf32>
      %broadcast_in_dim3A_549 = vector.broadcast %broadcast_in_dim3A_548 : vector<512x1xf32> to vector<512x16xf32>
      %select_n3A_550 = arith.select %eq3A_547, %broadcast_in_dim3A_549, %select_n3A_491 : vector<512x16xi1>, vector<512x16xf32>
      %scan3A_551 = arith.constant 8 : i32
      %get3A_552 = arith.constant 0 : index
      %get3A_553 = arith.constant 0 : index
      %get3A_554 = vector.load %arg11[%get3A_552, %get3A_553] : memref<512x528xf32, #tpu.memory_space<vmem>>, vector<512x528xf32>
      %reduce_min3A_555 = arith.constant dense<0x7F800000> : vector<512xf32>
      %reduce_min3A_556 = vector.multi_reduction <minimumf>, %get3A_554, %reduce_min3A_555 [1] : vector<512x528xf32> to vector<512xf32>
      %broadcast_in_dim3A_557 = vector.shape_cast %reduce_min3A_556 : vector<512xf32> to vector<512x1xf32>
      %le3A_558 = vector.broadcast %broadcast_in_dim3A_557 : vector<512x1xf32> to vector<512x528xf32>
      %le3A_559 = arith.cmpf ole, %get3A_554, %le3A_558 : vector<512x528xf32>
      %get3A_560 = arith.constant 0 : index
      %get3A_561 = arith.constant 0 : index
      %get3A_562 = vector.load %arg12[%get3A_560, %get3A_561] : memref<512x528xf32, #tpu.memory_space<vmem>>, vector<512x528xf32>
      %jit3A_563 = arith.constant 1.000000e+09 : f32
      %broadcast_in_dim3A_564 = vector.broadcast %jit3A_563 : f32 to vector<512x528xf32>
      %select_n3A_565 = arith.select %le3A_559, %get3A_562, %broadcast_in_dim3A_564 : vector<512x528xi1>, vector<512x528xf32>
      %reduce_min3A_566 = arith.constant dense<0x7F800000> : vector<512xf32>
      %reduce_min3A_567 = vector.multi_reduction <minimumf>, %select_n3A_565, %reduce_min3A_566 [1] : vector<512x528xf32> to vector<512xf32>
      %broadcast_in_dim3A_568 = vector.shape_cast %reduce_min3A_567 : vector<512xf32> to vector<512x1xf32>
      %get3A_569 = arith.constant 0 : index
      %get3A_570 = arith.constant 0 : index
      %get3A_571 = vector.load %arg13[%get3A_569, %get3A_570] : memref<512x512xf32, #tpu.memory_space<vmem>>, vector<512x512xf32>
      %slice3A_572 = vector.extract_strided_slice %le3A_559 {offsets = [0, 0], sizes = [512, 512], strides = [1, 1]} : vector<512x528xi1> to vector<512x512xi1>
      %slice3A_573 = vector.extract_strided_slice %get3A_554 {offsets = [0, 0], sizes = [512, 512], strides = [1, 1]} : vector<512x528xf32> to vector<512x512xf32>
      %select_n3A_574 = arith.select %slice3A_572, %get3A_571, %slice3A_573 : vector<512x512xi1>, vector<512x512xf32>
      %swap3A_575 = arith.constant 0 : index
      %swap3A_576 = arith.constant 0 : index
      %swap3A_577 = vector.load %arg11[%swap3A_575, %swap3A_576] : memref<512x528xf32, #tpu.memory_space<vmem>>, vector<512x512xf32>
      tpu.vector_store %arg11[%swap3A_575, %swap3A_576], %select_n3A_574 {strides = array<i32>} : memref<512x528xf32, #tpu.memory_space<vmem>>, vector<512x512xf32>,
      %slice3A_578 = vector.extract_strided_slice %le3A_559 {offsets = [0, 512], sizes = [512, 16], strides = [1, 1]} : vector<512x528xi1> to vector<512x16xi1>
      %slice3A_579 = vector.extract_strided_slice %get3A_554 {offsets = [0, 512], sizes = [512, 16], strides = [1, 1]} : vector<512x528xf32> to vector<512x16xf32>
      %jit3A_580 = arith.constant 1.000000e+30 : f32
      %broadcast_in_dim3A_581 = vector.broadcast %jit3A_580 : f32 to vector<512x16xf32>
      %select_n3A_582 = arith.select %slice3A_578, %broadcast_in_dim3A_581, %slice3A_579 : vector<512x16xi1>, vector<512x16xf32>
      %swap3A_583 = arith.constant 0 : index
      %swap3A_584 = arith.constant 512 : index
      %swap3A_585 = vector.load %arg11[%swap3A_583, %swap3A_584] : memref<512x528xf32, #tpu.memory_space<vmem>>, vector<512x16xf32>
      tpu.vector_store %arg11[%swap3A_583, %swap3A_584], %select_n3A_582 {strides = array<i32>} : memref<512x528xf32, #tpu.memory_space<vmem>>, vector<512x16xf32>,
      %get3A_586 = arith.constant 0 : index
      %get3A_587 = arith.constant 0 : index
      %get3A_588 = vector.load %arg14[%get3A_586, %get3A_587] : memref<512x512xf32, #tpu.memory_space<vmem>>, vector<512x512xf32>
      %slice3A_589 = vector.extract_strided_slice %get3A_562 {offsets = [0, 0], sizes = [512, 512], strides = [1, 1]} : vector<512x528xf32> to vector<512x512xf32>
      %select_n3A_590 = arith.select %slice3A_572, %get3A_588, %slice3A_589 : vector<512x512xi1>, vector<512x512xf32>
      %swap3A_591 = arith.constant 0 : index
      %swap3A_592 = arith.constant 0 : index
      %swap3A_593 = vector.load %arg12[%swap3A_591, %swap3A_592] : memref<512x528xf32, #tpu.memory_space<vmem>>, vector<512x512xf32>
      tpu.vector_store %arg12[%swap3A_591, %swap3A_592], %select_n3A_590 {strides = array<i32>} : memref<512x528xf32, #tpu.memory_space<vmem>>, vector<512x512xf32>,
      %jit3A_594 = arith.constant 1.000000e+30 : f32
      %broadcast_in_dim3A_595 = vector.broadcast %jit3A_594 : f32 to vector<512x512xf32>
      %select_n3A_596 = arith.select %slice3A_572, %broadcast_in_dim3A_595, %get3A_571 : vector<512x512xi1>, vector<512x512xf32>
      %swap3A_597 = arith.constant 0 : index
      %swap3A_598 = arith.constant 0 : index
      %swap3A_599 = vector.load %arg13[%swap3A_597, %swap3A_598] : memref<512x512xf32, #tpu.memory_space<vmem>>, vector<512x512xf32>
      tpu.vector_store %arg13[%swap3A_597, %swap3A_598], %select_n3A_596 {strides = array<i32>} : memref<512x512xf32, #tpu.memory_space<vmem>>, vector<512x512xf32>,
      %eq3A_600 = vector.broadcast %scan3A_551 : i32 to vector<512x16xi32>
      %eq3A_601 = arith.cmpi eq, %iota3A_76, %eq3A_600 : vector<512x16xi32>
      %broadcast_in_dim3A_602 = vector.shape_cast %broadcast_in_dim3A_557 : vector<512x1xf32> to vector<512x1xf32>
      %broadcast_in_dim3A_603 = vector.broadcast %broadcast_in_dim3A_602 : vector<512x1xf32> to vector<512x16xf32>
      %select_n3A_604 = arith.select %eq3A_601, %broadcast_in_dim3A_603, %select_n3A_545 : vector<512x16xi1>, vector<512x16xf32>
      %eq3A_605 = vector.broadcast %scan3A_551 : i32 to vector<512x16xi32>
      %eq3A_606 = arith.cmpi eq, %iota3A_76, %eq3A_605 : vector<512x16xi32>
      %broadcast_in_dim3A_607 = vector.shape_cast %broadcast_in_dim3A_568 : vector<512x1xf32> to vector<512x1xf32>
      %broadcast_in_dim3A_608 = vector.broadcast %broadcast_in_dim3A_607 : vector<512x1xf32> to vector<512x16xf32>
      %select_n3A_609 = arith.select %eq3A_606, %broadcast_in_dim3A_608, %select_n3A_550 : vector<512x16xi1>, vector<512x16xf32>
      %scan3A_610 = arith.constant 9 : i32
      %get3A_611 = arith.constant 0 : index
      %get3A_612 = arith.constant 0 : index
      %get3A_613 = vector.load %arg11[%get3A_611, %get3A_612] : memref<512x528xf32, #tpu.memory_space<vmem>>, vector<512x528xf32>
      %reduce_min3A_614 = arith.constant dense<0x7F800000> : vector<512xf32>
      %reduce_min3A_615 = vector.multi_reduction <minimumf>, %get3A_613, %reduce_min3A_614 [1] : vector<512x528xf32> to vector<512xf32>
      %broadcast_in_dim3A_616 = vector.shape_cast %reduce_min3A_615 : vector<512xf32> to vector<512x1xf32>
      %le3A_617 = vector.broadcast %broadcast_in_dim3A_616 : vector<512x1xf32> to vector<512x528xf32>
      %le3A_618 = arith.cmpf ole, %get3A_613, %le3A_617 : vector<512x528xf32>
      %get3A_619 = arith.constant 0 : index
      %get3A_620 = arith.constant 0 : index
      %get3A_621 = vector.load %arg12[%get3A_619, %get3A_620] : memref<512x528xf32, #tpu.memory_space<vmem>>, vector<512x528xf32>
      %jit3A_622 = arith.constant 1.000000e+09 : f32
      %broadcast_in_dim3A_623 = vector.broadcast %jit3A_622 : f32 to vector<512x528xf32>
      %select_n3A_624 = arith.select %le3A_618, %get3A_621, %broadcast_in_dim3A_623 : vector<512x528xi1>, vector<512x528xf32>
      %reduce_min3A_625 = arith.constant dense<0x7F800000> : vector<512xf32>
      %reduce_min3A_626 = vector.multi_reduction <minimumf>, %select_n3A_624, %reduce_min3A_625 [1] : vector<512x528xf32> to vector<512xf32>
      %broadcast_in_dim3A_627 = vector.shape_cast %reduce_min3A_626 : vector<512xf32> to vector<512x1xf32>
      %get3A_628 = arith.constant 0 : index
      %get3A_629 = arith.constant 0 : index
      %get3A_630 = vector.load %arg13[%get3A_628, %get3A_629] : memref<512x512xf32, #tpu.memory_space<vmem>>, vector<512x512xf32>
      %slice3A_631 = vector.extract_strided_slice %le3A_618 {offsets = [0, 0], sizes = [512, 512], strides = [1, 1]} : vector<512x528xi1> to vector<512x512xi1>
      %slice3A_632 = vector.extract_strided_slice %get3A_613 {offsets = [0, 0], sizes = [512, 512], strides = [1, 1]} : vector<512x528xf32> to vector<512x512xf32>
      %select_n3A_633 = arith.select %slice3A_631, %get3A_630, %slice3A_632 : vector<512x512xi1>, vector<512x512xf32>
      %swap3A_634 = arith.constant 0 : index
      %swap3A_635 = arith.constant 0 : index
      %swap3A_636 = vector.load %arg11[%swap3A_634, %swap3A_635] : memref<512x528xf32, #tpu.memory_space<vmem>>, vector<512x512xf32>
      tpu.vector_store %arg11[%swap3A_634, %swap3A_635], %select_n3A_633 {strides = array<i32>} : memref<512x528xf32, #tpu.memory_space<vmem>>, vector<512x512xf32>,
      %slice3A_637 = vector.extract_strided_slice %le3A_618 {offsets = [0, 512], sizes = [512, 16], strides = [1, 1]} : vector<512x528xi1> to vector<512x16xi1>
      %slice3A_638 = vector.extract_strided_slice %get3A_613 {offsets = [0, 512], sizes = [512, 16], strides = [1, 1]} : vector<512x528xf32> to vector<512x16xf32>
      %jit3A_639 = arith.constant 1.000000e+30 : f32
      %broadcast_in_dim3A_640 = vector.broadcast %jit3A_639 : f32 to vector<512x16xf32>
      %select_n3A_641 = arith.select %slice3A_637, %broadcast_in_dim3A_640, %slice3A_638 : vector<512x16xi1>, vector<512x16xf32>
      %swap3A_642 = arith.constant 0 : index
      %swap3A_643 = arith.constant 512 : index
      %swap3A_644 = vector.load %arg11[%swap3A_642, %swap3A_643] : memref<512x528xf32, #tpu.memory_space<vmem>>, vector<512x16xf32>
      tpu.vector_store %arg11[%swap3A_642, %swap3A_643], %select_n3A_641 {strides = array<i32>} : memref<512x528xf32, #tpu.memory_space<vmem>>, vector<512x16xf32>,
      %get3A_645 = arith.constant 0 : index
      %get3A_646 = arith.constant 0 : index
      %get3A_647 = vector.load %arg14[%get3A_645, %get3A_646] : memref<512x512xf32, #tpu.memory_space<vmem>>, vector<512x512xf32>
      %slice3A_648 = vector.extract_strided_slice %get3A_621 {offsets = [0, 0], sizes = [512, 512], strides = [1, 1]} : vector<512x528xf32> to vector<512x512xf32>
      %select_n3A_649 = arith.select %slice3A_631, %get3A_647, %slice3A_648 : vector<512x512xi1>, vector<512x512xf32>
      %swap3A_650 = arith.constant 0 : index
      %swap3A_651 = arith.constant 0 : index
      %swap3A_652 = vector.load %arg12[%swap3A_650, %swap3A_651] : memref<512x528xf32, #tpu.memory_space<vmem>>, vector<512x512xf32>
      tpu.vector_store %arg12[%swap3A_650, %swap3A_651], %select_n3A_649 {strides = array<i32>} : memref<512x528xf32, #tpu.memory_space<vmem>>, vector<512x512xf32>,
      %jit3A_653 = arith.constant 1.000000e+30 : f32
      %broadcast_in_dim3A_654 = vector.broadcast %jit3A_653 : f32 to vector<512x512xf32>
      %select_n3A_655 = arith.select %slice3A_631, %broadcast_in_dim3A_654, %get3A_630 : vector<512x512xi1>, vector<512x512xf32>
      %swap3A_656 = arith.constant 0 : index
      %swap3A_657 = arith.constant 0 : index
      %swap3A_658 = vector.load %arg13[%swap3A_656, %swap3A_657] : memref<512x512xf32, #tpu.memory_space<vmem>>, vector<512x512xf32>
      tpu.vector_store %arg13[%swap3A_656, %swap3A_657], %select_n3A_655 {strides = array<i32>} : memref<512x512xf32, #tpu.memory_space<vmem>>, vector<512x512xf32>,
      %eq3A_659 = vector.broadcast %scan3A_610 : i32 to vector<512x16xi32>
      %eq3A_660 = arith.cmpi eq, %iota3A_76, %eq3A_659 : vector<512x16xi32>
      %broadcast_in_dim3A_661 = vector.shape_cast %broadcast_in_dim3A_616 : vector<512x1xf32> to vector<512x1xf32>
      %broadcast_in_dim3A_662 = vector.broadcast %broadcast_in_dim3A_661 : vector<512x1xf32> to vector<512x16xf32>
      %select_n3A_663 = arith.select %eq3A_660, %broadcast_in_dim3A_662, %select_n3A_604 : vector<512x16xi1>, vector<512x16xf32>
      %eq3A_664 = vector.broadcast %scan3A_610 : i32 to vector<512x16xi32>
      %eq3A_665 = arith.cmpi eq, %iota3A_76, %eq3A_664 : vector<512x16xi32>
      %broadcast_in_dim3A_666 = vector.shape_cast %broadcast_in_dim3A_627 : vector<512x1xf32> to vector<512x1xf32>
      %broadcast_in_dim3A_667 = vector.broadcast %broadcast_in_dim3A_666 : vector<512x1xf32> to vector<512x16xf32>
      %select_n3A_668 = arith.select %eq3A_665, %broadcast_in_dim3A_667, %select_n3A_609 : vector<512x16xi1>, vector<512x16xf32>
      %scan3A_669 = arith.constant 10 : i32
      %get3A_670 = arith.constant 0 : index
      %get3A_671 = arith.constant 0 : index
      %get3A_672 = vector.load %arg11[%get3A_670, %get3A_671] : memref<512x528xf32, #tpu.memory_space<vmem>>, vector<512x528xf32>
      %reduce_min3A_673 = arith.constant dense<0x7F800000> : vector<512xf32>
      %reduce_min3A_674 = vector.multi_reduction <minimumf>, %get3A_672, %reduce_min3A_673 [1] : vector<512x528xf32> to vector<512xf32>
      %broadcast_in_dim3A_675 = vector.shape_cast %reduce_min3A_674 : vector<512xf32> to vector<512x1xf32>
      %le3A_676 = vector.broadcast %broadcast_in_dim3A_675 : vector<512x1xf32> to vector<512x528xf32>
      %le3A_677 = arith.cmpf ole, %get3A_672, %le3A_676 : vector<512x528xf32>
      %get3A_678 = arith.constant 0 : index
      %get3A_679 = arith.constant 0 : index
      %get3A_680 = vector.load %arg12[%get3A_678, %get3A_679] : memref<512x528xf32, #tpu.memory_space<vmem>>, vector<512x528xf32>
      %jit3A_681 = arith.constant 1.000000e+09 : f32
      %broadcast_in_dim3A_682 = vector.broadcast %jit3A_681 : f32 to vector<512x528xf32>
      %select_n3A_683 = arith.select %le3A_677, %get3A_680, %broadcast_in_dim3A_682 : vector<512x528xi1>, vector<512x528xf32>
      %reduce_min3A_684 = arith.constant dense<0x7F800000> : vector<512xf32>
      %reduce_min3A_685 = vector.multi_reduction <minimumf>, %select_n3A_683, %reduce_min3A_684 [1] : vector<512x528xf32> to vector<512xf32>
      %broadcast_in_dim3A_686 = vector.shape_cast %reduce_min3A_685 : vector<512xf32> to vector<512x1xf32>
      %get3A_687 = arith.constant 0 : index
      %get3A_688 = arith.constant 0 : index
      %get3A_689 = vector.load %arg13[%get3A_687, %get3A_688] : memref<512x512xf32, #tpu.memory_space<vmem>>, vector<512x512xf32>
      %slice3A_690 = vector.extract_strided_slice %le3A_677 {offsets = [0, 0], sizes = [512, 512], strides = [1, 1]} : vector<512x528xi1> to vector<512x512xi1>
      %slice3A_691 = vector.extract_strided_slice %get3A_672 {offsets = [0, 0], sizes = [512, 512], strides = [1, 1]} : vector<512x528xf32> to vector<512x512xf32>
      %select_n3A_692 = arith.select %slice3A_690, %get3A_689, %slice3A_691 : vector<512x512xi1>, vector<512x512xf32>
      %swap3A_693 = arith.constant 0 : index
      %swap3A_694 = arith.constant 0 : index
      %swap3A_695 = vector.load %arg11[%swap3A_693, %swap3A_694] : memref<512x528xf32, #tpu.memory_space<vmem>>, vector<512x512xf32>
      tpu.vector_store %arg11[%swap3A_693, %swap3A_694], %select_n3A_692 {strides = array<i32>} : memref<512x528xf32, #tpu.memory_space<vmem>>, vector<512x512xf32>,
      %slice3A_696 = vector.extract_strided_slice %le3A_677 {offsets = [0, 512], sizes = [512, 16], strides = [1, 1]} : vector<512x528xi1> to vector<512x16xi1>
      %slice3A_697 = vector.extract_strided_slice %get3A_672 {offsets = [0, 512], sizes = [512, 16], strides = [1, 1]} : vector<512x528xf32> to vector<512x16xf32>
      %jit3A_698 = arith.constant 1.000000e+30 : f32
      %broadcast_in_dim3A_699 = vector.broadcast %jit3A_698 : f32 to vector<512x16xf32>
      %select_n3A_700 = arith.select %slice3A_696, %broadcast_in_dim3A_699, %slice3A_697 : vector<512x16xi1>, vector<512x16xf32>
      %swap3A_701 = arith.constant 0 : index
      %swap3A_702 = arith.constant 512 : index
      %swap3A_703 = vector.load %arg11[%swap3A_701, %swap3A_702] : memref<512x528xf32, #tpu.memory_space<vmem>>, vector<512x16xf32>
      tpu.vector_store %arg11[%swap3A_701, %swap3A_702], %select_n3A_700 {strides = array<i32>} : memref<512x528xf32, #tpu.memory_space<vmem>>, vector<512x16xf32>,
      %get3A_704 = arith.constant 0 : index
      %get3A_705 = arith.constant 0 : index
      %get3A_706 = vector.load %arg14[%get3A_704, %get3A_705] : memref<512x512xf32, #tpu.memory_space<vmem>>, vector<512x512xf32>
      %slice3A_707 = vector.extract_strided_slice %get3A_680 {offsets = [0, 0], sizes = [512, 512], strides = [1, 1]} : vector<512x528xf32> to vector<512x512xf32>
      %select_n3A_708 = arith.select %slice3A_690, %get3A_706, %slice3A_707 : vector<512x512xi1>, vector<512x512xf32>
      %swap3A_709 = arith.constant 0 : index
      %swap3A_710 = arith.constant 0 : index
      %swap3A_711 = vector.load %arg12[%swap3A_709, %swap3A_710] : memref<512x528xf32, #tpu.memory_space<vmem>>, vector<512x512xf32>
      tpu.vector_store %arg12[%swap3A_709, %swap3A_710], %select_n3A_708 {strides = array<i32>} : memref<512x528xf32, #tpu.memory_space<vmem>>, vector<512x512xf32>,
      %jit3A_712 = arith.constant 1.000000e+30 : f32
      %broadcast_in_dim3A_713 = vector.broadcast %jit3A_712 : f32 to vector<512x512xf32>
      %select_n3A_714 = arith.select %slice3A_690, %broadcast_in_dim3A_713, %get3A_689 : vector<512x512xi1>, vector<512x512xf32>
      %swap3A_715 = arith.constant 0 : index
      %swap3A_716 = arith.constant 0 : index
      %swap3A_717 = vector.load %arg13[%swap3A_715, %swap3A_716] : memref<512x512xf32, #tpu.memory_space<vmem>>, vector<512x512xf32>
      tpu.vector_store %arg13[%swap3A_715, %swap3A_716], %select_n3A_714 {strides = array<i32>} : memref<512x512xf32, #tpu.memory_space<vmem>>, vector<512x512xf32>,
      %eq3A_718 = vector.broadcast %scan3A_669 : i32 to vector<512x16xi32>
      %eq3A_719 = arith.cmpi eq, %iota3A_76, %eq3A_718 : vector<512x16xi32>
      %broadcast_in_dim3A_720 = vector.shape_cast %broadcast_in_dim3A_675 : vector<512x1xf32> to vector<512x1xf32>
      %broadcast_in_dim3A_721 = vector.broadcast %broadcast_in_dim3A_720 : vector<512x1xf32> to vector<512x16xf32>
      %select_n3A_722 = arith.select %eq3A_719, %broadcast_in_dim3A_721, %select_n3A_663 : vector<512x16xi1>, vector<512x16xf32>
      %eq3A_723 = vector.broadcast %scan3A_669 : i32 to vector<512x16xi32>
      %eq3A_724 = arith.cmpi eq, %iota3A_76, %eq3A_723 : vector<512x16xi32>
      %broadcast_in_dim3A_725 = vector.shape_cast %broadcast_in_dim3A_686 : vector<512x1xf32> to vector<512x1xf32>
      %broadcast_in_dim3A_726 = vector.broadcast %broadcast_in_dim3A_725 : vector<512x1xf32> to vector<512x16xf32>
      %select_n3A_727 = arith.select %eq3A_724, %broadcast_in_dim3A_726, %select_n3A_668 : vector<512x16xi1>, vector<512x16xf32>
      %scan3A_728 = arith.constant 11 : i32
      %get3A_729 = arith.constant 0 : index
      %get3A_730 = arith.constant 0 : index
      %get3A_731 = vector.load %arg11[%get3A_729, %get3A_730] : memref<512x528xf32, #tpu.memory_space<vmem>>, vector<512x528xf32>
      %reduce_min3A_732 = arith.constant dense<0x7F800000> : vector<512xf32>
      %reduce_min3A_733 = vector.multi_reduction <minimumf>, %get3A_731, %reduce_min3A_732 [1] : vector<512x528xf32> to vector<512xf32>
      %broadcast_in_dim3A_734 = vector.shape_cast %reduce_min3A_733 : vector<512xf32> to vector<512x1xf32>
      %le3A_735 = vector.broadcast %broadcast_in_dim3A_734 : vector<512x1xf32> to vector<512x528xf32>
      %le3A_736 = arith.cmpf ole, %get3A_731, %le3A_735 : vector<512x528xf32>
      %get3A_737 = arith.constant 0 : index
      %get3A_738 = arith.constant 0 : index
      %get3A_739 = vector.load %arg12[%get3A_737, %get3A_738] : memref<512x528xf32, #tpu.memory_space<vmem>>, vector<512x528xf32>
      %jit3A_740 = arith.constant 1.000000e+09 : f32
      %broadcast_in_dim3A_741 = vector.broadcast %jit3A_740 : f32 to vector<512x528xf32>
      %select_n3A_742 = arith.select %le3A_736, %get3A_739, %broadcast_in_dim3A_741 : vector<512x528xi1>, vector<512x528xf32>
      %reduce_min3A_743 = arith.constant dense<0x7F800000> : vector<512xf32>
      %reduce_min3A_744 = vector.multi_reduction <minimumf>, %select_n3A_742, %reduce_min3A_743 [1] : vector<512x528xf32> to vector<512xf32>
      %broadcast_in_dim3A_745 = vector.shape_cast %reduce_min3A_744 : vector<512xf32> to vector<512x1xf32>
      %get3A_746 = arith.constant 0 : index
      %get3A_747 = arith.constant 0 : index
      %get3A_748 = vector.load %arg13[%get3A_746, %get3A_747] : memref<512x512xf32, #tpu.memory_space<vmem>>, vector<512x512xf32>
      %slice3A_749 = vector.extract_strided_slice %le3A_736 {offsets = [0, 0], sizes = [512, 512], strides = [1, 1]} : vector<512x528xi1> to vector<512x512xi1>
      %slice3A_750 = vector.extract_strided_slice %get3A_731 {offsets = [0, 0], sizes = [512, 512], strides = [1, 1]} : vector<512x528xf32> to vector<512x512xf32>
      %select_n3A_751 = arith.select %slice3A_749, %get3A_748, %slice3A_750 : vector<512x512xi1>, vector<512x512xf32>
      %swap3A_752 = arith.constant 0 : index
      %swap3A_753 = arith.constant 0 : index
      %swap3A_754 = vector.load %arg11[%swap3A_752, %swap3A_753] : memref<512x528xf32, #tpu.memory_space<vmem>>, vector<512x512xf32>
      tpu.vector_store %arg11[%swap3A_752, %swap3A_753], %select_n3A_751 {strides = array<i32>} : memref<512x528xf32, #tpu.memory_space<vmem>>, vector<512x512xf32>,
      %slice3A_755 = vector.extract_strided_slice %le3A_736 {offsets = [0, 512], sizes = [512, 16], strides = [1, 1]} : vector<512x528xi1> to vector<512x16xi1>
      %slice3A_756 = vector.extract_strided_slice %get3A_731 {offsets = [0, 512], sizes = [512, 16], strides = [1, 1]} : vector<512x528xf32> to vector<512x16xf32>
      %jit3A_757 = arith.constant 1.000000e+30 : f32
      %broadcast_in_dim3A_758 = vector.broadcast %jit3A_757 : f32 to vector<512x16xf32>
      %select_n3A_759 = arith.select %slice3A_755, %broadcast_in_dim3A_758, %slice3A_756 : vector<512x16xi1>, vector<512x16xf32>
      %swap3A_760 = arith.constant 0 : index
      %swap3A_761 = arith.constant 512 : index
      %swap3A_762 = vector.load %arg11[%swap3A_760, %swap3A_761] : memref<512x528xf32, #tpu.memory_space<vmem>>, vector<512x16xf32>
      tpu.vector_store %arg11[%swap3A_760, %swap3A_761], %select_n3A_759 {strides = array<i32>} : memref<512x528xf32, #tpu.memory_space<vmem>>, vector<512x16xf32>,
      %get3A_763 = arith.constant 0 : index
      %get3A_764 = arith.constant 0 : index
      %get3A_765 = vector.load %arg14[%get3A_763, %get3A_764] : memref<512x512xf32, #tpu.memory_space<vmem>>, vector<512x512xf32>
      %slice3A_766 = vector.extract_strided_slice %get3A_739 {offsets = [0, 0], sizes = [512, 512], strides = [1, 1]} : vector<512x528xf32> to vector<512x512xf32>
      %select_n3A_767 = arith.select %slice3A_749, %get3A_765, %slice3A_766 : vector<512x512xi1>, vector<512x512xf32>
      %swap3A_768 = arith.constant 0 : index
      %swap3A_769 = arith.constant 0 : index
      %swap3A_770 = vector.load %arg12[%swap3A_768, %swap3A_769] : memref<512x528xf32, #tpu.memory_space<vmem>>, vector<512x512xf32>
      tpu.vector_store %arg12[%swap3A_768, %swap3A_769], %select_n3A_767 {strides = array<i32>} : memref<512x528xf32, #tpu.memory_space<vmem>>, vector<512x512xf32>,
      %jit3A_771 = arith.constant 1.000000e+30 : f32
      %broadcast_in_dim3A_772 = vector.broadcast %jit3A_771 : f32 to vector<512x512xf32>
      %select_n3A_773 = arith.select %slice3A_749, %broadcast_in_dim3A_772, %get3A_748 : vector<512x512xi1>, vector<512x512xf32>
      %swap3A_774 = arith.constant 0 : index
      %swap3A_775 = arith.constant 0 : index
      %swap3A_776 = vector.load %arg13[%swap3A_774, %swap3A_775] : memref<512x512xf32, #tpu.memory_space<vmem>>, vector<512x512xf32>
      tpu.vector_store %arg13[%swap3A_774, %swap3A_775], %select_n3A_773 {strides = array<i32>} : memref<512x512xf32, #tpu.memory_space<vmem>>, vector<512x512xf32>,
      %eq3A_777 = vector.broadcast %scan3A_728 : i32 to vector<512x16xi32>
      %eq3A_778 = arith.cmpi eq, %iota3A_76, %eq3A_777 : vector<512x16xi32>
      %broadcast_in_dim3A_779 = vector.shape_cast %broadcast_in_dim3A_734 : vector<512x1xf32> to vector<512x1xf32>
      %broadcast_in_dim3A_780 = vector.broadcast %broadcast_in_dim3A_779 : vector<512x1xf32> to vector<512x16xf32>
      %select_n3A_781 = arith.select %eq3A_778, %broadcast_in_dim3A_780, %select_n3A_722 : vector<512x16xi1>, vector<512x16xf32>
      %eq3A_782 = vector.broadcast %scan3A_728 : i32 to vector<512x16xi32>
      %eq3A_783 = arith.cmpi eq, %iota3A_76, %eq3A_782 : vector<512x16xi32>
      %broadcast_in_dim3A_784 = vector.shape_cast %broadcast_in_dim3A_745 : vector<512x1xf32> to vector<512x1xf32>
      %broadcast_in_dim3A_785 = vector.broadcast %broadcast_in_dim3A_784 : vector<512x1xf32> to vector<512x16xf32>
      %select_n3A_786 = arith.select %eq3A_783, %broadcast_in_dim3A_785, %select_n3A_727 : vector<512x16xi1>, vector<512x16xf32>
      %scan3A_787 = arith.constant 12 : i32
      %get3A_788 = arith.constant 0 : index
      %get3A_789 = arith.constant 0 : index
      %get3A_790 = vector.load %arg11[%get3A_788, %get3A_789] : memref<512x528xf32, #tpu.memory_space<vmem>>, vector<512x528xf32>
      %reduce_min3A_791 = arith.constant dense<0x7F800000> : vector<512xf32>
      %reduce_min3A_792 = vector.multi_reduction <minimumf>, %get3A_790, %reduce_min3A_791 [1] : vector<512x528xf32> to vector<512xf32>
      %broadcast_in_dim3A_793 = vector.shape_cast %reduce_min3A_792 : vector<512xf32> to vector<512x1xf32>
      %le3A_794 = vector.broadcast %broadcast_in_dim3A_793 : vector<512x1xf32> to vector<512x528xf32>
      %le3A_795 = arith.cmpf ole, %get3A_790, %le3A_794 : vector<512x528xf32>
      %get3A_796 = arith.constant 0 : index
      %get3A_797 = arith.constant 0 : index
      %get3A_798 = vector.load %arg12[%get3A_796, %get3A_797] : memref<512x528xf32, #tpu.memory_space<vmem>>, vector<512x528xf32>
      %jit3A_799 = arith.constant 1.000000e+09 : f32
      %broadcast_in_dim3A_800 = vector.broadcast %jit3A_799 : f32 to vector<512x528xf32>
      %select_n3A_801 = arith.select %le3A_795, %get3A_798, %broadcast_in_dim3A_800 : vector<512x528xi1>, vector<512x528xf32>
      %reduce_min3A_802 = arith.constant dense<0x7F800000> : vector<512xf32>
      %reduce_min3A_803 = vector.multi_reduction <minimumf>, %select_n3A_801, %reduce_min3A_802 [1] : vector<512x528xf32> to vector<512xf32>
      %broadcast_in_dim3A_804 = vector.shape_cast %reduce_min3A_803 : vector<512xf32> to vector<512x1xf32>
      %get3A_805 = arith.constant 0 : index
      %get3A_806 = arith.constant 0 : index
      %get3A_807 = vector.load %arg13[%get3A_805, %get3A_806] : memref<512x512xf32, #tpu.memory_space<vmem>>, vector<512x512xf32>
      %slice3A_808 = vector.extract_strided_slice %le3A_795 {offsets = [0, 0], sizes = [512, 512], strides = [1, 1]} : vector<512x528xi1> to vector<512x512xi1>
      %slice3A_809 = vector.extract_strided_slice %get3A_790 {offsets = [0, 0], sizes = [512, 512], strides = [1, 1]} : vector<512x528xf32> to vector<512x512xf32>
      %select_n3A_810 = arith.select %slice3A_808, %get3A_807, %slice3A_809 : vector<512x512xi1>, vector<512x512xf32>
      %swap3A_811 = arith.constant 0 : index
      %swap3A_812 = arith.constant 0 : index
      %swap3A_813 = vector.load %arg11[%swap3A_811, %swap3A_812] : memref<512x528xf32, #tpu.memory_space<vmem>>, vector<512x512xf32>
      tpu.vector_store %arg11[%swap3A_811, %swap3A_812], %select_n3A_810 {strides = array<i32>} : memref<512x528xf32, #tpu.memory_space<vmem>>, vector<512x512xf32>,
      %slice3A_814 = vector.extract_strided_slice %le3A_795 {offsets = [0, 512], sizes = [512, 16], strides = [1, 1]} : vector<512x528xi1> to vector<512x16xi1>
      %slice3A_815 = vector.extract_strided_slice %get3A_790 {offsets = [0, 512], sizes = [512, 16], strides = [1, 1]} : vector<512x528xf32> to vector<512x16xf32>
      %jit3A_816 = arith.constant 1.000000e+30 : f32
      %broadcast_in_dim3A_817 = vector.broadcast %jit3A_816 : f32 to vector<512x16xf32>
      %select_n3A_818 = arith.select %slice3A_814, %broadcast_in_dim3A_817, %slice3A_815 : vector<512x16xi1>, vector<512x16xf32>
      %swap3A_819 = arith.constant 0 : index
      %swap3A_820 = arith.constant 512 : index
      %swap3A_821 = vector.load %arg11[%swap3A_819, %swap3A_820] : memref<512x528xf32, #tpu.memory_space<vmem>>, vector<512x16xf32>
      tpu.vector_store %arg11[%swap3A_819, %swap3A_820], %select_n3A_818 {strides = array<i32>} : memref<512x528xf32, #tpu.memory_space<vmem>>, vector<512x16xf32>,
      %get3A_822 = arith.constant 0 : index
      %get3A_823 = arith.constant 0 : index
      %get3A_824 = vector.load %arg14[%get3A_822, %get3A_823] : memref<512x512xf32, #tpu.memory_space<vmem>>, vector<512x512xf32>
      %slice3A_825 = vector.extract_strided_slice %get3A_798 {offsets = [0, 0], sizes = [512, 512], strides = [1, 1]} : vector<512x528xf32> to vector<512x512xf32>
      %select_n3A_826 = arith.select %slice3A_808, %get3A_824, %slice3A_825 : vector<512x512xi1>, vector<512x512xf32>
      %swap3A_827 = arith.constant 0 : index
      %swap3A_828 = arith.constant 0 : index
      %swap3A_829 = vector.load %arg12[%swap3A_827, %swap3A_828] : memref<512x528xf32, #tpu.memory_space<vmem>>, vector<512x512xf32>
      tpu.vector_store %arg12[%swap3A_827, %swap3A_828], %select_n3A_826 {strides = array<i32>} : memref<512x528xf32, #tpu.memory_space<vmem>>, vector<512x512xf32>,
      %jit3A_830 = arith.constant 1.000000e+30 : f32
      %broadcast_in_dim3A_831 = vector.broadcast %jit3A_830 : f32 to vector<512x512xf32>
      %select_n3A_832 = arith.select %slice3A_808, %broadcast_in_dim3A_831, %get3A_807 : vector<512x512xi1>, vector<512x512xf32>
      %swap3A_833 = arith.constant 0 : index
      %swap3A_834 = arith.constant 0 : index
      %swap3A_835 = vector.load %arg13[%swap3A_833, %swap3A_834] : memref<512x512xf32, #tpu.memory_space<vmem>>, vector<512x512xf32>
      tpu.vector_store %arg13[%swap3A_833, %swap3A_834], %select_n3A_832 {strides = array<i32>} : memref<512x512xf32, #tpu.memory_space<vmem>>, vector<512x512xf32>,
      %eq3A_836 = vector.broadcast %scan3A_787 : i32 to vector<512x16xi32>
      %eq3A_837 = arith.cmpi eq, %iota3A_76, %eq3A_836 : vector<512x16xi32>
      %broadcast_in_dim3A_838 = vector.shape_cast %broadcast_in_dim3A_793 : vector<512x1xf32> to vector<512x1xf32>
      %broadcast_in_dim3A_839 = vector.broadcast %broadcast_in_dim3A_838 : vector<512x1xf32> to vector<512x16xf32>
      %select_n3A_840 = arith.select %eq3A_837, %broadcast_in_dim3A_839, %select_n3A_781 : vector<512x16xi1>, vector<512x16xf32>
      %eq3A_841 = vector.broadcast %scan3A_787 : i32 to vector<512x16xi32>
      %eq3A_842 = arith.cmpi eq, %iota3A_76, %eq3A_841 : vector<512x16xi32>
      %broadcast_in_dim3A_843 = vector.shape_cast %broadcast_in_dim3A_804 : vector<512x1xf32> to vector<512x1xf32>
      %broadcast_in_dim3A_844 = vector.broadcast %broadcast_in_dim3A_843 : vector<512x1xf32> to vector<512x16xf32>
      %select_n3A_845 = arith.select %eq3A_842, %broadcast_in_dim3A_844, %select_n3A_786 : vector<512x16xi1>, vector<512x16xf32>
      %scan3A_846 = arith.constant 13 : i32
      %get3A_847 = arith.constant 0 : index
      %get3A_848 = arith.constant 0 : index
      %get3A_849 = vector.load %arg11[%get3A_847, %get3A_848] : memref<512x528xf32, #tpu.memory_space<vmem>>, vector<512x528xf32>
      %reduce_min3A_850 = arith.constant dense<0x7F800000> : vector<512xf32>
      %reduce_min3A_851 = vector.multi_reduction <minimumf>, %get3A_849, %reduce_min3A_850 [1] : vector<512x528xf32> to vector<512xf32>
      %broadcast_in_dim3A_852 = vector.shape_cast %reduce_min3A_851 : vector<512xf32> to vector<512x1xf32>
      %le3A_853 = vector.broadcast %broadcast_in_dim3A_852 : vector<512x1xf32> to vector<512x528xf32>
      %le3A_854 = arith.cmpf ole, %get3A_849, %le3A_853 : vector<512x528xf32>
      %get3A_855 = arith.constant 0 : index
      %get3A_856 = arith.constant 0 : index
      %get3A_857 = vector.load %arg12[%get3A_855, %get3A_856] : memref<512x528xf32, #tpu.memory_space<vmem>>, vector<512x528xf32>
      %jit3A_858 = arith.constant 1.000000e+09 : f32
      %broadcast_in_dim3A_859 = vector.broadcast %jit3A_858 : f32 to vector<512x528xf32>
      %select_n3A_860 = arith.select %le3A_854, %get3A_857, %broadcast_in_dim3A_859 : vector<512x528xi1>, vector<512x528xf32>
      %reduce_min3A_861 = arith.constant dense<0x7F800000> : vector<512xf32>
      %reduce_min3A_862 = vector.multi_reduction <minimumf>, %select_n3A_860, %reduce_min3A_861 [1] : vector<512x528xf32> to vector<512xf32>
      %broadcast_in_dim3A_863 = vector.shape_cast %reduce_min3A_862 : vector<512xf32> to vector<512x1xf32>
      %get3A_864 = arith.constant 0 : index
      %get3A_865 = arith.constant 0 : index
      %get3A_866 = vector.load %arg13[%get3A_864, %get3A_865] : memref<512x512xf32, #tpu.memory_space<vmem>>, vector<512x512xf32>
      %slice3A_867 = vector.extract_strided_slice %le3A_854 {offsets = [0, 0], sizes = [512, 512], strides = [1, 1]} : vector<512x528xi1> to vector<512x512xi1>
      %slice3A_868 = vector.extract_strided_slice %get3A_849 {offsets = [0, 0], sizes = [512, 512], strides = [1, 1]} : vector<512x528xf32> to vector<512x512xf32>
      %select_n3A_869 = arith.select %slice3A_867, %get3A_866, %slice3A_868 : vector<512x512xi1>, vector<512x512xf32>
      %swap3A_870 = arith.constant 0 : index
      %swap3A_871 = arith.constant 0 : index
      %swap3A_872 = vector.load %arg11[%swap3A_870, %swap3A_871] : memref<512x528xf32, #tpu.memory_space<vmem>>, vector<512x512xf32>
      tpu.vector_store %arg11[%swap3A_870, %swap3A_871], %select_n3A_869 {strides = array<i32>} : memref<512x528xf32, #tpu.memory_space<vmem>>, vector<512x512xf32>,
      %slice3A_873 = vector.extract_strided_slice %le3A_854 {offsets = [0, 512], sizes = [512, 16], strides = [1, 1]} : vector<512x528xi1> to vector<512x16xi1>
      %slice3A_874 = vector.extract_strided_slice %get3A_849 {offsets = [0, 512], sizes = [512, 16], strides = [1, 1]} : vector<512x528xf32> to vector<512x16xf32>
      %jit3A_875 = arith.constant 1.000000e+30 : f32
      %broadcast_in_dim3A_876 = vector.broadcast %jit3A_875 : f32 to vector<512x16xf32>
      %select_n3A_877 = arith.select %slice3A_873, %broadcast_in_dim3A_876, %slice3A_874 : vector<512x16xi1>, vector<512x16xf32>
      %swap3A_878 = arith.constant 0 : index
      %swap3A_879 = arith.constant 512 : index
      %swap3A_880 = vector.load %arg11[%swap3A_878, %swap3A_879] : memref<512x528xf32, #tpu.memory_space<vmem>>, vector<512x16xf32>
      tpu.vector_store %arg11[%swap3A_878, %swap3A_879], %select_n3A_877 {strides = array<i32>} : memref<512x528xf32, #tpu.memory_space<vmem>>, vector<512x16xf32>,
      %get3A_881 = arith.constant 0 : index
      %get3A_882 = arith.constant 0 : index
      %get3A_883 = vector.load %arg14[%get3A_881, %get3A_882] : memref<512x512xf32, #tpu.memory_space<vmem>>, vector<512x512xf32>
      %slice3A_884 = vector.extract_strided_slice %get3A_857 {offsets = [0, 0], sizes = [512, 512], strides = [1, 1]} : vector<512x528xf32> to vector<512x512xf32>
      %select_n3A_885 = arith.select %slice3A_867, %get3A_883, %slice3A_884 : vector<512x512xi1>, vector<512x512xf32>
      %swap3A_886 = arith.constant 0 : index
      %swap3A_887 = arith.constant 0 : index
      %swap3A_888 = vector.load %arg12[%swap3A_886, %swap3A_887] : memref<512x528xf32, #tpu.memory_space<vmem>>, vector<512x512xf32>
      tpu.vector_store %arg12[%swap3A_886, %swap3A_887], %select_n3A_885 {strides = array<i32>} : memref<512x528xf32, #tpu.memory_space<vmem>>, vector<512x512xf32>,
      %jit3A_889 = arith.constant 1.000000e+30 : f32
      %broadcast_in_dim3A_890 = vector.broadcast %jit3A_889 : f32 to vector<512x512xf32>
      %select_n3A_891 = arith.select %slice3A_867, %broadcast_in_dim3A_890, %get3A_866 : vector<512x512xi1>, vector<512x512xf32>
      %swap3A_892 = arith.constant 0 : index
      %swap3A_893 = arith.constant 0 : index
      %swap3A_894 = vector.load %arg13[%swap3A_892, %swap3A_893] : memref<512x512xf32, #tpu.memory_space<vmem>>, vector<512x512xf32>
      tpu.vector_store %arg13[%swap3A_892, %swap3A_893], %select_n3A_891 {strides = array<i32>} : memref<512x512xf32, #tpu.memory_space<vmem>>, vector<512x512xf32>,
      %eq3A_895 = vector.broadcast %scan3A_846 : i32 to vector<512x16xi32>
      %eq3A_896 = arith.cmpi eq, %iota3A_76, %eq3A_895 : vector<512x16xi32>
      %broadcast_in_dim3A_897 = vector.shape_cast %broadcast_in_dim3A_852 : vector<512x1xf32> to vector<512x1xf32>
      %broadcast_in_dim3A_898 = vector.broadcast %broadcast_in_dim3A_897 : vector<512x1xf32> to vector<512x16xf32>
      %select_n3A_899 = arith.select %eq3A_896, %broadcast_in_dim3A_898, %select_n3A_840 : vector<512x16xi1>, vector<512x16xf32>
      %eq3A_900 = vector.broadcast %scan3A_846 : i32 to vector<512x16xi32>
      %eq3A_901 = arith.cmpi eq, %iota3A_76, %eq3A_900 : vector<512x16xi32>
      %broadcast_in_dim3A_902 = vector.shape_cast %broadcast_in_dim3A_863 : vector<512x1xf32> to vector<512x1xf32>
      %broadcast_in_dim3A_903 = vector.broadcast %broadcast_in_dim3A_902 : vector<512x1xf32> to vector<512x16xf32>
      %select_n3A_904 = arith.select %eq3A_901, %broadcast_in_dim3A_903, %select_n3A_845 : vector<512x16xi1>, vector<512x16xf32>
      %scan3A_905 = arith.constant 14 : i32
      %get3A_906 = arith.constant 0 : index
      %get3A_907 = arith.constant 0 : index
      %get3A_908 = vector.load %arg11[%get3A_906, %get3A_907] : memref<512x528xf32, #tpu.memory_space<vmem>>, vector<512x528xf32>
      %reduce_min3A_909 = arith.constant dense<0x7F800000> : vector<512xf32>
      %reduce_min3A_910 = vector.multi_reduction <minimumf>, %get3A_908, %reduce_min3A_909 [1] : vector<512x528xf32> to vector<512xf32>
      %broadcast_in_dim3A_911 = vector.shape_cast %reduce_min3A_910 : vector<512xf32> to vector<512x1xf32>
      %le3A_912 = vector.broadcast %broadcast_in_dim3A_911 : vector<512x1xf32> to vector<512x528xf32>
      %le3A_913 = arith.cmpf ole, %get3A_908, %le3A_912 : vector<512x528xf32>
      %get3A_914 = arith.constant 0 : index
      %get3A_915 = arith.constant 0 : index
      %get3A_916 = vector.load %arg12[%get3A_914, %get3A_915] : memref<512x528xf32, #tpu.memory_space<vmem>>, vector<512x528xf32>
      %jit3A_917 = arith.constant 1.000000e+09 : f32
      %broadcast_in_dim3A_918 = vector.broadcast %jit3A_917 : f32 to vector<512x528xf32>
      %select_n3A_919 = arith.select %le3A_913, %get3A_916, %broadcast_in_dim3A_918 : vector<512x528xi1>, vector<512x528xf32>
      %reduce_min3A_920 = arith.constant dense<0x7F800000> : vector<512xf32>
      %reduce_min3A_921 = vector.multi_reduction <minimumf>, %select_n3A_919, %reduce_min3A_920 [1] : vector<512x528xf32> to vector<512xf32>
      %broadcast_in_dim3A_922 = vector.shape_cast %reduce_min3A_921 : vector<512xf32> to vector<512x1xf32>
      %get3A_923 = arith.constant 0 : index
      %get3A_924 = arith.constant 0 : index
      %get3A_925 = vector.load %arg13[%get3A_923, %get3A_924] : memref<512x512xf32, #tpu.memory_space<vmem>>, vector<512x512xf32>
      %slice3A_926 = vector.extract_strided_slice %le3A_913 {offsets = [0, 0], sizes = [512, 512], strides = [1, 1]} : vector<512x528xi1> to vector<512x512xi1>
      %slice3A_927 = vector.extract_strided_slice %get3A_908 {offsets = [0, 0], sizes = [512, 512], strides = [1, 1]} : vector<512x528xf32> to vector<512x512xf32>
      %select_n3A_928 = arith.select %slice3A_926, %get3A_925, %slice3A_927 : vector<512x512xi1>, vector<512x512xf32>
      %swap3A_929 = arith.constant 0 : index
      %swap3A_930 = arith.constant 0 : index
      %swap3A_931 = vector.load %arg11[%swap3A_929, %swap3A_930] : memref<512x528xf32, #tpu.memory_space<vmem>>, vector<512x512xf32>
      tpu.vector_store %arg11[%swap3A_929, %swap3A_930], %select_n3A_928 {strides = array<i32>} : memref<512x528xf32, #tpu.memory_space<vmem>>, vector<512x512xf32>,
      %slice3A_932 = vector.extract_strided_slice %le3A_913 {offsets = [0, 512], sizes = [512, 16], strides = [1, 1]} : vector<512x528xi1> to vector<512x16xi1>
      %slice3A_933 = vector.extract_strided_slice %get3A_908 {offsets = [0, 512], sizes = [512, 16], strides = [1, 1]} : vector<512x528xf32> to vector<512x16xf32>
      %jit3A_934 = arith.constant 1.000000e+30 : f32
      %broadcast_in_dim3A_935 = vector.broadcast %jit3A_934 : f32 to vector<512x16xf32>
      %select_n3A_936 = arith.select %slice3A_932, %broadcast_in_dim3A_935, %slice3A_933 : vector<512x16xi1>, vector<512x16xf32>
      %swap3A_937 = arith.constant 0 : index
      %swap3A_938 = arith.constant 512 : index
      %swap3A_939 = vector.load %arg11[%swap3A_937, %swap3A_938] : memref<512x528xf32, #tpu.memory_space<vmem>>, vector<512x16xf32>
      tpu.vector_store %arg11[%swap3A_937, %swap3A_938], %select_n3A_936 {strides = array<i32>} : memref<512x528xf32, #tpu.memory_space<vmem>>, vector<512x16xf32>,
      %get3A_940 = arith.constant 0 : index
      %get3A_941 = arith.constant 0 : index
      %get3A_942 = vector.load %arg14[%get3A_940, %get3A_941] : memref<512x512xf32, #tpu.memory_space<vmem>>, vector<512x512xf32>
      %slice3A_943 = vector.extract_strided_slice %get3A_916 {offsets = [0, 0], sizes = [512, 512], strides = [1, 1]} : vector<512x528xf32> to vector<512x512xf32>
      %select_n3A_944 = arith.select %slice3A_926, %get3A_942, %slice3A_943 : vector<512x512xi1>, vector<512x512xf32>
      %swap3A_945 = arith.constant 0 : index
      %swap3A_946 = arith.constant 0 : index
      %swap3A_947 = vector.load %arg12[%swap3A_945, %swap3A_946] : memref<512x528xf32, #tpu.memory_space<vmem>>, vector<512x512xf32>
      tpu.vector_store %arg12[%swap3A_945, %swap3A_946], %select_n3A_944 {strides = array<i32>} : memref<512x528xf32, #tpu.memory_space<vmem>>, vector<512x512xf32>,
      %jit3A_948 = arith.constant 1.000000e+30 : f32
      %broadcast_in_dim3A_949 = vector.broadcast %jit3A_948 : f32 to vector<512x512xf32>
      %select_n3A_950 = arith.select %slice3A_926, %broadcast_in_dim3A_949, %get3A_925 : vector<512x512xi1>, vector<512x512xf32>
      %swap3A_951 = arith.constant 0 : index
      %swap3A_952 = arith.constant 0 : index
      %swap3A_953 = vector.load %arg13[%swap3A_951, %swap3A_952] : memref<512x512xf32, #tpu.memory_space<vmem>>, vector<512x512xf32>
      tpu.vector_store %arg13[%swap3A_951, %swap3A_952], %select_n3A_950 {strides = array<i32>} : memref<512x512xf32, #tpu.memory_space<vmem>>, vector<512x512xf32>,
      %eq3A_954 = vector.broadcast %scan3A_905 : i32 to vector<512x16xi32>
      %eq3A_955 = arith.cmpi eq, %iota3A_76, %eq3A_954 : vector<512x16xi32>
      %broadcast_in_dim3A_956 = vector.shape_cast %broadcast_in_dim3A_911 : vector<512x1xf32> to vector<512x1xf32>
      %broadcast_in_dim3A_957 = vector.broadcast %broadcast_in_dim3A_956 : vector<512x1xf32> to vector<512x16xf32>
      %select_n3A_958 = arith.select %eq3A_955, %broadcast_in_dim3A_957, %select_n3A_899 : vector<512x16xi1>, vector<512x16xf32>
      %eq3A_959 = vector.broadcast %scan3A_905 : i32 to vector<512x16xi32>
      %eq3A_960 = arith.cmpi eq, %iota3A_76, %eq3A_959 : vector<512x16xi32>
      %broadcast_in_dim3A_961 = vector.shape_cast %broadcast_in_dim3A_922 : vector<512x1xf32> to vector<512x1xf32>
      %broadcast_in_dim3A_962 = vector.broadcast %broadcast_in_dim3A_961 : vector<512x1xf32> to vector<512x16xf32>
      %select_n3A_963 = arith.select %eq3A_960, %broadcast_in_dim3A_962, %select_n3A_904 : vector<512x16xi1>, vector<512x16xf32>
      %scan3A_964 = arith.constant 15 : i32
      %get3A_965 = arith.constant 0 : index
      %get3A_966 = arith.constant 0 : index
      %get3A_967 = vector.load %arg11[%get3A_965, %get3A_966] : memref<512x528xf32, #tpu.memory_space<vmem>>, vector<512x528xf32>
      %reduce_min3A_968 = arith.constant dense<0x7F800000> : vector<512xf32>
      %reduce_min3A_969 = vector.multi_reduction <minimumf>, %get3A_967, %reduce_min3A_968 [1] : vector<512x528xf32> to vector<512xf32>
      %broadcast_in_dim3A_970 = vector.shape_cast %reduce_min3A_969 : vector<512xf32> to vector<512x1xf32>
      %le3A_971 = vector.broadcast %broadcast_in_dim3A_970 : vector<512x1xf32> to vector<512x528xf32>
      %le3A_972 = arith.cmpf ole, %get3A_967, %le3A_971 : vector<512x528xf32>
      %get3A_973 = arith.constant 0 : index
      %get3A_974 = arith.constant 0 : index
      %get3A_975 = vector.load %arg12[%get3A_973, %get3A_974] : memref<512x528xf32, #tpu.memory_space<vmem>>, vector<512x528xf32>
      %jit3A_976 = arith.constant 1.000000e+09 : f32
      %broadcast_in_dim3A_977 = vector.broadcast %jit3A_976 : f32 to vector<512x528xf32>
      %select_n3A_978 = arith.select %le3A_972, %get3A_975, %broadcast_in_dim3A_977 : vector<512x528xi1>, vector<512x528xf32>
      %reduce_min3A_979 = arith.constant dense<0x7F800000> : vector<512xf32>
      %reduce_min3A_980 = vector.multi_reduction <minimumf>, %select_n3A_978, %reduce_min3A_979 [1] : vector<512x528xf32> to vector<512xf32>
      %broadcast_in_dim3A_981 = vector.shape_cast %reduce_min3A_980 : vector<512xf32> to vector<512x1xf32>
      %get3A_982 = arith.constant 0 : index
      %get3A_983 = arith.constant 0 : index
      %get3A_984 = vector.load %arg13[%get3A_982, %get3A_983] : memref<512x512xf32, #tpu.memory_space<vmem>>, vector<512x512xf32>
      %slice3A_985 = vector.extract_strided_slice %le3A_972 {offsets = [0, 0], sizes = [512, 512], strides = [1, 1]} : vector<512x528xi1> to vector<512x512xi1>
      %slice3A_986 = vector.extract_strided_slice %get3A_967 {offsets = [0, 0], sizes = [512, 512], strides = [1, 1]} : vector<512x528xf32> to vector<512x512xf32>
      %select_n3A_987 = arith.select %slice3A_985, %get3A_984, %slice3A_986 : vector<512x512xi1>, vector<512x512xf32>
      %swap3A_988 = arith.constant 0 : index
      %swap3A_989 = arith.constant 0 : index
      %swap3A_990 = vector.load %arg11[%swap3A_988, %swap3A_989] : memref<512x528xf32, #tpu.memory_space<vmem>>, vector<512x512xf32>
      tpu.vector_store %arg11[%swap3A_988, %swap3A_989], %select_n3A_987 {strides = array<i32>} : memref<512x528xf32, #tpu.memory_space<vmem>>, vector<512x512xf32>,
      %slice3A_991 = vector.extract_strided_slice %le3A_972 {offsets = [0, 512], sizes = [512, 16], strides = [1, 1]} : vector<512x528xi1> to vector<512x16xi1>
      %slice3A_992 = vector.extract_strided_slice %get3A_967 {offsets = [0, 512], sizes = [512, 16], strides = [1, 1]} : vector<512x528xf32> to vector<512x16xf32>
      %jit3A_993 = arith.constant 1.000000e+30 : f32
      %broadcast_in_dim3A_994 = vector.broadcast %jit3A_993 : f32 to vector<512x16xf32>
      %select_n3A_995 = arith.select %slice3A_991, %broadcast_in_dim3A_994, %slice3A_992 : vector<512x16xi1>, vector<512x16xf32>
      %swap3A_996 = arith.constant 0 : index
      %swap3A_997 = arith.constant 512 : index
      %swap3A_998 = vector.load %arg11[%swap3A_996, %swap3A_997] : memref<512x528xf32, #tpu.memory_space<vmem>>, vector<512x16xf32>
      tpu.vector_store %arg11[%swap3A_996, %swap3A_997], %select_n3A_995 {strides = array<i32>} : memref<512x528xf32, #tpu.memory_space<vmem>>, vector<512x16xf32>,
      %get3A_999 = arith.constant 0 : index
      %get3A_1000 = arith.constant 0 : index
      %get3A_1001 = vector.load %arg14[%get3A_999, %get3A_1000] : memref<512x512xf32, #tpu.memory_space<vmem>>, vector<512x512xf32>
      %slice3A_1002 = vector.extract_strided_slice %get3A_975 {offsets = [0, 0], sizes = [512, 512], strides = [1, 1]} : vector<512x528xf32> to vector<512x512xf32>
      %select_n3A_1003 = arith.select %slice3A_985, %get3A_1001, %slice3A_1002 : vector<512x512xi1>, vector<512x512xf32>
      %swap3A_1004 = arith.constant 0 : index
      %swap3A_1005 = arith.constant 0 : index
      %swap3A_1006 = vector.load %arg12[%swap3A_1004, %swap3A_1005] : memref<512x528xf32, #tpu.memory_space<vmem>>, vector<512x512xf32>
      tpu.vector_store %arg12[%swap3A_1004, %swap3A_1005], %select_n3A_1003 {strides = array<i32>} : memref<512x528xf32, #tpu.memory_space<vmem>>, vector<512x512xf32>,
      %jit3A_1007 = arith.constant 1.000000e+30 : f32
      %broadcast_in_dim3A_1008 = vector.broadcast %jit3A_1007 : f32 to vector<512x512xf32>
      %select_n3A_1009 = arith.select %slice3A_985, %broadcast_in_dim3A_1008, %get3A_984 : vector<512x512xi1>, vector<512x512xf32>
      %swap3A_1010 = arith.constant 0 : index
      %swap3A_1011 = arith.constant 0 : index
      %swap3A_1012 = vector.load %arg13[%swap3A_1010, %swap3A_1011] : memref<512x512xf32, #tpu.memory_space<vmem>>, vector<512x512xf32>
      tpu.vector_store %arg13[%swap3A_1010, %swap3A_1011], %select_n3A_1009 {strides = array<i32>} : memref<512x512xf32, #tpu.memory_space<vmem>>, vector<512x512xf32>,
      %eq3A_1013 = vector.broadcast %scan3A_964 : i32 to vector<512x16xi32>
      %eq3A_1014 = arith.cmpi eq, %iota3A_76, %eq3A_1013 : vector<512x16xi32>
      %broadcast_in_dim3A_1015 = vector.shape_cast %broadcast_in_dim3A_970 : vector<512x1xf32> to vector<512x1xf32>
      %broadcast_in_dim3A_1016 = vector.broadcast %broadcast_in_dim3A_1015 : vector<512x1xf32> to vector<512x16xf32>
      %select_n3A_1017 = arith.select %eq3A_1014, %broadcast_in_dim3A_1016, %select_n3A_958 : vector<512x16xi1>, vector<512x16xf32>
      %eq3A_1018 = vector.broadcast %scan3A_964 : i32 to vector<512x16xi32>
      %eq3A_1019 = arith.cmpi eq, %iota3A_76, %eq3A_1018 : vector<512x16xi32>
      %broadcast_in_dim3A_1020 = vector.shape_cast %broadcast_in_dim3A_981 : vector<512x1xf32> to vector<512x1xf32>
      %broadcast_in_dim3A_1021 = vector.broadcast %broadcast_in_dim3A_1020 : vector<512x1xf32> to vector<512x16xf32>
      %select_n3A_1022 = arith.select %eq3A_1019, %broadcast_in_dim3A_1021, %select_n3A_963 : vector<512x16xi1>, vector<512x16xf32>
      %scan3A_1023 = arith.constant 16 : i32
      %swap3A_1024 = arith.constant 0 : index
      %swap3A_1025 = arith.constant 512 : index
      %swap3A_1026 = vector.load %arg11[%swap3A_1024, %swap3A_1025] : memref<512x528xf32, #tpu.memory_space<vmem>>, vector<512x16xf32>
      tpu.vector_store %arg11[%swap3A_1024, %swap3A_1025], %select_n3A_1017 {strides = array<i32>} : memref<512x528xf32, #tpu.memory_space<vmem>>, vector<512x16xf32>,
      %swap3A_1027 = arith.constant 0 : index
      %swap3A_1028 = arith.constant 512 : index
      %swap3A_1029 = vector.load %arg12[%swap3A_1027, %swap3A_1028] : memref<512x528xf32, #tpu.memory_space<vmem>>, vector<512x16xf32>
      tpu.vector_store %arg12[%swap3A_1027, %swap3A_1028], %select_n3A_1022 {strides = array<i32>} : memref<512x528xf32, #tpu.memory_space<vmem>>, vector<512x16xf32>,
    } else {
    }
    %eq3A_13 = arith.constant 7 : i32
    %eq3A_14 = arith.cmpi eq, %arg1, %eq3A_13 : i32
    %convert_element_type3A_15 = arith.extui %eq3A_14 : i1 to i32
    %cond3A_16 = arith.constant 0 : i32
    %cond3A_17 = arith.cmpi ne, %convert_element_type3A_15, %cond3A_16 : i32
    scf.if %cond3A_17 {
      %get3A_18 = arith.constant 0 : index
      %get3A_19 = arith.constant 512 : index
      %get3A_20 = vector.load %arg12[%get3A_18, %get3A_19] : memref<512x528xf32, #tpu.memory_space<vmem>>, vector<512x16xf32>
      %convert_element_type3A_21 = arith.fptosi %get3A_20 : vector<512x16xf32> to vector<512x16xi32>
      %swap3A = arith.constant 0 : index
      %swap3A_22 = arith.constant 0 : index
      %swap3A_23 = vector.load %arg10[%swap3A, %swap3A_22] : memref<512x16xi32, #tpu.memory_space<vmem>>, vector<512x16xi32>
      tpu.vector_store %arg10[%swap3A, %swap3A_22], %convert_element_type3A_21 {strides = array<i32>} : memref<512x16xi32, #tpu.memory_space<vmem>>, vector<512x16xi32>,
    } else {
    }
    return
  }
  func.func @transform_0(%arg0: i32, %arg1: i32, %arg2: memref<16xi32, #tpu.memory_space<smem>>, %arg3: memref<16xi32, #tpu.memory_space<smem>>, %arg4: memref<8xi32, #tpu.memory_space<smem>>, %arg5: memref<8xi32, #tpu.memory_space<smem>>) -> (i32, i32) {
    %c0_i32 = arith.constant 0 : i32
    %c0_i32_0 = arith.constant 0 : i32
    return %arg0, %c0_i32 : i32, i32
  }
  func.func @transform_1(%arg0: i32, %arg1: i32, %arg2: memref<16xi32, #tpu.memory_space<smem>>, %arg3: memref<16xi32, #tpu.memory_space<smem>>, %arg4: memref<8xi32, #tpu.memory_space<smem>>, %arg5: memref<8xi32, #tpu.memory_space<smem>>) -> (i32, i32) {
    %c0_i32 = arith.constant 0 : i32
    %c0_i32_0 = arith.constant 0 : i32
    return %c0_i32, %arg1 : i32, i32
  }
  func.func @transform_2(%arg0: i32, %arg1: i32, %arg2: memref<16xi32, #tpu.memory_space<smem>>, %arg3: memref<16xi32, #tpu.memory_space<smem>>, %arg4: memref<8xi32, #tpu.memory_space<smem>>, %arg5: memref<8xi32, #tpu.memory_space<smem>>) -> (i32, i32) {
    %c0_i32 = arith.constant 0 : i32
    %c0_i32_0 = arith.constant 0 : i32
    return %arg0, %c0_i32 : i32, i32
  }
  func.func @transform_3(%arg0: i32, %arg1: i32, %arg2: memref<16xi32, #tpu.memory_space<smem>>, %arg3: memref<16xi32, #tpu.memory_space<smem>>, %arg4: memref<8xi32, #tpu.memory_space<smem>>, %arg5: memref<8xi32, #tpu.memory_space<smem>>) -> (i32, i32) {
    %c0_i32 = arith.constant 0 : i32
    %c0_i32_0 = arith.constant 0 : i32
    return %c0_i32, %arg1 : i32, i32
  }
  func.func @transform_4(%arg0: i32, %arg1: i32, %arg2: memref<16xi32, #tpu.memory_space<smem>>, %arg3: memref<16xi32, #tpu.memory_space<smem>>, %arg4: memref<8xi32, #tpu.memory_space<smem>>, %arg5: memref<8xi32, #tpu.memory_space<smem>>) -> (i32, i32) {
    %c0_i32 = arith.constant 0 : i32
    %c0_i32_0 = arith.constant 0 : i32
    return %arg0, %c0_i32 : i32, i32
  }
}

module attributes {stable_mosaic.version = 14 : i64} {
  func.func @_mlp_body(%arg0: i32, %arg1: memref<512x512xf32, #tpu.memory_space<vmem>>, %arg2: memref<512x32xf32, #tpu.memory_space<vmem>>, %arg3: memref<512x256xf32, #tpu.memory_space<vmem>>, %arg4: memref<256x256xf32, #tpu.memory_space<vmem>>, %arg5: memref<512x16xf32, #tpu.memory_space<vmem>>, %arg6: memref<8x256xf32, #tpu.memory_space<vmem>>, %arg7: memref<512x16xf32, #tpu.memory_space<vmem>>) attributes {dimension_semantics = [#tpu.dimension_semantics<arbitrary>], iteration_bounds = array<i64: 16>, scalar_prefetch = 0 : i64, scratch_operands = 0 : i64, tpu.core_type = #tpu.core_type<tc>, window_params = [{transform_indices = @transform_0, window_bounds = array<i64: 512, 512>}, {transform_indices = @transform_1, window_bounds = array<i64: 512, 32>}, {pipeline_mode = #tpu.pipeline_mode<synchronous>, transform_indices = @transform_2, window_bounds = array<i64: 512, 256>}, {pipeline_mode = #tpu.pipeline_mode<synchronous>, transform_indices = @transform_3, window_bounds = array<i64: 256, 256>}, {pipeline_mode = #tpu.pipeline_mode<synchronous>, transform_indices = @transform_4, window_bounds = array<i64: 512, 16>}, {pipeline_mode = #tpu.pipeline_mode<synchronous>, transform_indices = @transform_5, window_bounds = array<i64: 8, 256>}, {transform_indices = @transform_6, window_bounds = array<i64: 512, 16>}]} {
    %get3A = arith.constant 0 : index
    %get3A_0 = arith.constant 0 : index
    %get3A_1 = vector.load %arg1[%get3A, %get3A_0] : memref<512x512xf32, #tpu.memory_space<vmem>>, vector<512x512xf32>
    %get3A_2 = arith.constant 0 : index
    %get3A_3 = arith.constant 0 : index
    %get3A_4 = vector.load %arg2[%get3A_2, %get3A_3] : memref<512x32xf32, #tpu.memory_space<vmem>>, vector<512x32xf32>
    %concatenate3A = tpu.concatenate %get3A_4, %get3A_4, %get3A_4, %get3A_4, %get3A_4, %get3A_4, %get3A_4, %get3A_4, %get3A_4, %get3A_4, %get3A_4, %get3A_4, %get3A_4, %get3A_4, %get3A_4, %get3A_4 in 1 : vector<512x32xf32>, vector<512x32xf32>, vector<512x32xf32>, vector<512x32xf32>, vector<512x32xf32>, vector<512x32xf32>, vector<512x32xf32>, vector<512x32xf32>, vector<512x32xf32>, vector<512x32xf32>, vector<512x32xf32>, vector<512x32xf32>, vector<512x32xf32>, vector<512x32xf32>, vector<512x32xf32>, vector<512x32xf32> -> vector<512x512xf32>
    %iota3A = tpu.iota {dimensions = array<i32: 1>} : vector<1x512xi32>
    %rem3A = arith.constant 32 : i32
    %rem3A_5 = vector.broadcast %rem3A : i32 to vector<1x512xi32>
    %rem3A_6 = arith.remsi %iota3A, %rem3A_5 : vector<1x512xi32>
    %ge3A = arith.constant 16 : i32
    %ge3A_7 = vector.broadcast %ge3A : i32 to vector<1x512xi32>
    %ge3A_8 = arith.cmpi sge, %rem3A_6, %ge3A_7 : vector<1x512xi32>
    %lt3A = arith.constant 19 : i32
    %lt3A_9 = vector.broadcast %lt3A : i32 to vector<1x512xi32>
    %lt3A_10 = arith.cmpi slt, %rem3A_6, %lt3A_9 : vector<1x512xi32>
    %and3A = arith.andi %ge3A_8, %lt3A_10 : vector<1x512xi1>
    %convert_element_type3A = arith.extui %and3A : vector<1x512xi1> to vector<1x512xi32>
    %convert_element_type3A_11 = arith.sitofp %convert_element_type3A : vector<1x512xi32> to vector<1x512xf32>
    %lt3A_12 = arith.constant 16 : i32
    %lt3A_13 = vector.broadcast %lt3A_12 : i32 to vector<1x512xi32>
    %lt3A_14 = arith.cmpi slt, %rem3A_6, %lt3A_13 : vector<1x512xi32>
    %convert_element_type3A_15 = arith.extui %lt3A_14 : vector<1x512xi1> to vector<1x512xi32>
    %convert_element_type3A_16 = arith.sitofp %convert_element_type3A_15 : vector<1x512xi32> to vector<1x512xf32>
    %eq3A = arith.constant 16 : i32
    %eq3A_17 = vector.broadcast %eq3A : i32 to vector<1x512xi32>
    %eq3A_18 = arith.cmpi eq, %rem3A_6, %eq3A_17 : vector<1x512xi32>
    %sub3A = arith.subf %get3A_1, %concatenate3A : vector<512x512xf32>
    %mul3A = vector.broadcast %convert_element_type3A_11 : vector<1x512xf32> to vector<512x512xf32>
    %mul3A_19 = arith.mulf %sub3A, %mul3A : vector<512x512xf32>
    %mul3A_20 = arith.mulf %mul3A_19, %mul3A_19 : vector<512x512xf32>
    %slice3A = vector.extract_strided_slice %mul3A_20 {offsets = [0, 1], sizes = [512, 511], strides = [1, 1]} : vector<512x512xf32> to vector<512x511xf32>
    %slice3A_21 = vector.extract_strided_slice %mul3A_20 {offsets = [0, 0], sizes = [512, 1], strides = [1, 1]} : vector<512x512xf32> to vector<512x1xf32>
    %concatenate3A_22 = tpu.concatenate %slice3A, %slice3A_21 in 1 : vector<512x511xf32>, vector<512x1xf32> -> vector<512x512xf32>
    %add3A = arith.addf %mul3A_20, %concatenate3A_22 : vector<512x512xf32>
    %slice3A_23 = vector.extract_strided_slice %mul3A_20 {offsets = [0, 2], sizes = [512, 510], strides = [1, 1]} : vector<512x512xf32> to vector<512x510xf32>
    %slice3A_24 = vector.extract_strided_slice %mul3A_20 {offsets = [0, 0], sizes = [512, 2], strides = [1, 1]} : vector<512x512xf32> to vector<512x2xf32>
    %concatenate3A_25 = tpu.concatenate %slice3A_23, %slice3A_24 in 1 : vector<512x510xf32>, vector<512x2xf32> -> vector<512x512xf32>
    %add3A_26 = arith.addf %add3A, %concatenate3A_25 : vector<512x512xf32>
    %div3A = arith.constant 1.000000e+00 : f32
    %div3A_27 = vector.broadcast %div3A : f32 to vector<512x512xf32>
    %div3A_28 = arith.divf %div3A_27, %add3A_26 : vector<512x512xf32>
    %mul3A_29 = vector.broadcast %convert_element_type3A_16 : vector<1x512xf32> to vector<512x512xf32>
    %mul3A_30 = arith.mulf %get3A_1, %mul3A_29 : vector<512x512xf32>
    %jit3A = arith.constant 0.000000e+00 : f32
    %broadcast_in_dim3A = vector.shape_cast %eq3A_18 : vector<1x512xi1> to vector<1x512xi1>
    %broadcast_in_dim3A_31 = vector.broadcast %broadcast_in_dim3A : vector<1x512xi1> to vector<512x512xi1>
    %broadcast_in_dim3A_32 = vector.broadcast %jit3A : f32 to vector<512x512xf32>
    %select_n3A = arith.select %broadcast_in_dim3A_31, %div3A_28, %broadcast_in_dim3A_32 : vector<512x512xi1>, vector<512x512xf32>
    %add3A_33 = arith.addf %mul3A_30, %select_n3A : vector<512x512xf32>
    %get3A_34 = arith.constant 0 : index
    %get3A_35 = arith.constant 0 : index
    %get3A_36 = vector.load %arg6[%get3A_34, %get3A_35] : memref<8x256xf32, #tpu.memory_space<vmem>>, vector<1x256xf32>
    %get3A_37 = arith.constant 1 : index
    %get3A_38 = arith.constant 0 : index
    %get3A_39 = vector.load %arg6[%get3A_37, %get3A_38] : memref<8x256xf32, #tpu.memory_space<vmem>>, vector<1x256xf32>
    %get3A_40 = arith.constant 2 : index
    %get3A_41 = arith.constant 0 : index
    %get3A_42 = vector.load %arg6[%get3A_40, %get3A_41] : memref<8x256xf32, #tpu.memory_space<vmem>>, vector<1x256xf32>
    %get3A_43 = arith.constant 3 : index
    %get3A_44 = arith.constant 0 : index
    %get3A_45 = vector.load %arg6[%get3A_43, %get3A_44] : memref<8x256xf32, #tpu.memory_space<vmem>>, vector<1x256xf32>
    %get3A_46 = arith.constant 4 : index
    %get3A_47 = arith.constant 0 : index
    %get3A_48 = vector.load %arg6[%get3A_46, %get3A_47] : memref<8x256xf32, #tpu.memory_space<vmem>>, vector<1x256xf32>
    %get3A_49 = arith.constant 5 : index
    %get3A_50 = arith.constant 0 : index
    %get3A_51 = vector.load %arg6[%get3A_49, %get3A_50] : memref<8x256xf32, #tpu.memory_space<vmem>>, vector<1x256xf32>
    %get3A_52 = arith.constant 6 : index
    %get3A_53 = arith.constant 0 : index
    %get3A_54 = vector.load %arg6[%get3A_52, %get3A_53] : memref<8x256xf32, #tpu.memory_space<vmem>>, vector<1x16xf32>
    %get3A_55 = arith.constant 0 : index
    %get3A_56 = arith.constant 0 : index
    %get3A_57 = vector.load %arg3[%get3A_55, %get3A_56] : memref<512x256xf32, #tpu.memory_space<vmem>>, vector<512x256xf32>
    %dot_general3A = arith.constant dense<0.000000e+00> : vector<512x256xf32>
    %dot_general3A_58 = tpu.matmul %add3A_33, %get3A_57, %dot_general3A {dimension_numbers = #tpu.dot_dimension_numbers<[1], [0], [0], [1], [0, 0, 1, 1], [], []>, transpose_lhs_hint = false} : vector<512x512xf32>, vector<512x256xf32>, vector<512x256xf32> -> vector<512x256xf32>
    %add3A_59 = vector.broadcast %get3A_36 : vector<1x256xf32> to vector<512x256xf32>
    %add3A_60 = arith.addf %dot_general3A_58, %add3A_59 : vector<512x256xf32>
    %ge3A_61 = arith.constant 0.000000e+00 : f32
    %ge3A_62 = vector.broadcast %ge3A_61 : f32 to vector<512x256xf32>
    %ge3A_63 = arith.cmpf oge, %add3A_60, %ge3A_62 : vector<512x256xf32>
    %mul3A_64 = arith.constant 2.000000e-01 : f32
    %mul3A_65 = vector.broadcast %mul3A_64 : f32 to vector<512x256xf32>
    %mul3A_66 = arith.mulf %mul3A_65, %add3A_60 : vector<512x256xf32>
    %select_n3A_67 = arith.select %ge3A_63, %add3A_60, %mul3A_66 : vector<512x256xi1>, vector<512x256xf32>
    %div3A_68 = arith.constant 1.00000501 : f32
    %div3A_69 = vector.broadcast %div3A_68 : f32 to vector<512x256xf32>
    %div3A_70 = arith.divf %select_n3A_67, %div3A_69 : vector<512x256xf32>
    %mul3A_71 = vector.broadcast %get3A_39 : vector<1x256xf32> to vector<512x256xf32>
    %mul3A_72 = arith.mulf %div3A_70, %mul3A_71 : vector<512x256xf32>
    %add3A_73 = vector.broadcast %get3A_42 : vector<1x256xf32> to vector<512x256xf32>
    %add3A_74 = arith.addf %mul3A_72, %add3A_73 : vector<512x256xf32>
    %get3A_75 = arith.constant 0 : index
    %get3A_76 = arith.constant 0 : index
    %get3A_77 = vector.load %arg4[%get3A_75, %get3A_76] : memref<256x256xf32, #tpu.memory_space<vmem>>, vector<256x256xf32>
    %dot_general3A_78 = arith.constant dense<0.000000e+00> : vector<512x256xf32>
    %dot_general3A_79 = tpu.matmul %add3A_74, %get3A_77, %dot_general3A_78 {dimension_numbers = #tpu.dot_dimension_numbers<[1], [0], [0], [1], [0, 0, 1, 1], [], []>, transpose_lhs_hint = false} : vector<512x256xf32>, vector<256x256xf32>, vector<512x256xf32> -> vector<512x256xf32>
    %add3A_80 = vector.broadcast %get3A_45 : vector<1x256xf32> to vector<512x256xf32>
    %add3A_81 = arith.addf %dot_general3A_79, %add3A_80 : vector<512x256xf32>
    %ge3A_82 = arith.constant 0.000000e+00 : f32
    %ge3A_83 = vector.broadcast %ge3A_82 : f32 to vector<512x256xf32>
    %ge3A_84 = arith.cmpf oge, %add3A_81, %ge3A_83 : vector<512x256xf32>
    %mul3A_85 = arith.constant 2.000000e-01 : f32
    %mul3A_86 = vector.broadcast %mul3A_85 : f32 to vector<512x256xf32>
    %mul3A_87 = arith.mulf %mul3A_86, %add3A_81 : vector<512x256xf32>
    %select_n3A_88 = arith.select %ge3A_84, %add3A_81, %mul3A_87 : vector<512x256xi1>, vector<512x256xf32>
    %div3A_89 = arith.constant 1.00000501 : f32
    %div3A_90 = vector.broadcast %div3A_89 : f32 to vector<512x256xf32>
    %div3A_91 = arith.divf %select_n3A_88, %div3A_90 : vector<512x256xf32>
    %mul3A_92 = vector.broadcast %get3A_48 : vector<1x256xf32> to vector<512x256xf32>
    %mul3A_93 = arith.mulf %div3A_91, %mul3A_92 : vector<512x256xf32>
    %add3A_94 = vector.broadcast %get3A_51 : vector<1x256xf32> to vector<512x256xf32>
    %add3A_95 = arith.addf %mul3A_93, %add3A_94 : vector<512x256xf32>
    %concatenate3A_96 = tpu.concatenate %add3A_74, %add3A_95 in 1 : vector<512x256xf32>, vector<512x256xf32> -> vector<512x512xf32>
    %get3A_97 = arith.constant 0 : index
    %get3A_98 = arith.constant 0 : index
    %get3A_99 = vector.load %arg5[%get3A_97, %get3A_98] : memref<512x16xf32, #tpu.memory_space<vmem>>, vector<512x16xf32>
    %dot_general3A_100 = arith.constant dense<0.000000e+00> : vector<512x16xf32>
    %dot_general3A_101 = tpu.matmul %concatenate3A_96, %get3A_99, %dot_general3A_100 {dimension_numbers = #tpu.dot_dimension_numbers<[1], [0], [0], [1], [0, 0, 1, 1], [], []>, transpose_lhs_hint = false} : vector<512x512xf32>, vector<512x16xf32>, vector<512x16xf32> -> vector<512x16xf32>
    %add3A_102 = vector.broadcast %get3A_54 : vector<1x16xf32> to vector<512x16xf32>
    %add3A_103 = arith.addf %dot_general3A_101, %add3A_102 : vector<512x16xf32>
    %swap3A = arith.constant 0 : index
    %swap3A_104 = arith.constant 0 : index
    %swap3A_105 = vector.load %arg7[%swap3A, %swap3A_104] : memref<512x16xf32, #tpu.memory_space<vmem>>, vector<512x16xf32>
    tpu.vector_store %arg7[%swap3A, %swap3A_104], %add3A_103 {strides = array<i32>} : memref<512x16xf32, #tpu.memory_space<vmem>>, vector<512x16xf32>,
    return
  }
  func.func @transform_0(%arg0: i32) -> (i32, i32) {
    %c0_i32 = arith.constant 0 : i32
    %c0_i32_0 = arith.constant 0 : i32
    return %arg0, %c0_i32 : i32, i32
  }
  func.func @transform_1(%arg0: i32) -> (i32, i32) {
    %c0_i32 = arith.constant 0 : i32
    %c0_i32_0 = arith.constant 0 : i32
    return %arg0, %c0_i32 : i32, i32
  }
  func.func @transform_2(%arg0: i32) -> (i32, i32) {
    %c0_i32 = arith.constant 0 : i32
    %c0_i32_0 = arith.constant 0 : i32
    %c0_i32_1 = arith.constant 0 : i32
    return %c0_i32, %c0_i32_0 : i32, i32
  }
  func.func @transform_3(%arg0: i32) -> (i32, i32) {
    %c0_i32 = arith.constant 0 : i32
    %c0_i32_0 = arith.constant 0 : i32
    %c0_i32_1 = arith.constant 0 : i32
    return %c0_i32, %c0_i32_0 : i32, i32
  }
  func.func @transform_4(%arg0: i32) -> (i32, i32) {
    %c0_i32 = arith.constant 0 : i32
    %c0_i32_0 = arith.constant 0 : i32
    %c0_i32_1 = arith.constant 0 : i32
    return %c0_i32, %c0_i32_0 : i32, i32
  }
  func.func @transform_5(%arg0: i32) -> (i32, i32) {
    %c0_i32 = arith.constant 0 : i32
    %c0_i32_0 = arith.constant 0 : i32
    %c0_i32_1 = arith.constant 0 : i32
    return %c0_i32, %c0_i32_0 : i32, i32
  }
  func.func @transform_6(%arg0: i32) -> (i32, i32) {
    %c0_i32 = arith.constant 0 : i32
    %c0_i32_0 = arith.constant 0 : i32
    return %arg0, %c0_i32 : i32, i32
  }
}

</mosaic_0001>

<sc_bundles>
// kernel: kernel.5.cloned.1.call-start
scs
__scs_entry_jumppad:
0x0: {  	(pc) =	sbr.rel $0x88, $3  }
0x1: {  	(tag) =	ssettag $0x0;
	lr =	simm.s32 $0x1  }
0x2: {  	[smem:$0x3F92] =	sst lr;
	_ =	strace $0xD0000000  }
0x3: {  	_ = 	snop  }
0x4: {  	_ = 	snop  }
0x5: {  	_ = 	snop  }
0x6: {  	_ = 	snop  }
0x7: {  	_ = 	snop  }
__scs_overlays_trampoline_lowered:
0x8: {  	[smem:$0x3FA1] =	sst s0  }
0x9: {  	[smem:$0x3FA2] =	sst s1  }
0xa: {  	[smem:$0x3FA3] =	sst s2  }
0xb: {  	[smem:$0x3FA4] =	sst s3  }
0xc: {  	[smem:$0x3FA5] =	sst s4  }
0xd: {  	[smem:$0x3FA6] =	sst s5  }
0xe: {  	[smem:$0x3FA7] =	sst s6  }
0xf: {  	[smem:$0x3FA8] =	sst s7  }
0x10: {  	[smem:$0x3FA9] =	sst s8  }
0x11: {  	[smem:$0x3FAA] =	sst s9;
	s0 =	simm.s32 @!p0 $0x0  }
0x12: {  	s1 =	sld [smem:$0x3F90];
	s0 =	simm.s32 @p0 $0x1  }
0x13: {  	[smem:$0x3FAB] =	sst s0;
	s0 =	simm.s32 @!p1 $0x0  }
0x14: {  	s2 =	sld [smem:$0x3F8F];
	s0 =	simm.s32 @p1 $0x1  }
0x15: {  	[smem:$0x3FAC] =	sst s0;
	s0 =	simm.s32 @!p2 $0x0  }
0x16: {  	s3 =	sld [smem:$0x3FDB];
	s0 =	simm.s32 @p2 $0x1  }
0x17: {  	s4 =	simm.s32 $0x1BF5;
	[smem:$0x3FAE] =	sst s0  }
0x18: {  	s0 =	sld [smem:$0x3F91];
	_ =	swait.ge [sflag:s4], $0x0  }
0x19: {  	s7 =	sld [smem:$0x3F92]  }
0x1a: {  	s8 =	sadd.s32 $0xFFFFE003, lr  }
0x1b: {  	s9 =	sadd.s32 $0xFFFFFEF7, lr;
	s5 =	simm.s32 $0xFFFFFFFF;
	p2 =	slt.u32 s8, $0xFFFFF086  }
0x1c: {  	p1 =	slt.u32 s9, $0xF7A;
	s5 =	simm.s32 @!p2 $0x0  }
0x1d: {  	s5 =	simm.s32 @p1 $0x1;
	p0 =	seq.s32 s7, s2  }
0x1e: {  	s7 =	smul.u32 @!p0 $0xF7A, s2;
	p2 =	seq.s32 @!p0 s5, $0x0  }
0x1f: {  	s9 =	smul.u32 $0xF7A, s1;
	s8 =	simm.s32 @!p0 $0x1BF5;
	p2 =	por !p2, p0  }
0x20: {  	[sflag:s8] =	ssyncset.s32 @!p0 $0xFFFFF086;
	s6 =	sadd.s32 @!p0 s3, s7;
	s7 =	simm.s32 @!p0 $0x108  }
0x21: {  	s3 =	sadd.s32 s3, s9;
	s6 =	sadd.s32 @!p0 $0x88, s6;
	s7 =	simm.s32 @p2 $0x1082  }
0x22: {  	[simem:s7], [sflag:s8] =	dma.local @!p0 [hbm:s6], $0xF7A  }
0x23: {  	s9 =	sor.u32 $0xD0000000, s2;
	s6 =	simm.s32 $0x108;
	_ =	swait.ge @!p0 [sflag:s8], $0x0  }
0x24: {  	s3 =	sadd.s32 $0x88, s3;
	s6 =	simm.s32 @!p1 $0x1082;
	[sflag:s4] =	ssyncset.s32 $0xFFFFF086  }
0x25: {  	[simem:s6], [sflag:s4] =	dma.local [hbm:s3], $0xF7A  }
0x26: {  	[smem:$0x3F92] =	sst s1;
	(tag) =	ssettag s2;
	_ =	strace s9  }
0x27: {  	s1 =	sld [smem:$0x3FA2]  }
0x28: {  	s2 =	sld [smem:$0x3FA3]  }
0x29: {  	s4 =	sld [smem:$0x3FA5]  }
0x2a: {  	p0 =	seq.s32 s5, $0x0;
	s5 =	sld [smem:$0x3FA6]  }
0x2b: {  	s6 =	sld [smem:$0x3FA7]  }
0x2c: {  	s7 =	sld [smem:$0x3FA8]  }
0x2d: {  	s3 =	simm.s32 $0x108;
	s8 =	sld [smem:$0x3FA9]  }
0x2e: {  	s3 =	simm.s32 @!p0 $0x1082;
	s9 =	sld [smem:$0x3FAA]  }
0x2f: {  	lr =	sadd.s32 s0, s3;
	s0 =	sld [smem:$0x3FA1]  }
0x30: {  	s3 =	sld [smem:$0x3FA4]  }
0x31: {  	[smem:$0x3FAD] =	sst s10  }
0x32: {  	s10 =	sld [smem:$0x3FAB];
	_ =	sdelay $0x3  }
0x33: {  	p0 =	seq.s32 s10, $0x1;
	s10 =	sld [smem:$0x3FAD];
	_ =	sdelay $0x3  }
0x34: {  	[smem:$0x3FAD] =	sst s10  }
0x35: {  	s10 =	sld [smem:$0x3FAC];
	_ =	sdelay $0x3  }
0x36: {  	p1 =	seq.s32 s10, $0x1;
	s10 =	sld [smem:$0x3FAD];
	_ =	sdelay $0x3  }
0x37: {  	[smem:$0x3FAD] =	sst s10  }
0x38: {  	s10 =	sld [smem:$0x3FAE]  }
0x39: {  	_ = 	snop;
	(pc) =	sbr.ind lr, $3  }
0x3a: {  	_ = 	snop  }
0x3b: {  	_ = 	snop  }
0x3c: {  	p2 =	seq.s32 s10, $0x1;
	s10 =	sld [smem:$0x3FAD]  }
0x3d: {  	_ =	shalt  }
0x3e: {  	_ =	shalt  }
0x3f: {  	_ =	shalt  }
0x40: {  	_ =	shalt  }
0x41: {  	_ =	shalt  }
0x42: {  	_ =	shalt  }
0x43: {  	_ =	shalt  }
0x44: {  	_ =	shalt  }
0x45: {  	_ =	shalt  }
0x46: {  	_ =	shalt  }
0x47: {  	_ =	shalt  }
0x48: {  	_ =	shalt  }
0x49: {  	_ =	shalt  }
0x4a: {  	_ =	shalt  }
0x4b: {  	_ =	shalt  }
0x4c: {  	_ =	shalt  }
0x4d: {  	_ =	shalt  }
0x4e: {  	_ =	shalt  }
0x4f: {  	_ =	shalt  }
0x50: {  	_ =	shalt  }
0x51: {  	_ =	shalt  }
0x52: {  	_ =	shalt  }
0x53: {  	_ =	shalt  }
0x54: {  	_ =	shalt  }
0x55: {  	_ =	shalt  }
0x56: {  	_ =	shalt  }
0x57: {  	_ =	shalt  }
0x58: {  	_ =	shalt  }
0x59: {  	_ =	shalt  }
0x5a: {  	_ =	shalt  }
0x5b: {  	_ =	shalt  }
0x5c: {  	_ =	shalt  }
0x5d: {  	_ =	shalt  }
0x5e: {  	_ =	shalt  }
0x5f: {  	_ =	shalt  }
0x60: {  	_ =	shalt  }
0x61: {  	_ =	shalt  }
0x62: {  	_ =	shalt  }
0x63: {  	_ =	shalt  }
0x64: {  	_ =	shalt  }
0x65: {  	_ =	shalt  }
0x66: {  	_ =	shalt  }
0x67: {  	_ =	shalt  }
0x68: {  	_ =	shalt  }
0x69: {  	_ =	shalt  }
0x6a: {  	_ =	shalt  }
0x6b: {  	_ =	shalt  }
0x6c: {  	_ =	shalt  }
0x6d: {  	_ =	shalt  }
0x6e: {  	_ =	shalt  }
0x6f: {  	_ =	shalt  }
0x70: {  	_ =	shalt  }
0x71: {  	_ =	shalt  }
0x72: {  	_ =	shalt  }
0x73: {  	_ =	shalt  }
0x74: {  	_ =	shalt  }
0x75: {  	_ =	shalt  }
0x76: {  	_ =	shalt  }
0x77: {  	_ =	shalt  }
0x78: {  	_ =	shalt  }
0x79: {  	_ =	shalt  }
0x7a: {  	_ =	shalt  }
0x7b: {  	_ =	shalt  }
0x7c: {  	_ =	shalt  }
0x7d: {  	_ =	shalt  }
0x7e: {  	_ =	shalt  }
0x7f: {  	_ =	shalt  }
0x80: {  	_ =	shalt  }
0x81: {  	_ =	shalt  }
0x82: {  	_ =	shalt  }
0x83: {  	_ =	shalt  }
0x84: {  	_ =	shalt  }
0x85: {  	_ =	shalt  }
0x86: {  	_ =	shalt  }
0x87: {  	_ =	shalt  }
.Lfunc_end0:
.L_simem_size_0:
called_computation_lowered:
.L_overlay_start_0:
0x88: {  	s2 =	sld [smem:$0x3FD9]  }
0x89: {  	s3 =	sld [smem:$0x3FFE];
	_ =	sdelay $0x1  }
0x8a: {  	s1 =	srdreg.scid  }
0x8b: {  	s0 =	sand.u32 $0x1, s1  }
0x8c: {  	s17 =	sshll.u32 s0, $0xA;
	s2 =	sadd.s32 s3, s2  }
0x8d: {  	s2 =	sadd.s32 s2, s17  }
0x8e: {  	[smem:$0x3FB9] =	sst s2  }
0x8f: {  	_ = 	snop  }
0x90: {  	s2 =	sld [smem:$0x3FD0];
	(tm) =	ssettm $0x1  }
0x91: {  	s18 =	sld [smem:$0x3FFB];
	_ =	sdelay $0x3  }
0x92: {  	_ =	strace s18  }
0x93: {  	s3 =	sld [smem:$0x3FFC];
	_ =	sdelay $0x3  }
0x94: {  	_ =	strace s3  }
0x95: {  	s3 =	sld [smem:$0x3FFD];
	_ =	sdelay $0x3  }
0x96: {  	_ =	strace s3  }
0x97: {  	_ =	strace $0x8FFFFFFF  }
0x98: {  	s19 =	sld [smem:$0x3FDB];
	_ =	sdelay $0x1  }
0x99: {  	s4 =	simm.s32 $_scs_section_size  }
0x9a: {  	s5 =	simm.s32 $_size__tile_overlayer_lowered;
	s6 =	simm.s32 $_tile_overlayer_lowered  }
0x9b: {  	s22 =	simm.s32 $0x1BFF;
	s21 =	sshll.u32 s6, $0x1;
	s3 =	sadd.s32 s4, s19  }
0x9c: {  	s7 =	simm.s32 $0x0;
	s20 =	sshll.u32 s5, $0x1;
	s5 =	sadd.s32 s21, s3  }
0x9d: {  	[timem:s7], [sflag:s22] =	dma.local [hbm:s5], s20  }
0x9e: {  	_ =	swait.ge [sflag:s22], s20  }
0x9f: {  	s4 =	ssub.s32 $0x0, s20;
	[sflag:s22] =	ssyncset.done $0x0  }
0xa0: {  	[sflag:s22] =	ssyncadd.s32 s4;
	_ =	sdelay $0x1  }
0xa1: {  	s23 =	simm.s32 $0x1B8B  }
0xa2: {  	_ =	swait.ge [sflag:s23], $0x1  }
0xa3: {  	[sflag:s23] =	ssyncset.done $0x0  }
0xa4: {  	s25 =	simm.s32 $0x1B8E;
	s24 =	sld [smem:$0x3FFE];
	[sflag:s23] =	ssyncadd.s32 $0xFFFFFFFF  }
0xa5: {  	s26 =	simm.s32 $execute0_lowered;
	[smem:$0x3FD2] =	sst s25  }
0xa6: {  	s5 =	sshll.u32 s26, $0x1;
	_ =	strace $0x80000046;
	[dreg:$0x1] =	wrdreg $0xFFFFFFFF  }
0xa7: {  	s28 =	simm.s32 $_size_execute0_lowered;
	s3 =	sadd.s32 s3, s5;
	[dreg:$0x0] =	wrdreg $0x0  }
0xa8: {  	s5 =	sshll.u32 s28, $0x1;
	[dreg:$0x2] =	wrdreg s3  }
0xa9: {  	[dreg:$0x3] =	wrdreg s5  }
0xaa: {  	[dreg:$0x4] =	wrdreg $0xC0  }
0xab: {  	_ =	task [dreg:s7], $0x5FFFF  }
0xac: {  	[dreg:$0x1] =	wrdreg $0xFFFFFFFF  }
0xad: {  	[dreg:$0x0] =	wrdreg $0x60  }
0xae: {  	[dreg:$0x2] =	wrdreg s24  }
0xaf: {  	[dreg:$0x3] =	wrdreg s2  }
0xb0: {  	[dreg:$0x4] =	wrdreg $0x9  }
0xb1: {  	_ =	task.clear_ibuf [dreg:s7], $0x5FFFF;
	_ =	strace $0x90000046  }
0xb2: {  	s29 =	simm.s32 $0x9;
	_ =	strace $0x80000048  }
0xb3: {  	_ =	swait.ge [sflag:s29], $0x1  }
0xb4: {  	[sflag:s29] =	ssyncadd.s32 $0xFFFFFFFF  }
0xb5: {  	_ =	strace $0x90000048  }
0xb6: {  	_ =	sfence  }
0xb7: {  	s30 =	sld [smem:$0x0];
	_ =	sdelay $0x2  }
0xb8: {  	s31 =	sshll.u32 s1, $0xD;
	s1 =	sshrl.u32 s1, $0x2  }
0xb9: {  	s3 =	sand.u32 $0x4000, s31;
	s1 =	sadd.s32 s1, s30  }
0xba: {  	s0 =	sor.u32 s3, s0;
	s1 =	sshll.u32 s1, $0x11  }
0xbb: {  	s0 =	sor.u32 s1, s0  }
0xbc: {  	s0 =	sadd.s32 $0x8F2B, s0  }
0xbd: {  	[sflag:s0] =	ssyncadd.remote.s32 $0x1  }
0xbe: {  	_ =	sfence.sel $0xFFFF  }
0xbf: {  	[dreg:$0x0] =	wrdreg $0xFFFFFFFF;
	(pc) =	sbr.abs _section_cstart, $3  }
0xc0: {  	[dreg:$0x1] =	wrdreg $0xFFFFFFFF  }
0xc1: {  	_ =	task.clear_ibuf [dreg:s7], $0x2FFFF;
	_ =	strace $0x9FFFFFFF  }
0xc2: {  	(tm) =	ssettm $0x7FFFFFFF  }
0xc3: {  	_ =	shalt  }
tec
execute0_lowered:
.L_overlay_start_1:
0x0: {  	(tag) =	ssettag $0x1  }
0x1: {  	s0 =	srdreg.scid;
	s1 =	rddreg [dreg:$0x0]  }
0x2: {  	s2 =	stileid.u32;
	s3 =	rddreg [dreg:$0x1]  }
0x3: {  	s7 =	simm.s32 $0x200;
	s8 =	simm.s32 $0x280;
	s9 =	simm.s32 $0x300  }
0x4: {  	s10 =	simm.s32 $0x380;
	s4 =	sshll.u32 s2, $0xD;
	s2 =	simm.s32 $0x0  }
0x5: {  	s11 =	simm.s32 $0x400;
	s12 =	simm.s32 $0x480;
	[smem:$0x7FF] =	sst s2  }
0x6: {  	s13 =	simm.s32 $0x500;
	_ =	strace $0x80000047;
	[dreg:$0x8] =	wrdreg s7  }
0x7: {  	s14 =	simm.s32 $0x580;
	s15 =	simm.s32 $0x600;
	[dreg:$0x9] =	wrdreg s8  }
0x8: {  	s16 =	simm.s32 $0x680;
	s17 =	simm.s32 $0x700;
	[dreg:$0xa] =	wrdreg s9  }
0x9: {  	s18 =	simm.s32 $0x780;
	s19 =	simm.s32 $0x800;
	[dreg:$0xb] =	wrdreg s10  }
0xa: {  	s20 =	simm.s32 $0x880;
	s21 =	simm.s32 $0x900;
	[dreg:$0xc] =	wrdreg s11  }
0xb: {  	s22 =	simm.s32 $0x980;
	s23 =	simm.s32 $0xA00;
	[dreg:$0xd] =	wrdreg s12  }
0xc: {  	s24 =	simm.s32 $0xA80;
	p0 =	por $0x0, $0x0;
	[dreg:$0xe] =	wrdreg s13  }
0xd: {  	s28 =	simm.s32 $0xD80;
	s29 =	simm.s32 $0xE00;
	[dreg:$0xf] =	wrdreg s14  }
0xe: {  	s30 =	simm.s32 $0xE80;
	s0 =	sand.u32 $0x1, s0;
	[dreg:$0x10] =	wrdreg s15  }
0xf: {  	s31 =	simm.s32 $0xF00;
	s5 =	sshll.u32 s0, $0xC;
	[dreg:$0x11] =	wrdreg s16  }
0x10: {  	s0 =	ssub.s32 $0x2, s0;
	s4 =	sor.u32 s5, s4;
	[dreg:$0x12] =	wrdreg s17  }
0x11: {  	s6 =	sshrl.u32 s0, $0x1;
	s8 =	simm.s32 $0x2000;
	[dreg:$0x13] =	wrdreg s18  }
0x12: {  	s9 =	simm.s32 $0x3000;
	s10 =	simm.s32 $0x4000;
	[dreg:$0x14] =	wrdreg s19  }
0x13: {  	s11 =	simm.s32 $0x5000;
	s12 =	simm.s32 $0x6000;
	[dreg:$0x15] =	wrdreg s20  }
0x14: {  	s13 =	simm.s32 $0x7000;
	s14 =	simm.s32 $0x8000;
	[dreg:$0x16] =	wrdreg s21  }
0x15: {  	s15 =	simm.s32 $0x9000;
	s16 =	simm.s32 $0xA000;
	[dreg:$0x17] =	wrdreg s22  }
0x16: {  	s17 =	simm.s32 $0xB000;
	s18 =	simm.s32 $0xC000;
	[dreg:$0x18] =	wrdreg s23  }
0x17: {  	s19 =	simm.s32 $0xD000;
	s20 =	simm.s32 $0xE000;
	[dreg:$0x19] =	wrdreg s24  }
0x18: {  	s21 =	simm.s32 $0xF000;
	s22 =	simm.s32 $0x10000;
	s7 =	simm.s32 $0x1  }
0x19: {  	s24 =	simm.s32 $0xF80;
	s5 =	sshll.u32 s4, $0x2;
	s4 =	sshrl.u32 s4, $0x3  }
0x1a: {  	s0 =	ssub.s32 s0, s6;
	s6 =	simm.s32 $0x80;
	s3 =	sadd.s32 s3, s4  }
0x1b: {  	s5 =	sadd.s32 s5, s1;
	s4 =	simm.s32 $0x180;
	[dreg:$0x3] =	wrdreg s3  }
0x1c: {  	s0 =	smax.u32 s0, $0x1;
	s25 =	sadd.s32 $0x9000, s5;
	[dreg:$0x7] =	wrdreg s4  }
0x1d: {  	s26 =	sadd.s32 $0xB000, s5;
	p1 =	sne.s32 s0, $0x1;
	[dreg:$0x4] =	wrdreg s25  }
.Ltmp0:
0x1e: {  	s3 =	simm.s32 $0x100;
	[dreg:$0x5] =	wrdreg s26;
	(pc) =	sbr.rel @!p1 .LBB2_1-.Ltmp0, $4  }
0x1f: {  	s5 =	sadd.s32 $0x1000, s1;
	s4 =	simm.s32 $0x1000;
	[dreg:$0x6] =	wrdreg s3  }
0x20: {  	s23 =	sadd.s32 $0xFFFFFFFF, s0;
	s25 =	simm.s32 $0xB00;
	s0 =	rddreg [dreg:$0x3]  }
0x21: {  	s3 =	simm.s32 $0x2;
	s26 =	simm.s32 $0xB80;
	[dreg:$0x1a] =	wrdreg s25  }
0x22: {  	[dreg:$0x1b] =	wrdreg s26;
	s25 =	simm.s32 $0xC80;
	s26 =	simm.s32 $0xD00  }
0x23: {  	[tilespmem:s2], [sflag:$0x2] =	stream.linear.gather [hbm4b:s0+s2], $0x1000, $0x38;
	[tilespmem:$0x11000] =	vst v63  }
0x24: {  	_ =	swait.ge [sflag:s3], $0x1000  }
0x25: {  	[sflag:s3] =	ssyncset.done $0x0  }
0x26: {  	[sflag:s3] =	ssyncadd.s32 $0xFFFFF000  }
0x27: {  	[tilespmem:s4], [sflag:$0x1] =	stream.indirect.gather [hbm4b:s5+s6], $0x20, s2, s6, $0xb8;
	[tilespmem:$0x11000] =	vst v63  }
0x28: {  	_ = 	snop  }
0x29: {  	[tilespmem:s8], [sflag:$0x1] =	stream.indirect.gather [hbm4b:s5+s6], $0x20, s6, s6, $0xb8;
	[tilespmem:$0x11000] =	vst v63  }
0x2a: {  	s0 =	rddreg [dreg:$0x6]  }
0x2b: {  	[tilespmem:s9], [sflag:$0x1] =	stream.indirect.gather [hbm4b:s5+s6], $0x20, s0, s6, $0xb8;
	[tilespmem:$0x11000] =	vst v63  }
0x2c: {  	s1 =	rddreg [dreg:$0x7]  }
0x2d: {  	[tilespmem:s10], [sflag:$0x1] =	stream.indirect.gather [hbm4b:s5+s6], $0x20, s1, s6, $0xb8;
	[tilespmem:$0x11000] =	vst v63  }
0x2e: {  	s0 =	rddreg [dreg:$0x8]  }
0x2f: {  	[tilespmem:s11], [sflag:$0x1] =	stream.indirect.gather [hbm4b:s5+s6], $0x20, s0, s6, $0xb8;
	[tilespmem:$0x11000] =	vst v63  }
0x30: {  	s1 =	rddreg [dreg:$0x9]  }
0x31: {  	[tilespmem:s12], [sflag:$0x1] =	stream.indirect.gather [hbm4b:s5+s6], $0x20, s1, s6, $0xb8;
	[tilespmem:$0x11000] =	vst v63  }
0x32: {  	s0 =	rddreg [dreg:$0xa]  }
0x33: {  	[tilespmem:s13], [sflag:$0x1] =	stream.indirect.gather [hbm4b:s5+s6], $0x20, s0, s6, $0xb8;
	[tilespmem:$0x11000] =	vst v63  }
0x34: {  	s1 =	rddreg [dreg:$0xb]  }
0x35: {  	[tilespmem:s14], [sflag:$0x1] =	stream.indirect.gather [hbm4b:s5+s6], $0x20, s1, s6, $0xb8;
	[tilespmem:$0x11000] =	vst v63  }
0x36: {  	s0 =	rddreg [dreg:$0xc]  }
0x37: {  	[tilespmem:s15], [sflag:$0x1] =	stream.indirect.gather [hbm4b:s5+s6], $0x20, s0, s6, $0xb8;
	[tilespmem:$0x11000] =	vst v63  }
0x38: {  	s1 =	rddreg [dreg:$0xd]  }
0x39: {  	[tilespmem:s16], [sflag:$0x1] =	stream.indirect.gather [hbm4b:s5+s6], $0x20, s1, s6, $0xb8;
	[tilespmem:$0x11000] =	vst v63  }
0x3a: {  	s0 =	rddreg [dreg:$0xe]  }
0x3b: {  	[tilespmem:s17], [sflag:$0x1] =	stream.indirect.gather [hbm4b:s5+s6], $0x20, s0, s6, $0xb8;
	[tilespmem:$0x11000] =	vst v63  }
0x3c: {  	s1 =	rddreg [dreg:$0xf]  }
0x3d: {  	[tilespmem:s18], [sflag:$0x1] =	stream.indirect.gather [hbm4b:s5+s6], $0x20, s1, s6, $0xb8;
	[tilespmem:$0x11000] =	vst v63  }
0x3e: {  	s0 =	rddreg [dreg:$0x10]  }
0x3f: {  	[tilespmem:s19], [sflag:$0x1] =	stream.indirect.gather [hbm4b:s5+s6], $0x20, s0, s6, $0xb8;
	[tilespmem:$0x11000] =	vst v63  }
0x40: {  	s1 =	rddreg [dreg:$0x11]  }
0x41: {  	[tilespmem:s20], [sflag:$0x1] =	stream.indirect.gather [hbm4b:s5+s6], $0x20, s1, s6, $0xb8;
	[tilespmem:$0x11000] =	vst v63  }
0x42: {  	s0 =	rddreg [dreg:$0x12]  }
0x43: {  	[tilespmem:s21], [sflag:$0x1] =	stream.indirect.gather [hbm4b:s5+s6], $0x20, s0, s6, $0xb8;
	[tilespmem:$0x11000] =	vst v63  }
0x44: {  	s1 =	rddreg [dreg:$0x13]  }
0x45: {  	[tilespmem:s22], [sflag:$0x1] =	stream.indirect.gather [hbm4b:s5+s6], $0x20, s1, s6, $0xb8;
	[tilespmem:$0x11000] =	vst v63  }
0x46: {  	_ =	swait.ge [sflag:s7], $0x1000  }
0x47: {  	[sflag:s7] =	ssyncset.done $0x0  }
0x48: {  	[sflag:s7] =	ssyncadd.s32 $0xFFFFF000  }
0x49: {  	_ =	swait.ge [sflag:s7], $0x1000  }
0x4a: {  	[sflag:s7] =	ssyncset.done $0x0  }
0x4b: {  	[sflag:s7] =	ssyncadd.s32 $0xFFFFF000  }
0x4c: {  	_ =	swait.ge [sflag:s7], $0x1000  }
0x4d: {  	[sflag:s7] =	ssyncset.done $0x0  }
0x4e: {  	[sflag:s7] =	ssyncadd.s32 $0xFFFFF000  }
0x4f: {  	_ =	swait.ge [sflag:s7], $0x1000  }
0x50: {  	[sflag:s7] =	ssyncset.done $0x0  }
0x51: {  	[sflag:s7] =	ssyncadd.s32 $0xFFFFF000  }
0x52: {  	_ =	swait.ge [sflag:s7], $0x1000  }
0x53: {  	[sflag:s7] =	ssyncset.done $0x0  }
0x54: {  	[sflag:s7] =	ssyncadd.s32 $0xFFFFF000  }
0x55: {  	_ =	swait.ge [sflag:s7], $0x1000  }
0x56: {  	[sflag:s7] =	ssyncset.done $0x0  }
0x57: {  	[sflag:s7] =	ssyncadd.s32 $0xFFFFF000  }
0x58: {  	_ =	swait.ge [sflag:s7], $0x1000  }
0x59: {  	[sflag:s7] =	ssyncset.done $0x0  }
0x5a: {  	[sflag:s7] =	ssyncadd.s32 $0xFFFFF000  }
0x5b: {  	_ =	swait.ge [sflag:s7], $0x1000  }
0x5c: {  	[sflag:s7] =	ssyncset.done $0x0  }
0x5d: {  	[sflag:s7] =	ssyncadd.s32 $0xFFFFF000  }
0x5e: {  	_ =	swait.ge [sflag:s7], $0x1000  }
0x5f: {  	[sflag:s7] =	ssyncset.done $0x0  }
0x60: {  	[sflag:s7] =	ssyncadd.s32 $0xFFFFF000  }
0x61: {  	_ =	swait.ge [sflag:s7], $0x1000  }
0x62: {  	[sflag:s7] =	ssyncset.done $0x0  }
0x63: {  	[sflag:s7] =	ssyncadd.s32 $0xFFFFF000  }
0x64: {  	_ =	swait.ge [sflag:s7], $0x1000  }
0x65: {  	[sflag:s7] =	ssyncset.done $0x0  }
0x66: {  	[sflag:s7] =	ssyncadd.s32 $0xFFFFF000  }
0x67: {  	_ =	swait.ge [sflag:s7], $0x1000  }
0x68: {  	[sflag:s7] =	ssyncset.done $0x0  }
0x69: {  	[sflag:s7] =	ssyncadd.s32 $0xFFFFF000  }
0x6a: {  	_ =	swait.ge [sflag:s7], $0x1000  }
0x6b: {  	[sflag:s7] =	ssyncset.done $0x0  }
0x6c: {  	[sflag:s7] =	ssyncadd.s32 $0xFFFFF000  }
0x6d: {  	_ =	swait.ge [sflag:s7], $0x1000  }
0x6e: {  	[sflag:s7] =	ssyncset.done $0x0  }
0x6f: {  	[sflag:s7] =	ssyncadd.s32 $0xFFFFF000  }
0x70: {  	_ =	swait.ge [sflag:s7], $0x1000  }
0x71: {  	[sflag:s7] =	ssyncset.done $0x0  }
0x72: {  	[sflag:s7] =	ssyncadd.s32 $0xFFFFF000  }
0x73: {  	_ =	swait.ge [sflag:s7], $0x1000  }
0x74: {  	[sflag:s7] =	ssyncset.done $0x0  }
0x75: {  	s1 =	rddreg [dreg:$0x4];
	[sflag:s7] =	ssyncadd.s32 $0xFFFFF000  }
0x76: {  	[hbm4b:s1+s2] =	stream.linear.scatter [tilespmem:s4], [sflag:$0x2], $0x10000, $0x38;
	[tilespmem:$0x11000] =	vst v63  }
0x77: {  	_ =	swait.ge [sflag:s3], $0x10000  }
0x78: {  	[sflag:s3] =	ssyncset.done $0x0  }
0x79: {  	s0 =	rddreg [dreg:$0x14];
	[sflag:s3] =	ssyncadd.s32 $0xFFFF0000  }
0x7a: {  	[tilespmem:s4], [sflag:$0x1] =	stream.indirect.gather [hbm4b:s5+s6], $0x20, s0, s6, $0xb8;
	[tilespmem:$0x11000] =	vst v63  }
0x7b: {  	s1 =	rddreg [dreg:$0x15]  }
0x7c: {  	[tilespmem:s8], [sflag:$0x1] =	stream.indirect.gather [hbm4b:s5+s6], $0x20, s1, s6, $0xb8;
	[tilespmem:$0x11000] =	vst v63  }
0x7d: {  	s0 =	rddreg [dreg:$0x16]  }
0x7e: {  	[tilespmem:s9], [sflag:$0x1] =	stream.indirect.gather [hbm4b:s5+s6], $0x20, s0, s6, $0xb8;
	[tilespmem:$0x11000] =	vst v63  }
0x7f: {  	s1 =	rddreg [dreg:$0x17]  }
0x80: {  	[tilespmem:s10], [sflag:$0x1] =	stream.indirect.gather [hbm4b:s5+s6], $0x20, s1, s6, $0xb8;
	[tilespmem:$0x11000] =	vst v63  }
0x81: {  	s0 =	rddreg [dreg:$0x18]  }
0x82: {  	[tilespmem:s11], [sflag:$0x1] =	stream.indirect.gather [hbm4b:s5+s6], $0x20, s0, s6, $0xb8;
	[tilespmem:$0x11000] =	vst v63  }
0x83: {  	s1 =	rddreg [dreg:$0x19]  }
0x84: {  	[tilespmem:s12], [sflag:$0x1] =	stream.indirect.gather [hbm4b:s5+s6], $0x20, s1, s6, $0xb8;
	[tilespmem:$0x11000] =	vst v63  }
0x85: {  	s0 =	rddreg [dreg:$0x1a]  }
0x86: {  	[tilespmem:s13], [sflag:$0x1] =	stream.indirect.gather [hbm4b:s5+s6], $0x20, s0, s6, $0xb8;
	[tilespmem:$0x11000] =	vst v63  }
0x87: {  	s1 =	rddreg [dreg:$0x1b]  }
0x88: {  	[tilespmem:s14], [sflag:$0x1] =	stream.indirect.gather [hbm4b:s5+s6], $0x20, s1, s6, $0xb8;
	[tilespmem:$0x11000] =	vst v63  }
0x89: {  	s1 =	simm.s32 $0xC00  }
0x8a: {  	[tilespmem:s15], [sflag:$0x1] =	stream.indirect.gather [hbm4b:s5+s6], $0x20, s1, s6, $0xb8;
	[tilespmem:$0x11000] =	vst v63  }
0x8b: {  	_ = 	snop  }
0x8c: {  	[tilespmem:s16], [sflag:$0x1] =	stream.indirect.gather [hbm4b:s5+s6], $0x20, s25, s6, $0xb8;
	[tilespmem:$0x11000] =	vst v63  }
0x8d: {  	_ = 	snop  }
0x8e: {  	[tilespmem:s17], [sflag:$0x1] =	stream.indirect.gather [hbm4b:s5+s6], $0x20, s26, s6, $0xb8;
	[tilespmem:$0x11000] =	vst v63  }
0x8f: {  	_ = 	snop  }
0x90: {  	[tilespmem:s18], [sflag:$0x1] =	stream.indirect.gather [hbm4b:s5+s6], $0x20, s28, s6, $0xb8;
	[tilespmem:$0x11000] =	vst v63  }
0x91: {  	_ = 	snop  }
0x92: {  	[tilespmem:s19], [sflag:$0x1] =	stream.indirect.gather [hbm4b:s5+s6], $0x20, s29, s6, $0xb8;
	[tilespmem:$0x11000] =	vst v63  }
0x93: {  	_ = 	snop  }
0x94: {  	[tilespmem:s20], [sflag:$0x1] =	stream.indirect.gather [hbm4b:s5+s6], $0x20, s30, s6, $0xb8;
	[tilespmem:$0x11000] =	vst v63  }
0x95: {  	_ = 	snop  }
0x96: {  	[tilespmem:s21], [sflag:$0x1] =	stream.indirect.gather [hbm4b:s5+s6], $0x20, s31, s6, $0xb8;
	[tilespmem:$0x11000] =	vst v63  }
0x97: {  	_ = 	snop  }
0x98: {  	[tilespmem:s22], [sflag:$0x1] =	stream.indirect.gather [hbm4b:s5+s6], $0x20, s24, s6, $0xb8;
	[tilespmem:$0x11000] =	vst v63  }
0x99: {  	_ =	swait.ge [sflag:s7], $0x1000  }
0x9a: {  	[sflag:s7] =	ssyncset.done $0x0  }
0x9b: {  	[sflag:s7] =	ssyncadd.s32 $0xFFFFF000  }
0x9c: {  	_ =	swait.ge [sflag:s7], $0x1000  }
0x9d: {  	[sflag:s7] =	ssyncset.done $0x0  }
0x9e: {  	[sflag:s7] =	ssyncadd.s32 $0xFFFFF000  }
0x9f: {  	_ =	swait.ge [sflag:s7], $0x1000  }
0xa0: {  	[sflag:s7] =	ssyncset.done $0x0  }
0xa1: {  	[sflag:s7] =	ssyncadd.s32 $0xFFFFF000  }
0xa2: {  	_ =	swait.ge [sflag:s7], $0x1000  }
0xa3: {  	[sflag:s7] =	ssyncset.done $0x0  }
0xa4: {  	[sflag:s7] =	ssyncadd.s32 $0xFFFFF000  }
0xa5: {  	_ =	swait.ge [sflag:s7], $0x1000  }
0xa6: {  	[sflag:s7] =	ssyncset.done $0x0  }
0xa7: {  	[sflag:s7] =	ssyncadd.s32 $0xFFFFF000  }
0xa8: {  	_ =	swait.ge [sflag:s7], $0x1000  }
0xa9: {  	[sflag:s7] =	ssyncset.done $0x0  }
0xaa: {  	[sflag:s7] =	ssyncadd.s32 $0xFFFFF000  }
0xab: {  	_ =	swait.ge [sflag:s7], $0x1000  }
0xac: {  	[sflag:s7] =	ssyncset.done $0x0  }
0xad: {  	[sflag:s7] =	ssyncadd.s32 $0xFFFFF000  }
0xae: {  	_ =	swait.ge [sflag:s7], $0x1000  }
0xaf: {  	[sflag:s7] =	ssyncset.done $0x0  }
0xb0: {  	[sflag:s7] =	ssyncadd.s32 $0xFFFFF000  }
0xb1: {  	_ =	swait.ge [sflag:s7], $0x1000  }
0xb2: {  	[sflag:s7] =	ssyncset.done $0x0  }
0xb3: {  	[sflag:s7] =	ssyncadd.s32 $0xFFFFF000  }
0xb4: {  	_ =	swait.ge [sflag:s7], $0x1000  }
0xb5: {  	[sflag:s7] =	ssyncset.done $0x0  }
0xb6: {  	[sflag:s7] =	ssyncadd.s32 $0xFFFFF000  }
0xb7: {  	_ =	swait.ge [sflag:s7], $0x1000  }
0xb8: {  	[sflag:s7] =	ssyncset.done $0x0  }
0xb9: {  	[sflag:s7] =	ssyncadd.s32 $0xFFFFF000  }
0xba: {  	_ =	swait.ge [sflag:s7], $0x1000  }
0xbb: {  	[sflag:s7] =	ssyncset.done $0x0  }
0xbc: {  	[sflag:s7] =	ssyncadd.s32 $0xFFFFF000  }
0xbd: {  	_ =	swait.ge [sflag:s7], $0x1000  }
0xbe: {  	[sflag:s7] =	ssyncset.done $0x0  }
0xbf: {  	[sflag:s7] =	ssyncadd.s32 $0xFFFFF000  }
0xc0: {  	_ =	swait.ge [sflag:s7], $0x1000  }
0xc1: {  	[sflag:s7] =	ssyncset.done $0x0  }
0xc2: {  	[sflag:s7] =	ssyncadd.s32 $0xFFFFF000  }
0xc3: {  	_ =	swait.ge [sflag:s7], $0x1000  }
0xc4: {  	[sflag:s7] =	ssyncset.done $0x0  }
0xc5: {  	[sflag:s7] =	ssyncadd.s32 $0xFFFFF000  }
0xc6: {  	p1 =	sne.s32 s23, $0x1;
	_ =	swait.ge [sflag:s7], $0x1000  }
.Ltmp1:
0xc7: {  	[sflag:s7] =	ssyncset.done $0x0;
	(pc) =	sbr.rel @!p1 .LBB2_3-.Ltmp1, $4  }
0xc8: {  	s1 =	rddreg [dreg:$0x5];
	[sflag:s7] =	ssyncadd.s32 $0xFFFFF000  }
0xc9: {  	[hbm4b:s1+s2] =	stream.linear.scatter [tilespmem:s4], [sflag:$0x2], $0x10000, $0x38;
	[tilespmem:$0x11000] =	vst v63  }
0xca: {  	p0 =	por $0x1, $0x1;
	_ =	swait.ge [sflag:s3], $0x10000  }
0xcb: {  	s1 =	sadd.s32 $0xFFFFFFFF, s23;
	s0 =	rddreg [dreg:$0x3];
	[sflag:s3] =	ssyncset.done $0x0  }
.LBB2_4:
0xcc: {  	[sflag:s3] =	ssyncadd.s32 $0xFFFF0000  }
0xcd: {  	[tilespmem:s2], [sflag:$0x2] =	stream.linear.gather [hbm4b:s0+s2], $0x1000, $0x38;
	[tilespmem:$0x11000] =	vst v63  }
0xce: {  	_ =	swait.ge [sflag:s3], $0x1000  }
0xcf: {  	[sflag:s3] =	ssyncset.done $0x0  }
0xd0: {  	[sflag:s3] =	ssyncadd.s32 $0xFFFFF000  }
0xd1: {  	[tilespmem:s4], [sflag:$0x1] =	stream.indirect.gather [hbm4b:s5+s6], $0x20, s2, s6, $0xb8;
	[tilespmem:$0x11000] =	vst v63  }
0xd2: {  	_ = 	snop  }
0xd3: {  	[tilespmem:s8], [sflag:$0x1] =	stream.indirect.gather [hbm4b:s5+s6], $0x20, s6, s6, $0xb8;
	[tilespmem:$0x11000] =	vst v63  }
0xd4: {  	s0 =	rddreg [dreg:$0x6]  }
0xd5: {  	[tilespmem:s9], [sflag:$0x1] =	stream.indirect.gather [hbm4b:s5+s6], $0x20, s0, s6, $0xb8;
	[tilespmem:$0x11000] =	vst v63  }
0xd6: {  	s23 =	rddreg [dreg:$0x7]  }
0xd7: {  	[tilespmem:s10], [sflag:$0x1] =	stream.indirect.gather [hbm4b:s5+s6], $0x20, s23, s6, $0xb8;
	[tilespmem:$0x11000] =	vst v63  }
0xd8: {  	s0 =	rddreg [dreg:$0x8]  }
0xd9: {  	[tilespmem:s11], [sflag:$0x1] =	stream.indirect.gather [hbm4b:s5+s6], $0x20, s0, s6, $0xb8;
	[tilespmem:$0x11000] =	vst v63  }
0xda: {  	s23 =	rddreg [dreg:$0x9]  }
0xdb: {  	[tilespmem:s12], [sflag:$0x1] =	stream.indirect.gather [hbm4b:s5+s6], $0x20, s23, s6, $0xb8;
	[tilespmem:$0x11000] =	vst v63  }
0xdc: {  	s0 =	rddreg [dreg:$0xa]  }
0xdd: {  	[tilespmem:s13], [sflag:$0x1] =	stream.indirect.gather [hbm4b:s5+s6], $0x20, s0, s6, $0xb8;
	[tilespmem:$0x11000] =	vst v63  }
0xde: {  	s23 =	rddreg [dreg:$0xb]  }
0xdf: {  	[tilespmem:s14], [sflag:$0x1] =	stream.indirect.gather [hbm4b:s5+s6], $0x20, s23, s6, $0xb8;
	[tilespmem:$0x11000] =	vst v63  }
0xe0: {  	s0 =	rddreg [dreg:$0xc]  }
0xe1: {  	[tilespmem:s15], [sflag:$0x1] =	stream.indirect.gather [hbm4b:s5+s6], $0x20, s0, s6, $0xb8;
	[tilespmem:$0x11000] =	vst v63  }
0xe2: {  	s23 =	rddreg [dreg:$0xd]  }
0xe3: {  	[tilespmem:s16], [sflag:$0x1] =	stream.indirect.gather [hbm4b:s5+s6], $0x20, s23, s6, $0xb8;
	[tilespmem:$0x11000] =	vst v63  }
0xe4: {  	s0 =	rddreg [dreg:$0xe]  }
0xe5: {  	[tilespmem:s17], [sflag:$0x1] =	stream.indirect.gather [hbm4b:s5+s6], $0x20, s0, s6, $0xb8;
	[tilespmem:$0x11000] =	vst v63  }
0xe6: {  	s23 =	rddreg [dreg:$0xf]  }
0xe7: {  	[tilespmem:s18], [sflag:$0x1] =	stream.indirect.gather [hbm4b:s5+s6], $0x20, s23, s6, $0xb8;
	[tilespmem:$0x11000] =	vst v63  }
0xe8: {  	s0 =	rddreg [dreg:$0x10]  }
0xe9: {  	[tilespmem:s19], [sflag:$0x1] =	stream.indirect.gather [hbm4b:s5+s6], $0x20, s0, s6, $0xb8;
	[tilespmem:$0x11000] =	vst v63  }
0xea: {  	s23 =	rddreg [dreg:$0x11]  }
0xeb: {  	[tilespmem:s20], [sflag:$0x1] =	stream.indirect.gather [hbm4b:s5+s6], $0x20, s23, s6, $0xb8;
	[tilespmem:$0x11000] =	vst v63  }
0xec: {  	s0 =	rddreg [dreg:$0x12]  }
0xed: {  	[tilespmem:s21], [sflag:$0x1] =	stream.indirect.gather [hbm4b:s5+s6], $0x20, s0, s6, $0xb8;
	[tilespmem:$0x11000] =	vst v63  }
0xee: {  	s23 =	rddreg [dreg:$0x13]  }
0xef: {  	[tilespmem:s22], [sflag:$0x1] =	stream.indirect.gather [hbm4b:s5+s6], $0x20, s23, s6, $0xb8;
	[tilespmem:$0x11000] =	vst v63  }
0xf0: {  	_ =	swait.ge [sflag:s7], $0x1000  }
0xf1: {  	[sflag:s7] =	ssyncset.done $0x0  }
0xf2: {  	[sflag:s7] =	ssyncadd.s32 $0xFFFFF000  }
0xf3: {  	_ =	swait.ge [sflag:s7], $0x1000  }
0xf4: {  	[sflag:s7] =	ssyncset.done $0x0  }
0xf5: {  	[sflag:s7] =	ssyncadd.s32 $0xFFFFF000  }
0xf6: {  	_ =	swait.ge [sflag:s7], $0x1000  }
0xf7: {  	[sflag:s7] =	ssyncset.done $0x0  }
0xf8: {  	[sflag:s7] =	ssyncadd.s32 $0xFFFFF000  }
0xf9: {  	_ =	swait.ge [sflag:s7], $0x1000  }
0xfa: {  	[sflag:s7] =	ssyncset.done $0x0  }
0xfb: {  	[sflag:s7] =	ssyncadd.s32 $0xFFFFF000  }
0xfc: {  	_ =	swait.ge [sflag:s7], $0x1000  }
0xfd: {  	[sflag:s7] =	ssyncset.done $0x0  }
0xfe: {  	[sflag:s7] =	ssyncadd.s32 $0xFFFFF000  }
0xff: {  	_ =	swait.ge [sflag:s7], $0x1000  }
0x100: {  	[sflag:s7] =	ssyncset.done $0x0  }
0x101: {  	[sflag:s7] =	ssyncadd.s32 $0xFFFFF000  }
0x102: {  	_ =	swait.ge [sflag:s7], $0x1000  }
0x103: {  	[sflag:s7] =	ssyncset.done $0x0  }
0x104: {  	[sflag:s7] =	ssyncadd.s32 $0xFFFFF000  }
0x105: {  	_ =	swait.ge [sflag:s7], $0x1000  }
0x106: {  	[sflag:s7] =	ssyncset.done $0x0  }
0x107: {  	[sflag:s7] =	ssyncadd.s32 $0xFFFFF000  }
0x108: {  	_ =	swait.ge [sflag:s7], $0x1000  }
0x109: {  	[sflag:s7] =	ssyncset.done $0x0  }
0x10a: {  	[sflag:s7] =	ssyncadd.s32 $0xFFFFF000  }
0x10b: {  	_ =	swait.ge [sflag:s7], $0x1000  }
0x10c: {  	[sflag:s7] =	ssyncset.done $0x0  }
0x10d: {  	[sflag:s7] =	ssyncadd.s32 $0xFFFFF000  }
0x10e: {  	_ =	swait.ge [sflag:s7], $0x1000  }
0x10f: {  	[sflag:s7] =	ssyncset.done $0x0  }
0x110: {  	[sflag:s7] =	ssyncadd.s32 $0xFFFFF000  }
0x111: {  	_ =	swait.ge [sflag:s7], $0x1000  }
0x112: {  	[sflag:s7] =	ssyncset.done $0x0  }
0x113: {  	[sflag:s7] =	ssyncadd.s32 $0xFFFFF000  }
0x114: {  	_ =	swait.ge [sflag:s7], $0x1000  }
0x115: {  	[sflag:s7] =	ssyncset.done $0x0  }
0x116: {  	[sflag:s7] =	ssyncadd.s32 $0xFFFFF000  }
0x117: {  	_ =	swait.ge [sflag:s7], $0x1000  }
0x118: {  	[sflag:s7] =	ssyncset.done $0x0  }
0x119: {  	[sflag:s7] =	ssyncadd.s32 $0xFFFFF000  }
0x11a: {  	_ =	swait.ge [sflag:s7], $0x1000  }
0x11b: {  	[sflag:s7] =	ssyncset.done $0x0  }
0x11c: {  	[sflag:s7] =	ssyncadd.s32 $0xFFFFF000  }
0x11d: {  	_ =	swait.ge [sflag:s7], $0x1000  }
0x11e: {  	[sflag:s7] =	ssyncset.done $0x0  }
0x11f: {  	s23 =	rddreg [dreg:$0x4];
	[sflag:s7] =	ssyncadd.s32 $0xFFFFF000  }
0x120: {  	[hbm4b:s23+s2] =	stream.linear.scatter [tilespmem:s4], [sflag:$0x2], $0x10000, $0x38;
	[tilespmem:$0x11000] =	vst v63  }
0x121: {  	_ =	swait.ge [sflag:s3], $0x10000  }
0x122: {  	[sflag:s3] =	ssyncset.done $0x0  }
0x123: {  	s0 =	rddreg [dreg:$0x14];
	[sflag:s3] =	ssyncadd.s32 $0xFFFF0000  }
0x124: {  	[tilespmem:s4], [sflag:$0x1] =	stream.indirect.gather [hbm4b:s5+s6], $0x20, s0, s6, $0xb8;
	[tilespmem:$0x11000] =	vst v63  }
0x125: {  	s23 =	rddreg [dreg:$0x15]  }
0x126: {  	[tilespmem:s8], [sflag:$0x1] =	stream.indirect.gather [hbm4b:s5+s6], $0x20, s23, s6, $0xb8;
	[tilespmem:$0x11000] =	vst v63  }
0x127: {  	s0 =	rddreg [dreg:$0x16]  }
0x128: {  	[tilespmem:s9], [sflag:$0x1] =	stream.indirect.gather [hbm4b:s5+s6], $0x20, s0, s6, $0xb8;
	[tilespmem:$0x11000] =	vst v63  }
0x129: {  	s23 =	rddreg [dreg:$0x17]  }
0x12a: {  	[tilespmem:s10], [sflag:$0x1] =	stream.indirect.gather [hbm4b:s5+s6], $0x20, s23, s6, $0xb8;
	[tilespmem:$0x11000] =	vst v63  }
0x12b: {  	s0 =	rddreg [dreg:$0x18]  }
0x12c: {  	[tilespmem:s11], [sflag:$0x1] =	stream.indirect.gather [hbm4b:s5+s6], $0x20, s0, s6, $0xb8;
	[tilespmem:$0x11000] =	vst v63  }
0x12d: {  	s23 =	rddreg [dreg:$0x19]  }
0x12e: {  	[tilespmem:s12], [sflag:$0x1] =	stream.indirect.gather [hbm4b:s5+s6], $0x20, s23, s6, $0xb8;
	[tilespmem:$0x11000] =	vst v63  }
0x12f: {  	s0 =	rddreg [dreg:$0x1a]  }
0x130: {  	[tilespmem:s13], [sflag:$0x1] =	stream.indirect.gather [hbm4b:s5+s6], $0x20, s0, s6, $0xb8;
	[tilespmem:$0x11000] =	vst v63  }
0x131: {  	s23 =	rddreg [dreg:$0x1b]  }
0x132: {  	[tilespmem:s14], [sflag:$0x1] =	stream.indirect.gather [hbm4b:s5+s6], $0x20, s23, s6, $0xb8;
	[tilespmem:$0x11000] =	vst v63  }
0x133: {  	s23 =	simm.s32 $0xC00  }
0x134: {  	[tilespmem:s15], [sflag:$0x1] =	stream.indirect.gather [hbm4b:s5+s6], $0x20, s23, s6, $0xb8;
	[tilespmem:$0x11000] =	vst v63  }
0x135: {  	_ = 	snop  }
0x136: {  	[tilespmem:s16], [sflag:$0x1] =	stream.indirect.gather [hbm4b:s5+s6], $0x20, s25, s6, $0xb8;
	[tilespmem:$0x11000] =	vst v63  }
0x137: {  	_ = 	snop  }
0x138: {  	[tilespmem:s17], [sflag:$0x1] =	stream.indirect.gather [hbm4b:s5+s6], $0x20, s26, s6, $0xb8;
	[tilespmem:$0x11000] =	vst v63  }
0x139: {  	_ = 	snop  }
0x13a: {  	[tilespmem:s18], [sflag:$0x1] =	stream.indirect.gather [hbm4b:s5+s6], $0x20, s28, s6, $0xb8;
	[tilespmem:$0x11000] =	vst v63  }
0x13b: {  	_ = 	snop  }
0x13c: {  	[tilespmem:s19], [sflag:$0x1] =	stream.indirect.gather [hbm4b:s5+s6], $0x20, s29, s6, $0xb8;
	[tilespmem:$0x11000] =	vst v63  }
0x13d: {  	_ = 	snop  }
0x13e: {  	[tilespmem:s20], [sflag:$0x1] =	stream.indirect.gather [hbm4b:s5+s6], $0x20, s30, s6, $0xb8;
	[tilespmem:$0x11000] =	vst v63  }
0x13f: {  	_ = 	snop  }
0x140: {  	[tilespmem:s21], [sflag:$0x1] =	stream.indirect.gather [hbm4b:s5+s6], $0x20, s31, s6, $0xb8;
	[tilespmem:$0x11000] =	vst v63  }
0x141: {  	_ = 	snop  }
0x142: {  	[tilespmem:s22], [sflag:$0x1] =	stream.indirect.gather [hbm4b:s5+s6], $0x20, s24, s6, $0xb8;
	[tilespmem:$0x11000] =	vst v63  }
0x143: {  	_ =	swait.ge [sflag:s7], $0x1000  }
0x144: {  	[sflag:s7] =	ssyncset.done $0x0  }
0x145: {  	[sflag:s7] =	ssyncadd.s32 $0xFFFFF000  }
0x146: {  	_ =	swait.ge [sflag:s7], $0x1000  }
0x147: {  	[sflag:s7] =	ssyncset.done $0x0  }
0x148: {  	[sflag:s7] =	ssyncadd.s32 $0xFFFFF000  }
0x149: {  	_ =	swait.ge [sflag:s7], $0x1000  }
0x14a: {  	[sflag:s7] =	ssyncset.done $0x0  }
0x14b: {  	[sflag:s7] =	ssyncadd.s32 $0xFFFFF000  }
0x14c: {  	_ =	swait.ge [sflag:s7], $0x1000  }
0x14d: {  	[sflag:s7] =	ssyncset.done $0x0  }
0x14e: {  	[sflag:s7] =	ssyncadd.s32 $0xFFFFF000  }
0x14f: {  	_ =	swait.ge [sflag:s7], $0x1000  }
0x150: {  	[sflag:s7] =	ssyncset.done $0x0  }
0x151: {  	[sflag:s7] =	ssyncadd.s32 $0xFFFFF000  }
0x152: {  	_ =	swait.ge [sflag:s7], $0x1000  }
0x153: {  	[sflag:s7] =	ssyncset.done $0x0  }
0x154: {  	[sflag:s7] =	ssyncadd.s32 $0xFFFFF000  }
0x155: {  	_ =	swait.ge [sflag:s7], $0x1000  }
0x156: {  	[sflag:s7] =	ssyncset.done $0x0  }
0x157: {  	[sflag:s7] =	ssyncadd.s32 $0xFFFFF000  }
0x158: {  	_ =	swait.ge [sflag:s7], $0x1000  }
0x159: {  	[sflag:s7] =	ssyncset.done $0x0  }
0x15a: {  	[sflag:s7] =	ssyncadd.s32 $0xFFFFF000  }
0x15b: {  	_ =	swait.ge [sflag:s7], $0x1000  }
0x15c: {  	[sflag:s7] =	ssyncset.done $0x0  }
0x15d: {  	[sflag:s7] =	ssyncadd.s32 $0xFFFFF000  }
0x15e: {  	_ =	swait.ge [sflag:s7], $0x1000  }
0x15f: {  	[sflag:s7] =	ssyncset.done $0x0  }
0x160: {  	[sflag:s7] =	ssyncadd.s32 $0xFFFFF000  }
0x161: {  	_ =	swait.ge [sflag:s7], $0x1000  }
0x162: {  	[sflag:s7] =	ssyncset.done $0x0  }
0x163: {  	[sflag:s7] =	ssyncadd.s32 $0xFFFFF000  }
0x164: {  	_ =	swait.ge [sflag:s7], $0x1000  }
0x165: {  	[sflag:s7] =	ssyncset.done $0x0  }
0x166: {  	[sflag:s7] =	ssyncadd.s32 $0xFFFFF000  }
0x167: {  	_ =	swait.ge [sflag:s7], $0x1000  }
0x168: {  	[sflag:s7] =	ssyncset.done $0x0  }
0x169: {  	[sflag:s7] =	ssyncadd.s32 $0xFFFFF000  }
0x16a: {  	_ =	swait.ge [sflag:s7], $0x1000  }
0x16b: {  	[sflag:s7] =	ssyncset.done $0x0  }
0x16c: {  	[sflag:s7] =	ssyncadd.s32 $0xFFFFF000  }
0x16d: {  	_ =	swait.ge [sflag:s7], $0x1000  }
0x16e: {  	[sflag:s7] =	ssyncset.done $0x0  }
0x16f: {  	[sflag:s7] =	ssyncadd.s32 $0xFFFFF000  }
0x170: {  	p1 =	sne.s32 s1, $0x1;
	_ =	swait.ge [sflag:s7], $0x1000  }
.Ltmp2:
0x171: {  	[sflag:s7] =	ssyncset.done $0x0;
	(pc) =	sbr.rel @p1 .LBB2_4-.Ltmp2, $4  }
0x172: {  	s23 =	rddreg [dreg:$0x5];
	[sflag:s7] =	ssyncadd.s32 $0xFFFFF000  }
0x173: {  	[hbm4b:s23+s2] =	stream.linear.scatter [tilespmem:s4], [sflag:$0x2], $0x10000, $0x38;
	[tilespmem:$0x11000] =	vst v63  }
0x174: {  	_ =	swait.ge [sflag:s3], $0x10000  }
0x175: {  	s1 =	sadd.s32 $0xFFFFFFFF, s1;
	s0 =	rddreg [dreg:$0x3];
	[sflag:s3] =	ssyncset.done $0x0  }
0x176: {  	s23 =	simm.s32 $0xF80;
	s31 =	simm.s32 $0xF00  }
0x177: {  	s30 =	simm.s32 $0xE80;
	s29 =	simm.s32 $0xE00;
	s28 =	simm.s32 $0xD80  }
0x178: {  	s26 =	simm.s32 $0xD00;
	s25 =	simm.s32 $0xC80;
	s24 =	simm.s32 $0xC00  }
.LBB2_6:
0x179: {  	[sflag:s3] =	ssyncadd.s32 @p0 $0xFFFF0000  }
0x17a: {  	[tilespmem:s2], [sflag:$0x2] =	stream.linear.gather [hbm4b:s0+s2], $0x1000, $0x38;
	[tilespmem:$0x11000] =	vst v63  }
0x17b: {  	_ =	swait.ge [sflag:s3], $0x1000  }
0x17c: {  	[sflag:s3] =	ssyncset.done $0x0  }
0x17d: {  	[sflag:s3] =	ssyncadd.s32 $0xFFFFF000  }
0x17e: {  	[tilespmem:s4], [sflag:$0x1] =	stream.indirect.gather [hbm4b:s5+s6], $0x20, s2, s6, $0xb8;
	[tilespmem:$0x11000] =	vst v63  }
0x17f: {  	_ = 	snop  }
0x180: {  	[tilespmem:s8], [sflag:$0x1] =	stream.indirect.gather [hbm4b:s5+s6], $0x20, s6, s6, $0xb8;
	[tilespmem:$0x11000] =	vst v63  }
0x181: {  	s0 =	rddreg [dreg:$0x6]  }
0x182: {  	[tilespmem:s9], [sflag:$0x1] =	stream.indirect.gather [hbm4b:s5+s6], $0x20, s0, s6, $0xb8;
	[tilespmem:$0x11000] =	vst v63  }
0x183: {  	s1 =	rddreg [dreg:$0x7]  }
0x184: {  	[tilespmem:s10], [sflag:$0x1] =	stream.indirect.gather [hbm4b:s5+s6], $0x20, s1, s6, $0xb8;
	[tilespmem:$0x11000] =	vst v63  }
0x185: {  	s0 =	rddreg [dreg:$0x8]  }
0x186: {  	[tilespmem:s11], [sflag:$0x1] =	stream.indirect.gather [hbm4b:s5+s6], $0x20, s0, s6, $0xb8;
	[tilespmem:$0x11000] =	vst v63  }
0x187: {  	s1 =	rddreg [dreg:$0x9]  }
0x188: {  	[tilespmem:s12], [sflag:$0x1] =	stream.indirect.gather [hbm4b:s5+s6], $0x20, s1, s6, $0xb8;
	[tilespmem:$0x11000] =	vst v63  }
0x189: {  	s0 =	rddreg [dreg:$0xa]  }
0x18a: {  	[tilespmem:s13], [sflag:$0x1] =	stream.indirect.gather [hbm4b:s5+s6], $0x20, s0, s6, $0xb8;
	[tilespmem:$0x11000] =	vst v63  }
0x18b: {  	s1 =	rddreg [dreg:$0xb]  }
0x18c: {  	[tilespmem:s14], [sflag:$0x1] =	stream.indirect.gather [hbm4b:s5+s6], $0x20, s1, s6, $0xb8;
	[tilespmem:$0x11000] =	vst v63  }
0x18d: {  	s0 =	rddreg [dreg:$0xc]  }
0x18e: {  	[tilespmem:s15], [sflag:$0x1] =	stream.indirect.gather [hbm4b:s5+s6], $0x20, s0, s6, $0xb8;
	[tilespmem:$0x11000] =	vst v63  }
0x18f: {  	s1 =	rddreg [dreg:$0xd]  }
0x190: {  	[tilespmem:s16], [sflag:$0x1] =	stream.indirect.gather [hbm4b:s5+s6], $0x20, s1, s6, $0xb8;
	[tilespmem:$0x11000] =	vst v63  }
0x191: {  	s0 =	rddreg [dreg:$0xe]  }
0x192: {  	[tilespmem:s17], [sflag:$0x1] =	stream.indirect.gather [hbm4b:s5+s6], $0x20, s0, s6, $0xb8;
	[tilespmem:$0x11000] =	vst v63  }
0x193: {  	s1 =	rddreg [dreg:$0xf]  }
0x194: {  	[tilespmem:s18], [sflag:$0x1] =	stream.indirect.gather [hbm4b:s5+s6], $0x20, s1, s6, $0xb8;
	[tilespmem:$0x11000] =	vst v63  }
0x195: {  	s0 =	rddreg [dreg:$0x10]  }
0x196: {  	[tilespmem:s19], [sflag:$0x1] =	stream.indirect.gather [hbm4b:s5+s6], $0x20, s0, s6, $0xb8;
	[tilespmem:$0x11000] =	vst v63  }
0x197: {  	s1 =	rddreg [dreg:$0x11]  }
0x198: {  	[tilespmem:s20], [sflag:$0x1] =	stream.indirect.gather [hbm4b:s5+s6], $0x20, s1, s6, $0xb8;
	[tilespmem:$0x11000] =	vst v63  }
0x199: {  	s0 =	rddreg [dreg:$0x12]  }
0x19a: {  	[tilespmem:s21], [sflag:$0x1] =	stream.indirect.gather [hbm4b:s5+s6], $0x20, s0, s6, $0xb8;
	[tilespmem:$0x11000] =	vst v63  }
0x19b: {  	s1 =	rddreg [dreg:$0x13]  }
0x19c: {  	[tilespmem:s22], [sflag:$0x1] =	stream.indirect.gather [hbm4b:s5+s6], $0x20, s1, s6, $0xb8;
	[tilespmem:$0x11000] =	vst v63  }
0x19d: {  	_ =	swait.ge [sflag:s7], $0x1000  }
0x19e: {  	[sflag:s7] =	ssyncset.done $0x0  }
0x19f: {  	[sflag:s7] =	ssyncadd.s32 $0xFFFFF000  }
0x1a0: {  	_ =	swait.ge [sflag:s7], $0x1000  }
0x1a1: {  	[sflag:s7] =	ssyncset.done $0x0  }
0x1a2: {  	[sflag:s7] =	ssyncadd.s32 $0xFFFFF000  }
0x1a3: {  	_ =	swait.ge [sflag:s7], $0x1000  }
0x1a4: {  	[sflag:s7] =	ssyncset.done $0x0  }
0x1a5: {  	[sflag:s7] =	ssyncadd.s32 $0xFFFFF000  }
0x1a6: {  	_ =	swait.ge [sflag:s7], $0x1000  }
0x1a7: {  	[sflag:s7] =	ssyncset.done $0x0  }
0x1a8: {  	[sflag:s7] =	ssyncadd.s32 $0xFFFFF000  }
0x1a9: {  	_ =	swait.ge [sflag:s7], $0x1000  }
0x1aa: {  	[sflag:s7] =	ssyncset.done $0x0  }
0x1ab: {  	[sflag:s7] =	ssyncadd.s32 $0xFFFFF000  }
0x1ac: {  	_ =	swait.ge [sflag:s7], $0x1000  }
0x1ad: {  	[sflag:s7] =	ssyncset.done $0x0  }
0x1ae: {  	[sflag:s7] =	ssyncadd.s32 $0xFFFFF000  }
0x1af: {  	_ =	swait.ge [sflag:s7], $0x1000  }
0x1b0: {  	[sflag:s7] =	ssyncset.done $0x0  }
0x1b1: {  	[sflag:s7] =	ssyncadd.s32 $0xFFFFF000  }
0x1b2: {  	_ =	swait.ge [sflag:s7], $0x1000  }
0x1b3: {  	[sflag:s7] =	ssyncset.done $0x0  }
0x1b4: {  	[sflag:s7] =	ssyncadd.s32 $0xFFFFF000  }
0x1b5: {  	_ =	swait.ge [sflag:s7], $0x1000  }
0x1b6: {  	[sflag:s7] =	ssyncset.done $0x0  }
0x1b7: {  	[sflag:s7] =	ssyncadd.s32 $0xFFFFF000  }
0x1b8: {  	_ =	swait.ge [sflag:s7], $0x1000  }
0x1b9: {  	[sflag:s7] =	ssyncset.done $0x0  }
0x1ba: {  	[sflag:s7] =	ssyncadd.s32 $0xFFFFF000  }
0x1bb: {  	_ =	swait.ge [sflag:s7], $0x1000  }
0x1bc: {  	[sflag:s7] =	ssyncset.done $0x0  }
0x1bd: {  	[sflag:s7] =	ssyncadd.s32 $0xFFFFF000  }
0x1be: {  	_ =	swait.ge [sflag:s7], $0x1000  }
0x1bf: {  	[sflag:s7] =	ssyncset.done $0x0  }
0x1c0: {  	[sflag:s7] =	ssyncadd.s32 $0xFFFFF000  }
0x1c1: {  	_ =	swait.ge [sflag:s7], $0x1000  }
0x1c2: {  	[sflag:s7] =	ssyncset.done $0x0  }
0x1c3: {  	[sflag:s7] =	ssyncadd.s32 $0xFFFFF000  }
0x1c4: {  	_ =	swait.ge [sflag:s7], $0x1000  }
0x1c5: {  	[sflag:s7] =	ssyncset.done $0x0  }
0x1c6: {  	[sflag:s7] =	ssyncadd.s32 $0xFFFFF000  }
0x1c7: {  	_ =	swait.ge [sflag:s7], $0x1000  }
0x1c8: {  	[sflag:s7] =	ssyncset.done $0x0  }
0x1c9: {  	[sflag:s7] =	ssyncadd.s32 $0xFFFFF000  }
0x1ca: {  	_ =	swait.ge [sflag:s7], $0x1000  }
0x1cb: {  	[sflag:s7] =	ssyncset.done $0x0  }
0x1cc: {  	s1 =	rddreg [dreg:$0x4];
	[sflag:s7] =	ssyncadd.s32 $0xFFFFF000  }
0x1cd: {  	[hbm4b:s1+s2] =	stream.linear.scatter [tilespmem:s4], [sflag:$0x2], $0x10000, $0x38;
	[tilespmem:$0x11000] =	vst v63  }
0x1ce: {  	_ =	swait.ge [sflag:s3], $0x10000  }
0x1cf: {  	[sflag:s3] =	ssyncset.done $0x0  }
0x1d0: {  	s0 =	rddreg [dreg:$0x14];
	[sflag:s3] =	ssyncadd.s32 $0xFFFF0000  }
0x1d1: {  	[tilespmem:s4], [sflag:$0x1] =	stream.indirect.gather [hbm4b:s5+s6], $0x20, s0, s6, $0xb8;
	[tilespmem:$0x11000] =	vst v63  }
0x1d2: {  	s1 =	rddreg [dreg:$0x15]  }
0x1d3: {  	[tilespmem:s8], [sflag:$0x1] =	stream.indirect.gather [hbm4b:s5+s6], $0x20, s1, s6, $0xb8;
	[tilespmem:$0x11000] =	vst v63  }
0x1d4: {  	s0 =	rddreg [dreg:$0x16]  }
0x1d5: {  	[tilespmem:s9], [sflag:$0x1] =	stream.indirect.gather [hbm4b:s5+s6], $0x20, s0, s6, $0xb8;
	[tilespmem:$0x11000] =	vst v63  }
0x1d6: {  	s8 =	rddreg [dreg:$0x17]  }
0x1d7: {  	[tilespmem:s10], [sflag:$0x1] =	stream.indirect.gather [hbm4b:s5+s6], $0x20, s8, s6, $0xb8;
	[tilespmem:$0x11000] =	vst v63  }
0x1d8: {  	s9 =	rddreg [dreg:$0x18]  }
0x1d9: {  	[tilespmem:s11], [sflag:$0x1] =	stream.indirect.gather [hbm4b:s5+s6], $0x20, s9, s6, $0xb8;
	[tilespmem:$0x11000] =	vst v63  }
0x1da: {  	s10 =	rddreg [dreg:$0x19]  }
0x1db: {  	[tilespmem:s12], [sflag:$0x1] =	stream.indirect.gather [hbm4b:s5+s6], $0x20, s10, s6, $0xb8;
	[tilespmem:$0x11000] =	vst v63  }
0x1dc: {  	s11 =	rddreg [dreg:$0x1a]  }
0x1dd: {  	[tilespmem:s13], [sflag:$0x1] =	stream.indirect.gather [hbm4b:s5+s6], $0x20, s11, s6, $0xb8;
	[tilespmem:$0x11000] =	vst v63  }
0x1de: {  	s12 =	rddreg [dreg:$0x1b]  }
0x1df: {  	[tilespmem:s14], [sflag:$0x1] =	stream.indirect.gather [hbm4b:s5+s6], $0x20, s12, s6, $0xb8;
	[tilespmem:$0x11000] =	vst v63  }
0x1e0: {  	_ = 	snop  }
0x1e1: {  	[tilespmem:s15], [sflag:$0x1] =	stream.indirect.gather [hbm4b:s5+s6], $0x20, s24, s6, $0xb8;
	[tilespmem:$0x11000] =	vst v63  }
0x1e2: {  	_ = 	snop  }
0x1e3: {  	[tilespmem:s16], [sflag:$0x1] =	stream.indirect.gather [hbm4b:s5+s6], $0x20, s25, s6, $0xb8;
	[tilespmem:$0x11000] =	vst v63  }
0x1e4: {  	_ = 	snop  }
0x1e5: {  	[tilespmem:s17], [sflag:$0x1] =	stream.indirect.gather [hbm4b:s5+s6], $0x20, s26, s6, $0xb8;
	[tilespmem:$0x11000] =	vst v63  }
0x1e6: {  	_ = 	snop  }
0x1e7: {  	[tilespmem:s18], [sflag:$0x1] =	stream.indirect.gather [hbm4b:s5+s6], $0x20, s28, s6, $0xb8;
	[tilespmem:$0x11000] =	vst v63  }
0x1e8: {  	_ = 	snop  }
0x1e9: {  	[tilespmem:s19], [sflag:$0x1] =	stream.indirect.gather [hbm4b:s5+s6], $0x20, s29, s6, $0xb8;
	[tilespmem:$0x11000] =	vst v63  }
0x1ea: {  	_ = 	snop  }
0x1eb: {  	[tilespmem:s20], [sflag:$0x1] =	stream.indirect.gather [hbm4b:s5+s6], $0x20, s30, s6, $0xb8;
	[tilespmem:$0x11000] =	vst v63  }
0x1ec: {  	_ = 	snop  }
0x1ed: {  	[tilespmem:s21], [sflag:$0x1] =	stream.indirect.gather [hbm4b:s5+s6], $0x20, s31, s6, $0xb8;
	[tilespmem:$0x11000] =	vst v63  }
0x1ee: {  	_ = 	snop  }
0x1ef: {  	[tilespmem:s22], [sflag:$0x1] =	stream.indirect.gather [hbm4b:s5+s6], $0x20, s23, s6, $0xb8;
	[tilespmem:$0x11000] =	vst v63  }
0x1f0: {  	_ =	swait.ge [sflag:s7], $0x1000  }
0x1f1: {  	[sflag:s7] =	ssyncset.done $0x0  }
0x1f2: {  	[sflag:s7] =	ssyncadd.s32 $0xFFFFF000  }
0x1f3: {  	_ =	swait.ge [sflag:s7], $0x1000  }
0x1f4: {  	[sflag:s7] =	ssyncset.done $0x0  }
0x1f5: {  	[sflag:s7] =	ssyncadd.s32 $0xFFFFF000  }
0x1f6: {  	_ =	swait.ge [sflag:s7], $0x1000  }
0x1f7: {  	[sflag:s7] =	ssyncset.done $0x0  }
0x1f8: {  	[sflag:s7] =	ssyncadd.s32 $0xFFFFF000  }
0x1f9: {  	_ =	swait.ge [sflag:s7], $0x1000  }
0x1fa: {  	[sflag:s7] =	ssyncset.done $0x0  }
0x1fb: {  	[sflag:s7] =	ssyncadd.s32 $0xFFFFF000  }
0x1fc: {  	_ =	swait.ge [sflag:s7], $0x1000  }
0x1fd: {  	[sflag:s7] =	ssyncset.done $0x0  }
0x1fe: {  	[sflag:s7] =	ssyncadd.s32 $0xFFFFF000  }
0x1ff: {  	_ =	swait.ge [sflag:s7], $0x1000  }
0x200: {  	[sflag:s7] =	ssyncset.done $0x0  }
0x201: {  	[sflag:s7] =	ssyncadd.s32 $0xFFFFF000  }
0x202: {  	_ =	swait.ge [sflag:s7], $0x1000  }
0x203: {  	[sflag:s7] =	ssyncset.done $0x0  }
0x204: {  	[sflag:s7] =	ssyncadd.s32 $0xFFFFF000  }
0x205: {  	_ =	swait.ge [sflag:s7], $0x1000  }
0x206: {  	[sflag:s7] =	ssyncset.done $0x0  }
0x207: {  	[sflag:s7] =	ssyncadd.s32 $0xFFFFF000  }
0x208: {  	_ =	swait.ge [sflag:s7], $0x1000  }
0x209: {  	[sflag:s7] =	ssyncset.done $0x0  }
0x20a: {  	[sflag:s7] =	ssyncadd.s32 $0xFFFFF000  }
0x20b: {  	_ =	swait.ge [sflag:s7], $0x1000  }
0x20c: {  	[sflag:s7] =	ssyncset.done $0x0  }
0x20d: {  	[sflag:s7] =	ssyncadd.s32 $0xFFFFF000  }
0x20e: {  	_ =	swait.ge [sflag:s7], $0x1000  }
0x20f: {  	[sflag:s7] =	ssyncset.done $0x0  }
0x210: {  	[sflag:s7] =	ssyncadd.s32 $0xFFFFF000  }
0x211: {  	_ =	swait.ge [sflag:s7], $0x1000  }
0x212: {  	[sflag:s7] =	ssyncset.done $0x0  }
0x213: {  	[sflag:s7] =	ssyncadd.s32 $0xFFFFF000  }
0x214: {  	_ =	swait.ge [sflag:s7], $0x1000  }
0x215: {  	[sflag:s7] =	ssyncset.done $0x0  }
0x216: {  	[sflag:s7] =	ssyncadd.s32 $0xFFFFF000  }
0x217: {  	_ =	swait.ge [sflag:s7], $0x1000  }
0x218: {  	[sflag:s7] =	ssyncset.done $0x0  }
0x219: {  	[sflag:s7] =	ssyncadd.s32 $0xFFFFF000  }
0x21a: {  	_ =	swait.ge [sflag:s7], $0x1000  }
0x21b: {  	[sflag:s7] =	ssyncset.done $0x0  }
0x21c: {  	[sflag:s7] =	ssyncadd.s32 $0xFFFFF000  }
0x21d: {  	_ =	swait.ge [sflag:s7], $0x1000  }
0x21e: {  	[sflag:s7] =	ssyncset.done $0x0  }
0x21f: {  	s30 =	rddreg [dreg:$0x5];
	[sflag:s7] =	ssyncadd.s32 $0xFFFFF000  }
0x220: {  	[hbm4b:s30+s2] =	stream.linear.scatter [tilespmem:s4], [sflag:$0x2], $0x10000, $0x38;
	[tilespmem:$0x11000] =	vst v63  }
0x221: {  	_ =	swait.ge [sflag:s3], $0x10000  }
0x222: {  	[sflag:s3] =	ssyncset.done $0x0  }
0x223: {  	[sflag:s3] =	ssyncadd.s32 $0xFFFF0000  }
0x224: {  	_ =	sfence.sel $0x180000  }
0x225: {  	[bflag:$0x0] =	sbarrier.arrive $0xFFFF  }
0x226: {  	_ =	strace $0x90000047  }
0x227: {  	s31 =	stileid.u32;
	[bflag:$0x2] =	sbarrier.arrive $0xFFFF  }
0x228: {  	p0 =	sne.s32 s31, $0x0;
	s0 =	rddreg [dreg:$0x2]  }
0x229: {  	s0 =	sadd.s32 @!p0 $0x100000, s0  }
0x22a: {  	[sflag:s0] =	ssyncadd.tile.s32 @!p0 $0x1;
	_ =	shalt  }
.LBB2_1:
.Ltmp3:
0x22b: {  	(pc) =	sbr.rel .LBB2_6-.Ltmp3, $4  }
0x22c: {  	_ = 	snop  }
0x22d: {  	s23 =	simm.s32 $0xF80;
	s31 =	simm.s32 $0xF00  }
0x22e: {  	s30 =	simm.s32 $0xE80;
	s29 =	simm.s32 $0xE00;
	s28 =	simm.s32 $0xD80  }
0x22f: {  	s26 =	simm.s32 $0xD00;
	s25 =	simm.s32 $0xC80;
	s24 =	simm.s32 $0xC00  }
.LBB2_3:
.Ltmp4:
0x230: {  	(pc) =	sbr.rel .LBB2_6-.Ltmp4, $4  }
0x231: {  	_ = 	snop  }
0x232: {  	s23 =	simm.s32 $0xF80;
	s31 =	simm.s32 $0xF00  }
0x233: {  	s30 =	simm.s32 $0xE80;
	s29 =	simm.s32 $0xE00;
	s28 =	simm.s32 $0xD80  }
0x234: {  	s26 =	simm.s32 $0xD00;
	s25 =	simm.s32 $0xC80;
	s24 =	simm.s32 $0xC00  }
.Lfunc_end2:
_tile_overlayer_lowered:
.L_overlay_start_2:
0x235: {  	(tag) =	ssettag $0x2  }
0x236: {  	s0 =	rddreg [dreg:$0x0];
	s2 =	stileid.u32  }
0x237: {  	s1 =	rddreg [dreg:$0x1];
	p0 =	sne.s32 s2, $0x0  }
0x238: {  	s3 =	rddreg [dreg:$0x2];
	[bflag:$0x3] =	sbarrier.arrive $0xFFFF;
	s2 =	simm.s32 @!p0 $0x1C02  }
0x239: {  	[timem:s3], [sflag:s2] =	dma.local @!p0 [hbm:s0], s1  }
0x23a: {  	s0 =	simm.s32 @!p0 $0x2  }
0x23b: {  	_ =	swait.ge @!p0 [sflag:s0], s1  }
0x23c: {  	s1 =	ssub.s32 @!p0 $0x0, s1;
	[sflag:s0] =	ssyncset.done @!p0 $0x0  }
0x23d: {  	[sflag:s0] =	ssyncadd.s32 @!p0 s1  }
0x23e: {  	[bflag:$0x3] =	sbarrier.arrive $0xFFFF  }
0x23f: {  	_ =	shalt  }

</sc_bundles>
